<compile_context>
chip_gen: v7x
topology: tpu7x:2x2x1
jax: 0.10.2.dev20260603
libtpu: 0.0.44.dev20260713+nightly
codegen_flags: <defaults>
</compile_context>

<pallas_src>
import functools

import jax
import jax.numpy as jnp
from jax import lax
from jax.experimental import pallas as pl
from jax.experimental.pallas import tpu as pltpu
from jax.experimental.pallas import tpu_sc as plsc

_LANES = 16


@functools.cache
def _build(V, D, Bt, H):
    try:
        info = plsc.get_sparse_core_info()
        NC, NS = info.num_cores, info.num_subcores
    except Exception:
        NC, NS = 2, 16
    NW = NC * NS
    HT = H // 8
    BT = Bt // 128
    DT = D // 8
    assert H % 8 == 0 and Bt % 128 == 0 and D % 8 == 0
    assert BT % NW == 0
    BW = BT // NW
    n_steps = H
    ROWS = BW * 128

    mesh = plsc.VectorSubcoreMesh(core_axis_name="c", subcore_axis_name="s")

    @functools.partial(
        pl.kernel,
        mesh=mesh,
        compiler_params=pltpu.CompilerParams(
            use_tc_tiling_on_sc=False, needs_layout_passes=False
        ),
        out_type=jax.ShapeDtypeStruct((H, DT, BT * 8, 128), jnp.float32),
        scratch_types=[
            pltpu.VMEM((2, BW, 8, 128), jnp.int32),
            pltpu.VMEM((2, ROWS, D), jnp.float32),
            pltpu.VMEM((2 * DT * BW * 8, 128), jnp.float32),
            pltpu.SemaphoreType.DMA,
            pltpu.SemaphoreType.DMA,
            pltpu.SemaphoreType.DMA,
        ],
    )
    def emb(table_hbm, idx_hbm, out_hbm, idx_v, src_v, dst_v,
            sem_idx, sem_g, sem_o):
        wid = lax.axis_index("s") * NC + lax.axis_index("c")
        bt0 = wid * BW

        def idx_start(ht, islot):
            pltpu.async_copy(
                idx_hbm.at[ht].at[pl.ds(bt0, BW)], idx_v.at[islot], sem_idx
            )

        def idx_wait(islot):
            pltpu.make_async_copy(
                idx_hbm.at[0].at[pl.ds(bt0, BW)], idx_v.at[islot], sem_idx
            ).wait()

        def fire_gathers(step, sslot):
            hs = step % 8
            islot = (step // 8) % 2
            for btj in range(BW):
                pltpu.async_copy(
                    table_hbm.at[idx_v.at[islot].at[btj].at[hs]],
                    src_v.at[sslot].at[pl.ds(btj * 128, 128)],
                    sem_g,
                )

        def drain_gathers(sslot):
            pltpu.make_async_copy(
                table_hbm.at[idx_v.at[0].at[0].at[0]],
                src_v.at[sslot],
                sem_g,
            ).wait()

        def store_start(h, dslot):
            for dt in range(DT):
                pltpu.async_copy(
                    dst_v.at[pl.ds((dslot * DT + dt) * BW * 8, BW * 8)],
                    out_hbm.at[h].at[dt].at[pl.ds(bt0 * 8, BW * 8)],
                    sem_o,
                )

        def store_wait(dslot):
            pltpu.make_async_copy(
                dst_v.at[pl.ds(dslot * DT * BW * 8, DT * BW * 8)],
                out_hbm.at[0].at[0].at[pl.ds(0, DT * BW * 8)],
                sem_o,
            ).wait()

        lane = jnp.arange(_LANES, dtype=jnp.int32)
        r_const = (lane // 8) * (BW * 8) + (lane % 8)

        def transpose(b):
            src = src_v.at[b]

            @plsc.parallel_loop(0, ROWS, unroll=16)
            def _(i):
                btj = i // 128
                rloc = i - btj * 128
                bl_vec = jnp.zeros((_LANES,), jnp.int32) + rloc
                for half in range(2):
                    vec = src[i, pl.ds(half * _LANES, _LANES)]
                    row_vec = r_const + (
                        (b * DT + half * 2) * (BW * 8) + btj * 8
                    )
                    plsc.store_scatter(dst_v, [row_vec, bl_vec], vec)

        idx_start(0, 0)
        idx_wait(0)
        fire_gathers(0, 0)

        def outer(o, _):
            for b in range(2):
                step = o * 2 + b

                @pl.when(jnp.logical_and(step % 8 == 0, step + 8 < n_steps))
                def _():
                    idx_start(step // 8 + 1, (step // 8 + 1) % 2)

                drain_gathers(b)

                @pl.when(step + 1 < n_steps)
                def _():
                    @pl.when((step + 1) % 8 == 0)
                    def _():
                        idx_wait(((step + 1) // 8) % 2)

                    fire_gathers(step + 1, 1 - b)

                @pl.when(step >= 2)
                def _():
                    store_wait(b)

                transpose(b)
                store_start(step, b)
            return 0

        lax.fori_loop(0, n_steps // 2, outer, 0)
        for b in range(2):
            store_wait(b)

    return emb


def kernel(y, E):
    Bt, H = y.shape
    V, D = E.shape
    HT, BT, DT = H // 8, Bt // 128, D // 8
    y4 = y.T.reshape(HT, 8, BT, 128).transpose(0, 2, 1, 3)
    o4 = _build(V, D, Bt, H)(E, y4)
    o5 = o4.reshape(H, DT, BT, 8, 128)
    return o5.transpose(2, 4, 0, 1, 3).reshape(Bt, H, D)

# --- scband reference (transcript-rebuilt; emitter-appended) ---
"""Pipeline reference for scband-sequence-embedding-layer-50354196578427 (READ-ONLY COPY).

The authoritative reference and input builder live on the scoring server;
editing this copy changes nothing except your own understanding.
"""

import jax, jax.numpy as jnp
import numpy as np

VOCAB = 1000000
DIM_E = 32
BATCH = 16384
HIST = 200

def setup_inputs(seed: int = 0) -> dict:
    key = jax.random.key(seed)
    k_idx, k_emb = jax.random.split(key)
    y = jax.random.randint(k_idx, (BATCH, HIST), 0, VOCAB, dtype=jnp.int32)
    # Embedding table parameter, matching nn.Embedding(in_vocab, dim_E) default init N(0,1)
    E = jax.random.normal(k_emb, (VOCAB, DIM_E), dtype=jnp.float32)
    return {"y": y, "E": E}

def reference(y, E):
    # Faithful translation of SequenceEmbeddingLayer.forward: y = self.E(y)
    return jnp.take(E, y, axis=0)

if __name__ == "__main__":
    import jax
    _d = setup_inputs()
    print(jax.jit(kernel)(*tuple(_d.values())))

</pallas_src>

<mosaic_0001>
#map = affine_map<(d0, d1) -> (0, 0)>
#map1 = affine_map<(d0, d1) -> (0, 0, 0, 0)>
module attributes {stable_mosaic.version = 14 : i64} {
  func.func @emb(%arg0: i32, %arg1: i32, %arg2: memref<1000000x32xf32, #tpu.memory_space<hbm>>, %arg3: memref<25x128x8x128xi32, #tpu.memory_space<hbm>>, %arg4: memref<200x4x1024x128xf32, #tpu.memory_space<hbm>>, %arg5: memref<2x4x8x128xi32, #tpu.memory_space<vmem>>, %arg6: memref<2x512x32xf32, #tpu.memory_space<vmem>>, %arg7: memref<256x128xf32, #tpu.memory_space<vmem>>, %arg8: memref<!tpu.dma_semaphore, #tpu.memory_space<semaphore_mem>>, %arg9: memref<!tpu.dma_semaphore, #tpu.memory_space<semaphore_mem>>, %arg10: memref<!tpu.dma_semaphore, #tpu.memory_space<semaphore_mem>>) attributes {dimension_semantics = [#tpu.dimension_semantics<core_parallel>, #tpu.dimension_semantics<subcore_parallel>], iteration_bounds = array<i64: 2, 16>, scalar_prefetch = 0 : i64, scratch_operands = 6 : i64, tpu.core_type = #tpu.core_type<sc_vector_subcore>, window_params = [{transform_indices = #map}, {transform_indices = #map1}, {transform_indices = #map1}]} {
    %mul3A = arith.constant 2 : i32
    %mul3A_0 = arith.muli %arg1, %mul3A : i32
    %add3A = arith.addi %mul3A_0, %arg0 : i32
    %mul3A_1 = arith.constant 4 : i32
    %mul3A_2 = arith.muli %add3A, %mul3A_1 : i32
    %iota3A = tpu.iota {dimensions = array<i32: 0>} : vector<16xi32>
    %jit3A = arith.constant 8 : i32
    %div3A = vector.broadcast %jit3A : i32 to vector<16xi32>
    %div3A_3 = arith.divsi %iota3A, %div3A : vector<16xi32>
    %sign3A = arith.constant 0 : i32
    %sign3A_4 = vector.broadcast %sign3A : i32 to vector<16xi32>
    %sign3A_5 = arith.cmpi sgt, %iota3A, %sign3A_4 : vector<16xi32>
    %sign3A_6 = arith.extui %sign3A_5 : vector<16xi1> to vector<16xi32>
    %sign3A_7 = arith.constant 0 : i32
    %sign3A_8 = vector.broadcast %sign3A_7 : i32 to vector<16xi32>
    %sign3A_9 = arith.cmpi slt, %iota3A, %sign3A_8 : vector<16xi32>
    %sign3A_10 = arith.extui %sign3A_9 : vector<16xi1> to vector<16xi32>
    %sign3A_11 = arith.subi %sign3A_6, %sign3A_10 : vector<16xi32>
    %sign3A_12 = arith.constant 0 : i32
    %sign3A_13 = arith.cmpi sgt, %jit3A, %sign3A_12 : i32
    %sign3A_14 = arith.extui %sign3A_13 : i1 to i32
    %sign3A_15 = arith.constant 0 : i32
    %sign3A_16 = arith.cmpi slt, %jit3A, %sign3A_15 : i32
    %sign3A_17 = arith.extui %sign3A_16 : i1 to i32
    %sign3A_18 = arith.subi %sign3A_14, %sign3A_17 : i32
    %ne3A = vector.broadcast %sign3A_18 : i32 to vector<16xi32>
    %ne3A_19 = arith.cmpi ne, %sign3A_11, %ne3A : vector<16xi32>
    %rem3A = vector.broadcast %jit3A : i32 to vector<16xi32>
    %rem3A_20 = arith.remsi %iota3A, %rem3A : vector<16xi32>
    %ne3A_21 = arith.constant 0 : i32
    %ne3A_22 = vector.broadcast %ne3A_21 : i32 to vector<16xi32>
    %ne3A_23 = arith.cmpi ne, %rem3A_20, %ne3A_22 : vector<16xi32>
    %and3A = arith.andi %ne3A_19, %ne3A_23 : vector<16xi1>
    %sub3A = arith.constant 1 : i32
    %sub3A_24 = vector.broadcast %sub3A : i32 to vector<16xi32>
    %sub3A_25 = arith.subi %div3A_3, %sub3A_24 : vector<16xi32>
    %select_n3A = arith.select %and3A, %sub3A_25, %div3A_3 : vector<16xi1>, vector<16xi32>
    %mul3A_26 = arith.constant 32 : i32
    %mul3A_27 = vector.broadcast %mul3A_26 : i32 to vector<16xi32>
    %mul3A_28 = arith.muli %select_n3A, %mul3A_27 : vector<16xi32>
    %jit3A_29 = arith.constant 8 : i32
    %eq3A = arith.constant 0 : i32
    %eq3A_30 = arith.cmpi eq, %jit3A_29, %eq3A : i32
    %jit3A_31 = arith.constant 1 : i32
    %select_n3A_32 = arith.select %eq3A_30, %jit3A_31, %jit3A_29 : i32
    %rem3A_33 = vector.broadcast %select_n3A_32 : i32 to vector<16xi32>
    %rem3A_34 = arith.remsi %iota3A, %rem3A_33 : vector<16xi32>
    %ne3A_35 = arith.constant 0 : i32
    %ne3A_36 = vector.broadcast %ne3A_35 : i32 to vector<16xi32>
    %ne3A_37 = arith.cmpi ne, %rem3A_34, %ne3A_36 : vector<16xi32>
    %lt3A = arith.constant 0 : i32
    %lt3A_38 = vector.broadcast %lt3A : i32 to vector<16xi32>
    %lt3A_39 = arith.cmpi slt, %rem3A_34, %lt3A_38 : vector<16xi32>
    %lt3A_40 = arith.constant 0 : i32
    %lt3A_41 = arith.cmpi slt, %select_n3A_32, %lt3A_40 : i32
    %ne3A_42 = vector.broadcast %lt3A_41 : i1 to vector<16xi1>
    %ne3A_43 = vector.broadcast %ne3A_42 : vector<16xi1> to vector<16xi1>
    %ne3A_44 = arith.xori %lt3A_39, %ne3A_43 : vector<16xi1>
    %and3A_45 = arith.andi %ne3A_44, %ne3A_37 : vector<16xi1>
    %add3A_46 = vector.broadcast %select_n3A_32 : i32 to vector<16xi32>
    %add3A_47 = arith.addi %rem3A_34, %add3A_46 : vector<16xi32>
    %select_n3A_48 = arith.select %and3A_45, %add3A_47, %rem3A_34 : vector<16xi1>, vector<16xi32>
    %add3A_49 = arith.addi %mul3A_28, %select_n3A_48 : vector<16xi32>
    %dma_start3A = arith.constant 0 : i32
    %dma_start3A_50 = arith.constant 0 : i32
    %dma_start3A_51 = arith.constant 0 : i32
    %dma_start3A_52 = arith.constant 0 : i32
    %dma_start3A_53 = arith.constant 0 : i32
    %dma_start3A_54 = tpu.memref_slice %arg5[%dma_start3A_50, %dma_start3A_51, %dma_start3A_52, %dma_start3A_53] : memref<2x4x8x128xi32, #tpu.memory_space<vmem>> -> memref<1x4x8x128xi32, #tpu.memory_space<vmem>>
    %dma_start3A_55 = tpu.memref_squeeze %dma_start3A_54 : memref<1x4x8x128xi32, #tpu.memory_space<vmem>> -> memref<4x8x128xi32, #tpu.memory_space<vmem>>
    %dma_start3A_56 = arith.constant 0 : i32
    %dma_start3A_57 = arith.constant 0 : i32
    %dma_start3A_58 = arith.constant 0 : i32
    %dma_start3A_59 = tpu.memref_slice %arg3[%dma_start3A, %dma_start3A_56, %dma_start3A_57, %dma_start3A_58] : memref<25x128x8x128xi32, #tpu.memory_space<hbm>> -> memref<1x128x8x128xi32, #tpu.memory_space<hbm>>
    %dma_start3A_60 = tpu.memref_squeeze %dma_start3A_59 : memref<1x128x8x128xi32, #tpu.memory_space<hbm>> -> memref<128x8x128xi32, #tpu.memory_space<hbm>>
    %dma_start3A_61 = arith.constant 0 : i32
    %dma_start3A_62 = arith.constant 0 : i32
    %dma_start3A_63 = tpu.memref_slice %dma_start3A_60[%mul3A_2, %dma_start3A_61, %dma_start3A_62] : memref<128x8x128xi32, #tpu.memory_space<hbm>> -> memref<4x8x128xi32, #tpu.memory_space<hbm>>
    %dma_start3A_64 = arith.constant 0 : i32
    %dma_start3A_65 = arith.constant 0 : i32
    %dma_start3A_66 = arith.constant 0 : i32
    %dma_start3A_67 = tpu.memref_slice %arg5[%dma_start3A_50, %dma_start3A_64, %dma_start3A_65, %dma_start3A_66] : memref<2x4x8x128xi32, #tpu.memory_space<vmem>> -> memref<1x4x8x128xi32, #tpu.memory_space<vmem>>
    %dma_start3A_68 = tpu.memref_squeeze %dma_start3A_67 : memref<1x4x8x128xi32, #tpu.memory_space<vmem>> -> memref<4x8x128xi32, #tpu.memory_space<vmem>>
    %dma_start3A_69 = arith.constant 0 : i32
    %dma_start3A_70 = arith.constant 0 : i32
    %dma_start3A_71 = arith.constant 0 : i32
    %dma_start3A_72 = tpu.memref_slice %arg3[%dma_start3A, %dma_start3A_69, %dma_start3A_70, %dma_start3A_71] : memref<25x128x8x128xi32, #tpu.memory_space<hbm>> -> memref<1x128x8x128xi32, #tpu.memory_space<hbm>>
    %dma_start3A_73 = tpu.memref_squeeze %dma_start3A_72 : memref<1x128x8x128xi32, #tpu.memory_space<hbm>> -> memref<128x8x128xi32, #tpu.memory_space<hbm>>
    %dma_start3A_74 = arith.constant 0 : i32
    %dma_start3A_75 = arith.constant 0 : i32
    %dma_start3A_76 = tpu.memref_slice %dma_start3A_73[%mul3A_2, %dma_start3A_74, %dma_start3A_75] : memref<128x8x128xi32, #tpu.memory_space<hbm>> -> memref<4x8x128xi32, #tpu.memory_space<hbm>>
    tpu.enqueue_dma source(%dma_start3A_76 : memref<4x8x128xi32, #tpu.memory_space<hbm>>) target(%dma_start3A_68 : memref<4x8x128xi32, #tpu.memory_space<vmem>>) target_semaphore(%arg8 : memref<!tpu.dma_semaphore, #tpu.memory_space<semaphore_mem>>)
    %dma_wait3A = arith.constant 0 : i32
    %dma_wait3A_77 = arith.constant 0 : i32
    %dma_wait3A_78 = arith.constant 0 : i32
    %dma_wait3A_79 = arith.constant 0 : i32
    %dma_wait3A_80 = arith.constant 0 : i32
    %dma_wait3A_81 = tpu.memref_slice %arg5[%dma_wait3A_77, %dma_wait3A_78, %dma_wait3A_79, %dma_wait3A_80] : memref<2x4x8x128xi32, #tpu.memory_space<vmem>> -> memref<1x4x8x128xi32, #tpu.memory_space<vmem>>
    %dma_wait3A_82 = tpu.memref_squeeze %dma_wait3A_81 : memref<1x4x8x128xi32, #tpu.memory_space<vmem>> -> memref<4x8x128xi32, #tpu.memory_space<vmem>>
    %dma_wait3A_83 = arith.constant 0 : i32
    %dma_wait3A_84 = arith.constant 0 : i32
    %dma_wait3A_85 = arith.constant 0 : i32
    %dma_wait3A_86 = tpu.memref_slice %arg3[%dma_wait3A, %dma_wait3A_83, %dma_wait3A_84, %dma_wait3A_85] : memref<25x128x8x128xi32, #tpu.memory_space<hbm>> -> memref<1x128x8x128xi32, #tpu.memory_space<hbm>>
    %dma_wait3A_87 = tpu.memref_squeeze %dma_wait3A_86 : memref<1x128x8x128xi32, #tpu.memory_space<hbm>> -> memref<128x8x128xi32, #tpu.memory_space<hbm>>
    %dma_wait3A_88 = arith.constant 0 : i32
    %dma_wait3A_89 = arith.constant 0 : i32
    %dma_wait3A_90 = tpu.memref_slice %dma_wait3A_87[%mul3A_2, %dma_wait3A_88, %dma_wait3A_89] : memref<128x8x128xi32, #tpu.memory_space<hbm>> -> memref<4x8x128xi32, #tpu.memory_space<hbm>>
    %dma_wait3A_91 = arith.constant 0 : i32
    %dma_wait3A_92 = arith.constant 0 : i32
    %dma_wait3A_93 = arith.constant 0 : i32
    %dma_wait3A_94 = tpu.memref_slice %arg5[%dma_wait3A_77, %dma_wait3A_91, %dma_wait3A_92, %dma_wait3A_93] : memref<2x4x8x128xi32, #tpu.memory_space<vmem>> -> memref<1x4x8x128xi32, #tpu.memory_space<vmem>>
    %dma_wait3A_95 = tpu.memref_squeeze %dma_wait3A_94 : memref<1x4x8x128xi32, #tpu.memory_space<vmem>> -> memref<4x8x128xi32, #tpu.memory_space<vmem>>
    %dma_wait3A_96 = arith.constant 0 : i32
    %dma_wait3A_97 = arith.constant 0 : i32
    %dma_wait3A_98 = arith.constant 0 : i32
    %dma_wait3A_99 = tpu.memref_slice %arg3[%dma_wait3A, %dma_wait3A_96, %dma_wait3A_97, %dma_wait3A_98] : memref<25x128x8x128xi32, #tpu.memory_space<hbm>> -> memref<1x128x8x128xi32, #tpu.memory_space<hbm>>
    %dma_wait3A_100 = tpu.memref_squeeze %dma_wait3A_99 : memref<1x128x8x128xi32, #tpu.memory_space<hbm>> -> memref<128x8x128xi32, #tpu.memory_space<hbm>>
    %dma_wait3A_101 = arith.constant 0 : i32
    %dma_wait3A_102 = arith.constant 0 : i32
    %dma_wait3A_103 = tpu.memref_slice %dma_wait3A_100[%mul3A_2, %dma_wait3A_101, %dma_wait3A_102] : memref<128x8x128xi32, #tpu.memory_space<hbm>> -> memref<4x8x128xi32, #tpu.memory_space<hbm>>
    tpu.wait_dma2 semaphore(%arg8 : memref<!tpu.dma_semaphore, #tpu.memory_space<semaphore_mem>>) src(%dma_wait3A_103 : memref<4x8x128xi32, #tpu.memory_space<hbm>>) dst(%dma_wait3A_95 : memref<4x8x128xi32, #tpu.memory_space<vmem>>)
    %dma_start3A_104 = arith.constant 0 : i32
    %dma_start3A_105 = arith.constant 0 : i32
    %dma_start3A_106 = arith.constant 0 : i32
    %dma_start3A_107 = arith.constant 0 : i32
    %dma_start3A_108 = arith.constant 0 : i32
    %dma_start3A_109 = arith.constant 0 : i32
    %dma_start3A_110 = tpu.memref_slice %arg6[%dma_start3A_107, %dma_start3A_108, %dma_start3A_109] : memref<2x512x32xf32, #tpu.memory_space<vmem>> -> memref<1x512x32xf32, #tpu.memory_space<vmem>>
    %dma_start3A_111 = tpu.memref_squeeze %dma_start3A_110 : memref<1x512x32xf32, #tpu.memory_space<vmem>> -> memref<512x32xf32, #tpu.memory_space<vmem>>
    %dma_start3A_112 = arith.constant 0 : i32
    %dma_start3A_113 = arith.constant 0 : i32
    %dma_start3A_114 = tpu.memref_slice %dma_start3A_111[%dma_start3A_112, %dma_start3A_113] : memref<512x32xf32, #tpu.memory_space<vmem>> -> memref<128x32xf32, #tpu.memory_space<vmem>>
    %dma_start3A_115 = arith.constant 0 : i32
    %dma_start3A_116 = arith.constant 0 : i32
    %dma_start3A_117 = arith.constant 0 : i32
    %dma_start3A_118 = tpu.memref_slice %arg5[%dma_start3A_104, %dma_start3A_115, %dma_start3A_116, %dma_start3A_117] : memref<2x4x8x128xi32, #tpu.memory_space<vmem>> -> memref<1x4x8x128xi32, #tpu.memory_space<vmem>>
    %dma_start3A_119 = tpu.memref_squeeze %dma_start3A_118 : memref<1x4x8x128xi32, #tpu.memory_space<vmem>> -> memref<4x8x128xi32, #tpu.memory_space<vmem>>
    %dma_start3A_120 = arith.constant 0 : i32
    %dma_start3A_121 = arith.constant 0 : i32
    %dma_start3A_122 = tpu.memref_slice %dma_start3A_119[%dma_start3A_105, %dma_start3A_120, %dma_start3A_121] : memref<4x8x128xi32, #tpu.memory_space<vmem>> -> memref<1x8x128xi32, #tpu.memory_space<vmem>>
    %dma_start3A_123 = tpu.memref_squeeze %dma_start3A_122 : memref<1x8x128xi32, #tpu.memory_space<vmem>> -> memref<8x128xi32, #tpu.memory_space<vmem>>
    %dma_start3A_124 = arith.constant 0 : i32
    %dma_start3A_125 = tpu.memref_slice %dma_start3A_123[%dma_start3A_106, %dma_start3A_124] : memref<8x128xi32, #tpu.memory_space<vmem>> -> memref<1x128xi32, #tpu.memory_space<vmem>>
    %dma_start3A_126 = tpu.memref_squeeze %dma_start3A_125 : memref<1x128xi32, #tpu.memory_space<vmem>> -> memref<128xi32, #tpu.memory_space<vmem>>
    %dma_start3A_127 = arith.constant 0 : i32
    %dma_start3A_128 = arith.constant 0 : i32
    %dma_start3A_129 = tpu.memref_slice %arg2[%dma_start3A_127, %dma_start3A_128] : memref<1000000x32xf32, #tpu.memory_space<hbm>> -> memref<1000000x32xf32, #tpu.memory_space<hbm>>
    tpu.enqueue_indirect_dma source(%dma_start3A_129 : memref<1000000x32xf32, #tpu.memory_space<hbm>>) target(%dma_start3A_114 : memref<128x32xf32, #tpu.memory_space<vmem>>) offsets(%dma_start3A_126 : memref<128xi32, #tpu.memory_space<vmem>>) semaphore(%arg9 : memref<!tpu.dma_semaphore, #tpu.memory_space<semaphore_mem>>)
    %dma_start3A_130 = arith.constant 0 : i32
    %dma_start3A_131 = arith.constant 1 : i32
    %dma_start3A_132 = arith.constant 0 : i32
    %dma_start3A_133 = arith.constant 0 : i32
    %dma_start3A_134 = arith.constant 0 : i32
    %dma_start3A_135 = arith.constant 0 : i32
    %dma_start3A_136 = tpu.memref_slice %arg6[%dma_start3A_133, %dma_start3A_134, %dma_start3A_135] : memref<2x512x32xf32, #tpu.memory_space<vmem>> -> memref<1x512x32xf32, #tpu.memory_space<vmem>>
    %dma_start3A_137 = tpu.memref_squeeze %dma_start3A_136 : memref<1x512x32xf32, #tpu.memory_space<vmem>> -> memref<512x32xf32, #tpu.memory_space<vmem>>
    %dma_start3A_138 = arith.constant 128 : i32
    %dma_start3A_139 = arith.constant 0 : i32
    %dma_start3A_140 = tpu.memref_slice %dma_start3A_137[%dma_start3A_138, %dma_start3A_139] : memref<512x32xf32, #tpu.memory_space<vmem>> -> memref<128x32xf32, #tpu.memory_space<vmem>>
    %dma_start3A_141 = arith.constant 0 : i32
    %dma_start3A_142 = arith.constant 0 : i32
    %dma_start3A_143 = arith.constant 0 : i32
    %dma_start3A_144 = tpu.memref_slice %arg5[%dma_start3A_130, %dma_start3A_141, %dma_start3A_142, %dma_start3A_143] : memref<2x4x8x128xi32, #tpu.memory_space<vmem>> -> memref<1x4x8x128xi32, #tpu.memory_space<vmem>>
    %dma_start3A_145 = tpu.memref_squeeze %dma_start3A_144 : memref<1x4x8x128xi32, #tpu.memory_space<vmem>> -> memref<4x8x128xi32, #tpu.memory_space<vmem>>
    %dma_start3A_146 = arith.constant 0 : i32
    %dma_start3A_147 = arith.constant 0 : i32
    %dma_start3A_148 = tpu.memref_slice %dma_start3A_145[%dma_start3A_131, %dma_start3A_146, %dma_start3A_147] : memref<4x8x128xi32, #tpu.memory_space<vmem>> -> memref<1x8x128xi32, #tpu.memory_space<vmem>>
    %dma_start3A_149 = tpu.memref_squeeze %dma_start3A_148 : memref<1x8x128xi32, #tpu.memory_space<vmem>> -> memref<8x128xi32, #tpu.memory_space<vmem>>
    %dma_start3A_150 = arith.constant 0 : i32
    %dma_start3A_151 = tpu.memref_slice %dma_start3A_149[%dma_start3A_132, %dma_start3A_150] : memref<8x128xi32, #tpu.memory_space<vmem>> -> memref<1x128xi32, #tpu.memory_space<vmem>>
    %dma_start3A_152 = tpu.memref_squeeze %dma_start3A_151 : memref<1x128xi32, #tpu.memory_space<vmem>> -> memref<128xi32, #tpu.memory_space<vmem>>
    %dma_start3A_153 = arith.constant 0 : i32
    %dma_start3A_154 = arith.constant 0 : i32
    %dma_start3A_155 = tpu.memref_slice %arg2[%dma_start3A_153, %dma_start3A_154] : memref<1000000x32xf32, #tpu.memory_space<hbm>> -> memref<1000000x32xf32, #tpu.memory_space<hbm>>
    tpu.enqueue_indirect_dma source(%dma_start3A_155 : memref<1000000x32xf32, #tpu.memory_space<hbm>>) target(%dma_start3A_140 : memref<128x32xf32, #tpu.memory_space<vmem>>) offsets(%dma_start3A_152 : memref<128xi32, #tpu.memory_space<vmem>>) semaphore(%arg9 : memref<!tpu.dma_semaphore, #tpu.memory_space<semaphore_mem>>)
    %dma_start3A_156 = arith.constant 0 : i32
    %dma_start3A_157 = arith.constant 2 : i32
    %dma_start3A_158 = arith.constant 0 : i32
    %dma_start3A_159 = arith.constant 0 : i32
    %dma_start3A_160 = arith.constant 0 : i32
    %dma_start3A_161 = arith.constant 0 : i32
    %dma_start3A_162 = tpu.memref_slice %arg6[%dma_start3A_159, %dma_start3A_160, %dma_start3A_161] : memref<2x512x32xf32, #tpu.memory_space<vmem>> -> memref<1x512x32xf32, #tpu.memory_space<vmem>>
    %dma_start3A_163 = tpu.memref_squeeze %dma_start3A_162 : memref<1x512x32xf32, #tpu.memory_space<vmem>> -> memref<512x32xf32, #tpu.memory_space<vmem>>
    %dma_start3A_164 = arith.constant 256 : i32
    %dma_start3A_165 = arith.constant 0 : i32
    %dma_start3A_166 = tpu.memref_slice %dma_start3A_163[%dma_start3A_164, %dma_start3A_165] : memref<512x32xf32, #tpu.memory_space<vmem>> -> memref<128x32xf32, #tpu.memory_space<vmem>>
    %dma_start3A_167 = arith.constant 0 : i32
    %dma_start3A_168 = arith.constant 0 : i32
    %dma_start3A_169 = arith.constant 0 : i32
    %dma_start3A_170 = tpu.memref_slice %arg5[%dma_start3A_156, %dma_start3A_167, %dma_start3A_168, %dma_start3A_169] : memref<2x4x8x128xi32, #tpu.memory_space<vmem>> -> memref<1x4x8x128xi32, #tpu.memory_space<vmem>>
    %dma_start3A_171 = tpu.memref_squeeze %dma_start3A_170 : memref<1x4x8x128xi32, #tpu.memory_space<vmem>> -> memref<4x8x128xi32, #tpu.memory_space<vmem>>
    %dma_start3A_172 = arith.constant 0 : i32
    %dma_start3A_173 = arith.constant 0 : i32
    %dma_start3A_174 = tpu.memref_slice %dma_start3A_171[%dma_start3A_157, %dma_start3A_172, %dma_start3A_173] : memref<4x8x128xi32, #tpu.memory_space<vmem>> -> memref<1x8x128xi32, #tpu.memory_space<vmem>>
    %dma_start3A_175 = tpu.memref_squeeze %dma_start3A_174 : memref<1x8x128xi32, #tpu.memory_space<vmem>> -> memref<8x128xi32, #tpu.memory_space<vmem>>
    %dma_start3A_176 = arith.constant 0 : i32
    %dma_start3A_177 = tpu.memref_slice %dma_start3A_175[%dma_start3A_158, %dma_start3A_176] : memref<8x128xi32, #tpu.memory_space<vmem>> -> memref<1x128xi32, #tpu.memory_space<vmem>>
    %dma_start3A_178 = tpu.memref_squeeze %dma_start3A_177 : memref<1x128xi32, #tpu.memory_space<vmem>> -> memref<128xi32, #tpu.memory_space<vmem>>
    %dma_start3A_179 = arith.constant 0 : i32
    %dma_start3A_180 = arith.constant 0 : i32
    %dma_start3A_181 = tpu.memref_slice %arg2[%dma_start3A_179, %dma_start3A_180] : memref<1000000x32xf32, #tpu.memory_space<hbm>> -> memref<1000000x32xf32, #tpu.memory_space<hbm>>
    tpu.enqueue_indirect_dma source(%dma_start3A_181 : memref<1000000x32xf32, #tpu.memory_space<hbm>>) target(%dma_start3A_166 : memref<128x32xf32, #tpu.memory_space<vmem>>) offsets(%dma_start3A_178 : memref<128xi32, #tpu.memory_space<vmem>>) semaphore(%arg9 : memref<!tpu.dma_semaphore, #tpu.memory_space<semaphore_mem>>)
    %dma_start3A_182 = arith.constant 0 : i32
    %dma_start3A_183 = arith.constant 3 : i32
    %dma_start3A_184 = arith.constant 0 : i32
    %dma_start3A_185 = arith.constant 0 : i32
    %dma_start3A_186 = arith.constant 0 : i32
    %dma_start3A_187 = arith.constant 0 : i32
    %dma_start3A_188 = tpu.memref_slice %arg6[%dma_start3A_185, %dma_start3A_186, %dma_start3A_187] : memref<2x512x32xf32, #tpu.memory_space<vmem>> -> memref<1x512x32xf32, #tpu.memory_space<vmem>>
    %dma_start3A_189 = tpu.memref_squeeze %dma_start3A_188 : memref<1x512x32xf32, #tpu.memory_space<vmem>> -> memref<512x32xf32, #tpu.memory_space<vmem>>
    %dma_start3A_190 = arith.constant 384 : i32
    %dma_start3A_191 = arith.constant 0 : i32
    %dma_start3A_192 = tpu.memref_slice %dma_start3A_189[%dma_start3A_190, %dma_start3A_191] : memref<512x32xf32, #tpu.memory_space<vmem>> -> memref<128x32xf32, #tpu.memory_space<vmem>>
    %dma_start3A_193 = arith.constant 0 : i32
    %dma_start3A_194 = arith.constant 0 : i32
    %dma_start3A_195 = arith.constant 0 : i32
    %dma_start3A_196 = tpu.memref_slice %arg5[%dma_start3A_182, %dma_start3A_193, %dma_start3A_194, %dma_start3A_195] : memref<2x4x8x128xi32, #tpu.memory_space<vmem>> -> memref<1x4x8x128xi32, #tpu.memory_space<vmem>>
    %dma_start3A_197 = tpu.memref_squeeze %dma_start3A_196 : memref<1x4x8x128xi32, #tpu.memory_space<vmem>> -> memref<4x8x128xi32, #tpu.memory_space<vmem>>
    %dma_start3A_198 = arith.constant 0 : i32
    %dma_start3A_199 = arith.constant 0 : i32
    %dma_start3A_200 = tpu.memref_slice %dma_start3A_197[%dma_start3A_183, %dma_start3A_198, %dma_start3A_199] : memref<4x8x128xi32, #tpu.memory_space<vmem>> -> memref<1x8x128xi32, #tpu.memory_space<vmem>>
    %dma_start3A_201 = tpu.memref_squeeze %dma_start3A_200 : memref<1x8x128xi32, #tpu.memory_space<vmem>> -> memref<8x128xi32, #tpu.memory_space<vmem>>
    %dma_start3A_202 = arith.constant 0 : i32
    %dma_start3A_203 = tpu.memref_slice %dma_start3A_201[%dma_start3A_184, %dma_start3A_202] : memref<8x128xi32, #tpu.memory_space<vmem>> -> memref<1x128xi32, #tpu.memory_space<vmem>>
    %dma_start3A_204 = tpu.memref_squeeze %dma_start3A_203 : memref<1x128xi32, #tpu.memory_space<vmem>> -> memref<128xi32, #tpu.memory_space<vmem>>
    %dma_start3A_205 = arith.constant 0 : i32
    %dma_start3A_206 = arith.constant 0 : i32
    %dma_start3A_207 = tpu.memref_slice %arg2[%dma_start3A_205, %dma_start3A_206] : memref<1000000x32xf32, #tpu.memory_space<hbm>> -> memref<1000000x32xf32, #tpu.memory_space<hbm>>
    tpu.enqueue_indirect_dma source(%dma_start3A_207 : memref<1000000x32xf32, #tpu.memory_space<hbm>>) target(%dma_start3A_192 : memref<128x32xf32, #tpu.memory_space<vmem>>) offsets(%dma_start3A_204 : memref<128xi32, #tpu.memory_space<vmem>>) semaphore(%arg9 : memref<!tpu.dma_semaphore, #tpu.memory_space<semaphore_mem>>)
    %scan3A = arith.constant 0 : i32
    %scan3A_208 = arith.constant 0 : i32
    %scan3A_209 = arith.constant 100 : i32
    %scan3A_210 = arith.addi %scan3A_208, %scan3A_209 : i32
    %scan3A_211 = arith.constant 1 : i32
    %scan3A_212 = scf.for %scan3A_278 = %scan3A_208 to %scan3A_210 step %scan3A_211 iter_args(%scan3A_279 = %scan3A) -> (i32)  : i32 {
      %mul3A_280 = arith.constant 2 : i32
      %mul3A_281 = arith.muli %scan3A_278, %mul3A_280 : i32
      %add3A_282 = arith.constant 0 : i32
      %add3A_283 = arith.addi %mul3A_281, %add3A_282 : i32
      %jit3A_284 = arith.constant 8 : i32
      %eq3A_285 = arith.constant 0 : i32
      %eq3A_286 = arith.cmpi eq, %jit3A_284, %eq3A_285 : i32
      %jit3A_287 = arith.constant 1 : i32
      %select_n3A_288 = arith.select %eq3A_286, %jit3A_287, %jit3A_284 : i32
      %rem3A_289 = arith.remsi %add3A_283, %select_n3A_288 : i32
      %ne3A_290 = arith.constant 0 : i32
      %ne3A_291 = arith.cmpi ne, %rem3A_289, %ne3A_290 : i32
      %lt3A_292 = arith.constant 0 : i32
      %lt3A_293 = arith.cmpi slt, %rem3A_289, %lt3A_292 : i32
      %lt3A_294 = arith.constant 0 : i32
      %lt3A_295 = arith.cmpi slt, %select_n3A_288, %lt3A_294 : i32
      %ne3A_296 = arith.xori %lt3A_293, %lt3A_295 : i1
      %and3A_297 = arith.andi %ne3A_296, %ne3A_291 : i1
      %add3A_298 = arith.addi %rem3A_289, %select_n3A_288 : i32
      %select_n3A_299 = arith.select %and3A_297, %add3A_298, %rem3A_289 : i32
      %eq3A_300 = arith.constant 0 : i32
      %eq3A_301 = arith.cmpi eq, %select_n3A_299, %eq3A_300 : i32
      %add3A_302 = arith.constant 8 : i32
      %add3A_303 = arith.addi %add3A_283, %add3A_302 : i32
      %lt3A_304 = arith.constant 200 : i32
      %lt3A_305 = arith.cmpi slt, %add3A_303, %lt3A_304 : i32
      %and3A_306 = arith.andi %eq3A_301, %lt3A_305 : i1
      %convert_element_type3A = arith.extui %and3A_306 : i1 to i32
      %cond3A = arith.constant 0 : i32
      %cond3A_307 = arith.cmpi ne, %convert_element_type3A, %cond3A : i32
      scf.if %cond3A_307 {
        %jit3A_663 = arith.constant 8 : i32
        %div3A_664 = arith.divsi %add3A_283, %jit3A_663 : i32
        %sign3A_665 = arith.constant 0 : i32
        %sign3A_666 = arith.cmpi sgt, %add3A_283, %sign3A_665 : i32
        %sign3A_667 = arith.extui %sign3A_666 : i1 to i32
        %sign3A_668 = arith.constant 0 : i32
        %sign3A_669 = arith.cmpi slt, %add3A_283, %sign3A_668 : i32
        %sign3A_670 = arith.extui %sign3A_669 : i1 to i32
        %sign3A_671 = arith.subi %sign3A_667, %sign3A_670 : i32
        %sign3A_672 = arith.constant 0 : i32
        %sign3A_673 = arith.cmpi sgt, %jit3A_663, %sign3A_672 : i32
        %sign3A_674 = arith.extui %sign3A_673 : i1 to i32
        %sign3A_675 = arith.constant 0 : i32
        %sign3A_676 = arith.cmpi slt, %jit3A_663, %sign3A_675 : i32
        %sign3A_677 = arith.extui %sign3A_676 : i1 to i32
        %sign3A_678 = arith.subi %sign3A_674, %sign3A_677 : i32
        %ne3A_679 = arith.cmpi ne, %sign3A_671, %sign3A_678 : i32
        %rem3A_680 = arith.remsi %add3A_283, %jit3A_663 : i32
        %ne3A_681 = arith.constant 0 : i32
        %ne3A_682 = arith.cmpi ne, %rem3A_680, %ne3A_681 : i32
        %and3A_683 = arith.andi %ne3A_679, %ne3A_682 : i1
        %sub3A_684 = arith.constant 1 : i32
        %sub3A_685 = arith.subi %div3A_664, %sub3A_684 : i32
        %select_n3A_686 = arith.select %and3A_683, %sub3A_685, %div3A_664 : i32
        %add3A_687 = arith.constant 1 : i32
        %add3A_688 = arith.addi %select_n3A_686, %add3A_687 : i32
        %jit3A_689 = arith.constant 8 : i32
        %div3A_690 = arith.divsi %add3A_283, %jit3A_689 : i32
        %sign3A_691 = arith.constant 0 : i32
        %sign3A_692 = arith.cmpi sgt, %add3A_283, %sign3A_691 : i32
        %sign3A_693 = arith.extui %sign3A_692 : i1 to i32
        %sign3A_694 = arith.constant 0 : i32
        %sign3A_695 = arith.cmpi slt, %add3A_283, %sign3A_694 : i32
        %sign3A_696 = arith.extui %sign3A_695 : i1 to i32
        %sign3A_697 = arith.subi %sign3A_693, %sign3A_696 : i32
        %sign3A_698 = arith.constant 0 : i32
        %sign3A_699 = arith.cmpi sgt, %jit3A_689, %sign3A_698 : i32
        %sign3A_700 = arith.extui %sign3A_699 : i1 to i32
        %sign3A_701 = arith.constant 0 : i32
        %sign3A_702 = arith.cmpi slt, %jit3A_689, %sign3A_701 : i32
        %sign3A_703 = arith.extui %sign3A_702 : i1 to i32
        %sign3A_704 = arith.subi %sign3A_700, %sign3A_703 : i32
        %ne3A_705 = arith.cmpi ne, %sign3A_697, %sign3A_704 : i32
        %rem3A_706 = arith.remsi %add3A_283, %jit3A_689 : i32
        %ne3A_707 = arith.constant 0 : i32
        %ne3A_708 = arith.cmpi ne, %rem3A_706, %ne3A_707 : i32
        %and3A_709 = arith.andi %ne3A_705, %ne3A_708 : i1
        %sub3A_710 = arith.constant 1 : i32
        %sub3A_711 = arith.subi %div3A_690, %sub3A_710 : i32
        %select_n3A_712 = arith.select %and3A_709, %sub3A_711, %div3A_690 : i32
        %add3A_713 = arith.constant 1 : i32
        %add3A_714 = arith.addi %select_n3A_712, %add3A_713 : i32
        %jit3A_715 = arith.constant 2 : i32
        %eq3A_716 = arith.constant 0 : i32
        %eq3A_717 = arith.cmpi eq, %jit3A_715, %eq3A_716 : i32
        %jit3A_718 = arith.constant 1 : i32
        %select_n3A_719 = arith.select %eq3A_717, %jit3A_718, %jit3A_715 : i32
        %rem3A_720 = arith.remsi %add3A_714, %select_n3A_719 : i32
        %ne3A_721 = arith.constant 0 : i32
        %ne3A_722 = arith.cmpi ne, %rem3A_720, %ne3A_721 : i32
        %lt3A_723 = arith.constant 0 : i32
        %lt3A_724 = arith.cmpi slt, %rem3A_720, %lt3A_723 : i32
        %lt3A_725 = arith.constant 0 : i32
        %lt3A_726 = arith.cmpi slt, %select_n3A_719, %lt3A_725 : i32
        %ne3A_727 = arith.xori %lt3A_724, %lt3A_726 : i1
        %and3A_728 = arith.andi %ne3A_727, %ne3A_722 : i1
        %add3A_729 = arith.addi %rem3A_720, %select_n3A_719 : i32
        %select_n3A_730 = arith.select %and3A_728, %add3A_729, %rem3A_720 : i32
        %dma_start3A_731 = arith.constant 0 : i32
        %dma_start3A_732 = arith.constant 0 : i32
        %dma_start3A_733 = arith.constant 0 : i32
        %dma_start3A_734 = tpu.memref_slice %arg5[%select_n3A_730, %dma_start3A_731, %dma_start3A_732, %dma_start3A_733] : memref<2x4x8x128xi32, #tpu.memory_space<vmem>> -> memref<1x4x8x128xi32, #tpu.memory_space<vmem>>
        %dma_start3A_735 = tpu.memref_squeeze %dma_start3A_734 : memref<1x4x8x128xi32, #tpu.memory_space<vmem>> -> memref<4x8x128xi32, #tpu.memory_space<vmem>>
        %dma_start3A_736 = arith.constant 0 : i32
        %dma_start3A_737 = arith.constant 0 : i32
        %dma_start3A_738 = arith.constant 0 : i32
        %dma_start3A_739 = tpu.memref_slice %arg3[%add3A_688, %dma_start3A_736, %dma_start3A_737, %dma_start3A_738] : memref<25x128x8x128xi32, #tpu.memory_space<hbm>> -> memref<1x128x8x128xi32, #tpu.memory_space<hbm>>
        %dma_start3A_740 = tpu.memref_squeeze %dma_start3A_739 : memref<1x128x8x128xi32, #tpu.memory_space<hbm>> -> memref<128x8x128xi32, #tpu.memory_space<hbm>>
        %dma_start3A_741 = arith.constant 0 : i32
        %dma_start3A_742 = arith.constant 0 : i32
        %dma_start3A_743 = tpu.memref_slice %dma_start3A_740[%mul3A_2, %dma_start3A_741, %dma_start3A_742] : memref<128x8x128xi32, #tpu.memory_space<hbm>> -> memref<4x8x128xi32, #tpu.memory_space<hbm>>
        %dma_start3A_744 = arith.constant 0 : i32
        %dma_start3A_745 = arith.constant 0 : i32
        %dma_start3A_746 = arith.constant 0 : i32
        %dma_start3A_747 = tpu.memref_slice %arg5[%select_n3A_730, %dma_start3A_744, %dma_start3A_745, %dma_start3A_746] : memref<2x4x8x128xi32, #tpu.memory_space<vmem>> -> memref<1x4x8x128xi32, #tpu.memory_space<vmem>>
        %dma_start3A_748 = tpu.memref_squeeze %dma_start3A_747 : memref<1x4x8x128xi32, #tpu.memory_space<vmem>> -> memref<4x8x128xi32, #tpu.memory_space<vmem>>
        %dma_start3A_749 = arith.constant 0 : i32
        %dma_start3A_750 = arith.constant 0 : i32
        %dma_start3A_751 = arith.constant 0 : i32
        %dma_start3A_752 = tpu.memref_slice %arg3[%add3A_688, %dma_start3A_749, %dma_start3A_750, %dma_start3A_751] : memref<25x128x8x128xi32, #tpu.memory_space<hbm>> -> memref<1x128x8x128xi32, #tpu.memory_space<hbm>>
        %dma_start3A_753 = tpu.memref_squeeze %dma_start3A_752 : memref<1x128x8x128xi32, #tpu.memory_space<hbm>> -> memref<128x8x128xi32, #tpu.memory_space<hbm>>
        %dma_start3A_754 = arith.constant 0 : i32
        %dma_start3A_755 = arith.constant 0 : i32
        %dma_start3A_756 = tpu.memref_slice %dma_start3A_753[%mul3A_2, %dma_start3A_754, %dma_start3A_755] : memref<128x8x128xi32, #tpu.memory_space<hbm>> -> memref<4x8x128xi32, #tpu.memory_space<hbm>>
        tpu.enqueue_dma source(%dma_start3A_756 : memref<4x8x128xi32, #tpu.memory_space<hbm>>) target(%dma_start3A_748 : memref<4x8x128xi32, #tpu.memory_space<vmem>>) target_semaphore(%arg8 : memref<!tpu.dma_semaphore, #tpu.memory_space<semaphore_mem>>)
      } else {
      }
      %dma_wait3A_308 = arith.constant 0 : i32
      %dma_wait3A_309 = arith.constant 0 : i32
      %dma_wait3A_310 = arith.constant 0 : i32
      %dma_wait3A_311 = arith.constant 0 : i32
      %dma_wait3A_312 = arith.constant 0 : i32
      %dma_wait3A_313 = arith.constant 0 : i32
      %dma_wait3A_314 = tpu.memref_slice %arg6[%dma_wait3A_311, %dma_wait3A_312, %dma_wait3A_313] : memref<2x512x32xf32, #tpu.memory_space<vmem>> -> memref<1x512x32xf32, #tpu.memory_space<vmem>>
      %dma_wait3A_315 = tpu.memref_squeeze %dma_wait3A_314 : memref<1x512x32xf32, #tpu.memory_space<vmem>> -> memref<512x32xf32, #tpu.memory_space<vmem>>
      %dma_wait3A_316 = arith.constant 0 : i32
      %dma_wait3A_317 = arith.constant 0 : i32
      %dma_wait3A_318 = arith.constant 0 : i32
      %dma_wait3A_319 = tpu.memref_slice %arg5[%dma_wait3A_308, %dma_wait3A_316, %dma_wait3A_317, %dma_wait3A_318] : memref<2x4x8x128xi32, #tpu.memory_space<vmem>> -> memref<1x4x8x128xi32, #tpu.memory_space<vmem>>
      %dma_wait3A_320 = tpu.memref_squeeze %dma_wait3A_319 : memref<1x4x8x128xi32, #tpu.memory_space<vmem>> -> memref<4x8x128xi32, #tpu.memory_space<vmem>>
      %dma_wait3A_321 = arith.constant 0 : i32
      %dma_wait3A_322 = arith.constant 0 : i32
      %dma_wait3A_323 = tpu.memref_slice %dma_wait3A_320[%dma_wait3A_309, %dma_wait3A_321, %dma_wait3A_322] : memref<4x8x128xi32, #tpu.memory_space<vmem>> -> memref<1x8x128xi32, #tpu.memory_space<vmem>>
      %dma_wait3A_324 = tpu.memref_squeeze %dma_wait3A_323 : memref<1x8x128xi32, #tpu.memory_space<vmem>> -> memref<8x128xi32, #tpu.memory_space<vmem>>
      %dma_wait3A_325 = arith.constant 0 : i32
      %dma_wait3A_326 = tpu.memref_slice %dma_wait3A_324[%dma_wait3A_310, %dma_wait3A_325] : memref<8x128xi32, #tpu.memory_space<vmem>> -> memref<1x128xi32, #tpu.memory_space<vmem>>
      %dma_wait3A_327 = tpu.memref_squeeze %dma_wait3A_326 : memref<1x128xi32, #tpu.memory_space<vmem>> -> memref<128xi32, #tpu.memory_space<vmem>>
      %dma_wait3A_328 = arith.constant 0 : i32
      %dma_wait3A_329 = arith.constant 0 : i32
      %dma_wait3A_330 = tpu.memref_slice %arg2[%dma_wait3A_328, %dma_wait3A_329] : memref<1000000x32xf32, #tpu.memory_space<hbm>> -> memref<1000000x32xf32, #tpu.memory_space<hbm>>
      tpu.wait_indirect_dma semaphore(%arg9 : memref<!tpu.dma_semaphore, #tpu.memory_space<semaphore_mem>>) src(%dma_wait3A_330 : memref<1000000x32xf32, #tpu.memory_space<hbm>>) dst(%dma_wait3A_315 : memref<512x32xf32, #tpu.memory_space<vmem>>)
      %add3A_331 = arith.constant 1 : i32
      %add3A_332 = arith.addi %add3A_283, %add3A_331 : i32
      %lt3A_333 = arith.constant 200 : i32
      %lt3A_334 = arith.cmpi slt, %add3A_332, %lt3A_333 : i32
      %convert_element_type3A_335 = arith.extui %lt3A_334 : i1 to i32
      %cond3A_336 = arith.constant 0 : i32
      %cond3A_337 = arith.cmpi ne, %convert_element_type3A_335, %cond3A_336 : i32
      scf.if %cond3A_337 {
        %add3A_663 = arith.constant 1 : i32
        %add3A_664 = arith.addi %add3A_283, %add3A_663 : i32
        %jit3A_665 = arith.constant 8 : i32
        %eq3A_666 = arith.constant 0 : i32
        %eq3A_667 = arith.cmpi eq, %jit3A_665, %eq3A_666 : i32
        %jit3A_668 = arith.constant 1 : i32
        %select_n3A_669 = arith.select %eq3A_667, %jit3A_668, %jit3A_665 : i32
        %rem3A_670 = arith.remsi %add3A_664, %select_n3A_669 : i32
        %ne3A_671 = arith.constant 0 : i32
        %ne3A_672 = arith.cmpi ne, %rem3A_670, %ne3A_671 : i32
        %lt3A_673 = arith.constant 0 : i32
        %lt3A_674 = arith.cmpi slt, %rem3A_670, %lt3A_673 : i32
        %lt3A_675 = arith.constant 0 : i32
        %lt3A_676 = arith.cmpi slt, %select_n3A_669, %lt3A_675 : i32
        %ne3A_677 = arith.xori %lt3A_674, %lt3A_676 : i1
        %and3A_678 = arith.andi %ne3A_677, %ne3A_672 : i1
        %add3A_679 = arith.addi %rem3A_670, %select_n3A_669 : i32
        %select_n3A_680 = arith.select %and3A_678, %add3A_679, %rem3A_670 : i32
        %eq3A_681 = arith.constant 0 : i32
        %eq3A_682 = arith.cmpi eq, %select_n3A_680, %eq3A_681 : i32
        %convert_element_type3A_683 = arith.extui %eq3A_682 : i1 to i32
        %cond3A_684 = arith.constant 0 : i32
        %cond3A_685 = arith.cmpi ne, %convert_element_type3A_683, %cond3A_684 : i32
        scf.if %cond3A_685 {
          %add3A_840 = arith.constant 1 : i32
          %add3A_841 = arith.addi %add3A_283, %add3A_840 : i32
          %jit3A_842 = arith.constant 8 : i32
          %div3A_843 = arith.divsi %add3A_841, %jit3A_842 : i32
          %sign3A_844 = arith.constant 0 : i32
          %sign3A_845 = arith.cmpi sgt, %add3A_841, %sign3A_844 : i32
          %sign3A_846 = arith.extui %sign3A_845 : i1 to i32
          %sign3A_847 = arith.constant 0 : i32
          %sign3A_848 = arith.cmpi slt, %add3A_841, %sign3A_847 : i32
          %sign3A_849 = arith.extui %sign3A_848 : i1 to i32
          %sign3A_850 = arith.subi %sign3A_846, %sign3A_849 : i32
          %sign3A_851 = arith.constant 0 : i32
          %sign3A_852 = arith.cmpi sgt, %jit3A_842, %sign3A_851 : i32
          %sign3A_853 = arith.extui %sign3A_852 : i1 to i32
          %sign3A_854 = arith.constant 0 : i32
          %sign3A_855 = arith.cmpi slt, %jit3A_842, %sign3A_854 : i32
          %sign3A_856 = arith.extui %sign3A_855 : i1 to i32
          %sign3A_857 = arith.subi %sign3A_853, %sign3A_856 : i32
          %ne3A_858 = arith.cmpi ne, %sign3A_850, %sign3A_857 : i32
          %rem3A_859 = arith.remsi %add3A_841, %jit3A_842 : i32
          %ne3A_860 = arith.constant 0 : i32
          %ne3A_861 = arith.cmpi ne, %rem3A_859, %ne3A_860 : i32
          %and3A_862 = arith.andi %ne3A_858, %ne3A_861 : i1
          %sub3A_863 = arith.constant 1 : i32
          %sub3A_864 = arith.subi %div3A_843, %sub3A_863 : i32
          %select_n3A_865 = arith.select %and3A_862, %sub3A_864, %div3A_843 : i32
          %jit3A_866 = arith.constant 2 : i32
          %eq3A_867 = arith.constant 0 : i32
          %eq3A_868 = arith.cmpi eq, %jit3A_866, %eq3A_867 : i32
          %jit3A_869 = arith.constant 1 : i32
          %select_n3A_870 = arith.select %eq3A_868, %jit3A_869, %jit3A_866 : i32
          %rem3A_871 = arith.remsi %select_n3A_865, %select_n3A_870 : i32
          %ne3A_872 = arith.constant 0 : i32
          %ne3A_873 = arith.cmpi ne, %rem3A_871, %ne3A_872 : i32
          %lt3A_874 = arith.constant 0 : i32
          %lt3A_875 = arith.cmpi slt, %rem3A_871, %lt3A_874 : i32
          %lt3A_876 = arith.constant 0 : i32
          %lt3A_877 = arith.cmpi slt, %select_n3A_870, %lt3A_876 : i32
          %ne3A_878 = arith.xori %lt3A_875, %lt3A_877 : i1
          %and3A_879 = arith.andi %ne3A_878, %ne3A_873 : i1
          %add3A_880 = arith.addi %rem3A_871, %select_n3A_870 : i32
          %select_n3A_881 = arith.select %and3A_879, %add3A_880, %rem3A_871 : i32
          %dma_wait3A_882 = arith.constant 0 : i32
          %dma_wait3A_883 = arith.constant 0 : i32
          %dma_wait3A_884 = arith.constant 0 : i32
          %dma_wait3A_885 = arith.constant 0 : i32
          %dma_wait3A_886 = tpu.memref_slice %arg5[%select_n3A_881, %dma_wait3A_883, %dma_wait3A_884, %dma_wait3A_885] : memref<2x4x8x128xi32, #tpu.memory_space<vmem>> -> memref<1x4x8x128xi32, #tpu.memory_space<vmem>>
          %dma_wait3A_887 = tpu.memref_squeeze %dma_wait3A_886 : memref<1x4x8x128xi32, #tpu.memory_space<vmem>> -> memref<4x8x128xi32, #tpu.memory_space<vmem>>
          %dma_wait3A_888 = arith.constant 0 : i32
          %dma_wait3A_889 = arith.constant 0 : i32
          %dma_wait3A_890 = arith.constant 0 : i32
          %dma_wait3A_891 = tpu.memref_slice %arg3[%dma_wait3A_882, %dma_wait3A_888, %dma_wait3A_889, %dma_wait3A_890] : memref<25x128x8x128xi32, #tpu.memory_space<hbm>> -> memref<1x128x8x128xi32, #tpu.memory_space<hbm>>
          %dma_wait3A_892 = tpu.memref_squeeze %dma_wait3A_891 : memref<1x128x8x128xi32, #tpu.memory_space<hbm>> -> memref<128x8x128xi32, #tpu.memory_space<hbm>>
          %dma_wait3A_893 = arith.constant 0 : i32
          %dma_wait3A_894 = arith.constant 0 : i32
          %dma_wait3A_895 = tpu.memref_slice %dma_wait3A_892[%mul3A_2, %dma_wait3A_893, %dma_wait3A_894] : memref<128x8x128xi32, #tpu.memory_space<hbm>> -> memref<4x8x128xi32, #tpu.memory_space<hbm>>
          %dma_wait3A_896 = arith.constant 0 : i32
          %dma_wait3A_897 = arith.constant 0 : i32
          %dma_wait3A_898 = arith.constant 0 : i32
          %dma_wait3A_899 = tpu.memref_slice %arg5[%select_n3A_881, %dma_wait3A_896, %dma_wait3A_897, %dma_wait3A_898] : memref<2x4x8x128xi32, #tpu.memory_space<vmem>> -> memref<1x4x8x128xi32, #tpu.memory_space<vmem>>
          %dma_wait3A_900 = tpu.memref_squeeze %dma_wait3A_899 : memref<1x4x8x128xi32, #tpu.memory_space<vmem>> -> memref<4x8x128xi32, #tpu.memory_space<vmem>>
          %dma_wait3A_901 = arith.constant 0 : i32
          %dma_wait3A_902 = arith.constant 0 : i32
          %dma_wait3A_903 = arith.constant 0 : i32
          %dma_wait3A_904 = tpu.memref_slice %arg3[%dma_wait3A_882, %dma_wait3A_901, %dma_wait3A_902, %dma_wait3A_903] : memref<25x128x8x128xi32, #tpu.memory_space<hbm>> -> memref<1x128x8x128xi32, #tpu.memory_space<hbm>>
          %dma_wait3A_905 = tpu.memref_squeeze %dma_wait3A_904 : memref<1x128x8x128xi32, #tpu.memory_space<hbm>> -> memref<128x8x128xi32, #tpu.memory_space<hbm>>
          %dma_wait3A_906 = arith.constant 0 : i32
          %dma_wait3A_907 = arith.constant 0 : i32
          %dma_wait3A_908 = tpu.memref_slice %dma_wait3A_905[%mul3A_2, %dma_wait3A_906, %dma_wait3A_907] : memref<128x8x128xi32, #tpu.memory_space<hbm>> -> memref<4x8x128xi32, #tpu.memory_space<hbm>>
          tpu.wait_dma2 semaphore(%arg8 : memref<!tpu.dma_semaphore, #tpu.memory_space<semaphore_mem>>) src(%dma_wait3A_908 : memref<4x8x128xi32, #tpu.memory_space<hbm>>) dst(%dma_wait3A_900 : memref<4x8x128xi32, #tpu.memory_space<vmem>>)
        } else {
        }
        %add3A_686 = arith.constant 1 : i32
        %add3A_687 = arith.addi %add3A_283, %add3A_686 : i32
        %jit3A_688 = arith.constant 8 : i32
        %eq3A_689 = arith.constant 0 : i32
        %eq3A_690 = arith.cmpi eq, %jit3A_688, %eq3A_689 : i32
        %jit3A_691 = arith.constant 1 : i32
        %select_n3A_692 = arith.select %eq3A_690, %jit3A_691, %jit3A_688 : i32
        %rem3A_693 = arith.remsi %add3A_687, %select_n3A_692 : i32
        %ne3A_694 = arith.constant 0 : i32
        %ne3A_695 = arith.cmpi ne, %rem3A_693, %ne3A_694 : i32
        %lt3A_696 = arith.constant 0 : i32
        %lt3A_697 = arith.cmpi slt, %rem3A_693, %lt3A_696 : i32
        %lt3A_698 = arith.constant 0 : i32
        %lt3A_699 = arith.cmpi slt, %select_n3A_692, %lt3A_698 : i32
        %ne3A_700 = arith.xori %lt3A_697, %lt3A_699 : i1
        %and3A_701 = arith.andi %ne3A_700, %ne3A_695 : i1
        %add3A_702 = arith.addi %rem3A_693, %select_n3A_692 : i32
        %select_n3A_703 = arith.select %and3A_701, %add3A_702, %rem3A_693 : i32
        %jit3A_704 = arith.constant 8 : i32
        %div3A_705 = arith.divsi %add3A_687, %jit3A_704 : i32
        %sign3A_706 = arith.constant 0 : i32
        %sign3A_707 = arith.cmpi sgt, %add3A_687, %sign3A_706 : i32
        %sign3A_708 = arith.extui %sign3A_707 : i1 to i32
        %sign3A_709 = arith.constant 0 : i32
        %sign3A_710 = arith.cmpi slt, %add3A_687, %sign3A_709 : i32
        %sign3A_711 = arith.extui %sign3A_710 : i1 to i32
        %sign3A_712 = arith.subi %sign3A_708, %sign3A_711 : i32
        %sign3A_713 = arith.constant 0 : i32
        %sign3A_714 = arith.cmpi sgt, %jit3A_704, %sign3A_713 : i32
        %sign3A_715 = arith.extui %sign3A_714 : i1 to i32
        %sign3A_716 = arith.constant 0 : i32
        %sign3A_717 = arith.cmpi slt, %jit3A_704, %sign3A_716 : i32
        %sign3A_718 = arith.extui %sign3A_717 : i1 to i32
        %sign3A_719 = arith.subi %sign3A_715, %sign3A_718 : i32
        %ne3A_720 = arith.cmpi ne, %sign3A_712, %sign3A_719 : i32
        %rem3A_721 = arith.remsi %add3A_687, %jit3A_704 : i32
        %ne3A_722 = arith.constant 0 : i32
        %ne3A_723 = arith.cmpi ne, %rem3A_721, %ne3A_722 : i32
        %and3A_724 = arith.andi %ne3A_720, %ne3A_723 : i1
        %sub3A_725 = arith.constant 1 : i32
        %sub3A_726 = arith.subi %div3A_705, %sub3A_725 : i32
        %select_n3A_727 = arith.select %and3A_724, %sub3A_726, %div3A_705 : i32
        %jit3A_728 = arith.constant 2 : i32
        %eq3A_729 = arith.constant 0 : i32
        %eq3A_730 = arith.cmpi eq, %jit3A_728, %eq3A_729 : i32
        %jit3A_731 = arith.constant 1 : i32
        %select_n3A_732 = arith.select %eq3A_730, %jit3A_731, %jit3A_728 : i32
        %rem3A_733 = arith.remsi %select_n3A_727, %select_n3A_732 : i32
        %ne3A_734 = arith.constant 0 : i32
        %ne3A_735 = arith.cmpi ne, %rem3A_733, %ne3A_734 : i32
        %lt3A_736 = arith.constant 0 : i32
        %lt3A_737 = arith.cmpi slt, %rem3A_733, %lt3A_736 : i32
        %lt3A_738 = arith.constant 0 : i32
        %lt3A_739 = arith.cmpi slt, %select_n3A_732, %lt3A_738 : i32
        %ne3A_740 = arith.xori %lt3A_737, %lt3A_739 : i1
        %and3A_741 = arith.andi %ne3A_740, %ne3A_735 : i1
        %add3A_742 = arith.addi %rem3A_733, %select_n3A_732 : i32
        %select_n3A_743 = arith.select %and3A_741, %add3A_742, %rem3A_733 : i32
        %dma_start3A_744 = arith.constant 0 : i32
        %dma_start3A_745 = arith.constant 1 : i32
        %dma_start3A_746 = arith.constant 0 : i32
        %dma_start3A_747 = arith.constant 0 : i32
        %dma_start3A_748 = tpu.memref_slice %arg6[%dma_start3A_745, %dma_start3A_746, %dma_start3A_747] : memref<2x512x32xf32, #tpu.memory_space<vmem>> -> memref<1x512x32xf32, #tpu.memory_space<vmem>>
        %dma_start3A_749 = tpu.memref_squeeze %dma_start3A_748 : memref<1x512x32xf32, #tpu.memory_space<vmem>> -> memref<512x32xf32, #tpu.memory_space<vmem>>
        %dma_start3A_750 = arith.constant 0 : i32
        %dma_start3A_751 = arith.constant 0 : i32
        %dma_start3A_752 = tpu.memref_slice %dma_start3A_749[%dma_start3A_750, %dma_start3A_751] : memref<512x32xf32, #tpu.memory_space<vmem>> -> memref<128x32xf32, #tpu.memory_space<vmem>>
        %dma_start3A_753 = arith.constant 0 : i32
        %dma_start3A_754 = arith.constant 0 : i32
        %dma_start3A_755 = arith.constant 0 : i32
        %dma_start3A_756 = tpu.memref_slice %arg5[%select_n3A_743, %dma_start3A_753, %dma_start3A_754, %dma_start3A_755] : memref<2x4x8x128xi32, #tpu.memory_space<vmem>> -> memref<1x4x8x128xi32, #tpu.memory_space<vmem>>
        %dma_start3A_757 = tpu.memref_squeeze %dma_start3A_756 : memref<1x4x8x128xi32, #tpu.memory_space<vmem>> -> memref<4x8x128xi32, #tpu.memory_space<vmem>>
        %dma_start3A_758 = arith.constant 0 : i32
        %dma_start3A_759 = arith.constant 0 : i32
        %dma_start3A_760 = tpu.memref_slice %dma_start3A_757[%dma_start3A_744, %dma_start3A_758, %dma_start3A_759] : memref<4x8x128xi32, #tpu.memory_space<vmem>> -> memref<1x8x128xi32, #tpu.memory_space<vmem>>
        %dma_start3A_761 = tpu.memref_squeeze %dma_start3A_760 : memref<1x8x128xi32, #tpu.memory_space<vmem>> -> memref<8x128xi32, #tpu.memory_space<vmem>>
        %dma_start3A_762 = arith.constant 0 : i32
        %dma_start3A_763 = tpu.memref_slice %dma_start3A_761[%select_n3A_703, %dma_start3A_762] : memref<8x128xi32, #tpu.memory_space<vmem>> -> memref<1x128xi32, #tpu.memory_space<vmem>>
        %dma_start3A_764 = tpu.memref_squeeze %dma_start3A_763 : memref<1x128xi32, #tpu.memory_space<vmem>> -> memref<128xi32, #tpu.memory_space<vmem>>
        %dma_start3A_765 = arith.constant 0 : i32
        %dma_start3A_766 = arith.constant 0 : i32
        %dma_start3A_767 = tpu.memref_slice %arg2[%dma_start3A_765, %dma_start3A_766] : memref<1000000x32xf32, #tpu.memory_space<hbm>> -> memref<1000000x32xf32, #tpu.memory_space<hbm>>
        tpu.enqueue_indirect_dma source(%dma_start3A_767 : memref<1000000x32xf32, #tpu.memory_space<hbm>>) target(%dma_start3A_752 : memref<128x32xf32, #tpu.memory_space<vmem>>) offsets(%dma_start3A_764 : memref<128xi32, #tpu.memory_space<vmem>>) semaphore(%arg9 : memref<!tpu.dma_semaphore, #tpu.memory_space<semaphore_mem>>)
        %dma_start3A_768 = arith.constant 1 : i32
        %dma_start3A_769 = arith.constant 1 : i32
        %dma_start3A_770 = arith.constant 0 : i32
        %dma_start3A_771 = arith.constant 0 : i32
        %dma_start3A_772 = tpu.memref_slice %arg6[%dma_start3A_769, %dma_start3A_770, %dma_start3A_771] : memref<2x512x32xf32, #tpu.memory_space<vmem>> -> memref<1x512x32xf32, #tpu.memory_space<vmem>>
        %dma_start3A_773 = tpu.memref_squeeze %dma_start3A_772 : memref<1x512x32xf32, #tpu.memory_space<vmem>> -> memref<512x32xf32, #tpu.memory_space<vmem>>
        %dma_start3A_774 = arith.constant 128 : i32
        %dma_start3A_775 = arith.constant 0 : i32
        %dma_start3A_776 = tpu.memref_slice %dma_start3A_773[%dma_start3A_774, %dma_start3A_775] : memref<512x32xf32, #tpu.memory_space<vmem>> -> memref<128x32xf32, #tpu.memory_space<vmem>>
        %dma_start3A_777 = arith.constant 0 : i32
        %dma_start3A_778 = arith.constant 0 : i32
        %dma_start3A_779 = arith.constant 0 : i32
        %dma_start3A_780 = tpu.memref_slice %arg5[%select_n3A_743, %dma_start3A_777, %dma_start3A_778, %dma_start3A_779] : memref<2x4x8x128xi32, #tpu.memory_space<vmem>> -> memref<1x4x8x128xi32, #tpu.memory_space<vmem>>
        %dma_start3A_781 = tpu.memref_squeeze %dma_start3A_780 : memref<1x4x8x128xi32, #tpu.memory_space<vmem>> -> memref<4x8x128xi32, #tpu.memory_space<vmem>>
        %dma_start3A_782 = arith.constant 0 : i32
        %dma_start3A_783 = arith.constant 0 : i32
        %dma_start3A_784 = tpu.memref_slice %dma_start3A_781[%dma_start3A_768, %dma_start3A_782, %dma_start3A_783] : memref<4x8x128xi32, #tpu.memory_space<vmem>> -> memref<1x8x128xi32, #tpu.memory_space<vmem>>
        %dma_start3A_785 = tpu.memref_squeeze %dma_start3A_784 : memref<1x8x128xi32, #tpu.memory_space<vmem>> -> memref<8x128xi32, #tpu.memory_space<vmem>>
        %dma_start3A_786 = arith.constant 0 : i32
        %dma_start3A_787 = tpu.memref_slice %dma_start3A_785[%select_n3A_703, %dma_start3A_786] : memref<8x128xi32, #tpu.memory_space<vmem>> -> memref<1x128xi32, #tpu.memory_space<vmem>>
        %dma_start3A_788 = tpu.memref_squeeze %dma_start3A_787 : memref<1x128xi32, #tpu.memory_space<vmem>> -> memref<128xi32, #tpu.memory_space<vmem>>
        %dma_start3A_789 = arith.constant 0 : i32
        %dma_start3A_790 = arith.constant 0 : i32
        %dma_start3A_791 = tpu.memref_slice %arg2[%dma_start3A_789, %dma_start3A_790] : memref<1000000x32xf32, #tpu.memory_space<hbm>> -> memref<1000000x32xf32, #tpu.memory_space<hbm>>
        tpu.enqueue_indirect_dma source(%dma_start3A_791 : memref<1000000x32xf32, #tpu.memory_space<hbm>>) target(%dma_start3A_776 : memref<128x32xf32, #tpu.memory_space<vmem>>) offsets(%dma_start3A_788 : memref<128xi32, #tpu.memory_space<vmem>>) semaphore(%arg9 : memref<!tpu.dma_semaphore, #tpu.memory_space<semaphore_mem>>)
        %dma_start3A_792 = arith.constant 2 : i32
        %dma_start3A_793 = arith.constant 1 : i32
        %dma_start3A_794 = arith.constant 0 : i32
        %dma_start3A_795 = arith.constant 0 : i32
        %dma_start3A_796 = tpu.memref_slice %arg6[%dma_start3A_793, %dma_start3A_794, %dma_start3A_795] : memref<2x512x32xf32, #tpu.memory_space<vmem>> -> memref<1x512x32xf32, #tpu.memory_space<vmem>>
        %dma_start3A_797 = tpu.memref_squeeze %dma_start3A_796 : memref<1x512x32xf32, #tpu.memory_space<vmem>> -> memref<512x32xf32, #tpu.memory_space<vmem>>
        %dma_start3A_798 = arith.constant 256 : i32
        %dma_start3A_799 = arith.constant 0 : i32
        %dma_start3A_800 = tpu.memref_slice %dma_start3A_797[%dma_start3A_798, %dma_start3A_799] : memref<512x32xf32, #tpu.memory_space<vmem>> -> memref<128x32xf32, #tpu.memory_space<vmem>>
        %dma_start3A_801 = arith.constant 0 : i32
        %dma_start3A_802 = arith.constant 0 : i32
        %dma_start3A_803 = arith.constant 0 : i32
        %dma_start3A_804 = tpu.memref_slice %arg5[%select_n3A_743, %dma_start3A_801, %dma_start3A_802, %dma_start3A_803] : memref<2x4x8x128xi32, #tpu.memory_space<vmem>> -> memref<1x4x8x128xi32, #tpu.memory_space<vmem>>
        %dma_start3A_805 = tpu.memref_squeeze %dma_start3A_804 : memref<1x4x8x128xi32, #tpu.memory_space<vmem>> -> memref<4x8x128xi32, #tpu.memory_space<vmem>>
        %dma_start3A_806 = arith.constant 0 : i32
        %dma_start3A_807 = arith.constant 0 : i32
        %dma_start3A_808 = tpu.memref_slice %dma_start3A_805[%dma_start3A_792, %dma_start3A_806, %dma_start3A_807] : memref<4x8x128xi32, #tpu.memory_space<vmem>> -> memref<1x8x128xi32, #tpu.memory_space<vmem>>
        %dma_start3A_809 = tpu.memref_squeeze %dma_start3A_808 : memref<1x8x128xi32, #tpu.memory_space<vmem>> -> memref<8x128xi32, #tpu.memory_space<vmem>>
        %dma_start3A_810 = arith.constant 0 : i32
        %dma_start3A_811 = tpu.memref_slice %dma_start3A_809[%select_n3A_703, %dma_start3A_810] : memref<8x128xi32, #tpu.memory_space<vmem>> -> memref<1x128xi32, #tpu.memory_space<vmem>>
        %dma_start3A_812 = tpu.memref_squeeze %dma_start3A_811 : memref<1x128xi32, #tpu.memory_space<vmem>> -> memref<128xi32, #tpu.memory_space<vmem>>
        %dma_start3A_813 = arith.constant 0 : i32
        %dma_start3A_814 = arith.constant 0 : i32
        %dma_start3A_815 = tpu.memref_slice %arg2[%dma_start3A_813, %dma_start3A_814] : memref<1000000x32xf32, #tpu.memory_space<hbm>> -> memref<1000000x32xf32, #tpu.memory_space<hbm>>
        tpu.enqueue_indirect_dma source(%dma_start3A_815 : memref<1000000x32xf32, #tpu.memory_space<hbm>>) target(%dma_start3A_800 : memref<128x32xf32, #tpu.memory_space<vmem>>) offsets(%dma_start3A_812 : memref<128xi32, #tpu.memory_space<vmem>>) semaphore(%arg9 : memref<!tpu.dma_semaphore, #tpu.memory_space<semaphore_mem>>)
        %dma_start3A_816 = arith.constant 3 : i32
        %dma_start3A_817 = arith.constant 1 : i32
        %dma_start3A_818 = arith.constant 0 : i32
        %dma_start3A_819 = arith.constant 0 : i32
        %dma_start3A_820 = tpu.memref_slice %arg6[%dma_start3A_817, %dma_start3A_818, %dma_start3A_819] : memref<2x512x32xf32, #tpu.memory_space<vmem>> -> memref<1x512x32xf32, #tpu.memory_space<vmem>>
        %dma_start3A_821 = tpu.memref_squeeze %dma_start3A_820 : memref<1x512x32xf32, #tpu.memory_space<vmem>> -> memref<512x32xf32, #tpu.memory_space<vmem>>
        %dma_start3A_822 = arith.constant 384 : i32
        %dma_start3A_823 = arith.constant 0 : i32
        %dma_start3A_824 = tpu.memref_slice %dma_start3A_821[%dma_start3A_822, %dma_start3A_823] : memref<512x32xf32, #tpu.memory_space<vmem>> -> memref<128x32xf32, #tpu.memory_space<vmem>>
        %dma_start3A_825 = arith.constant 0 : i32
        %dma_start3A_826 = arith.constant 0 : i32
        %dma_start3A_827 = arith.constant 0 : i32
        %dma_start3A_828 = tpu.memref_slice %arg5[%select_n3A_743, %dma_start3A_825, %dma_start3A_826, %dma_start3A_827] : memref<2x4x8x128xi32, #tpu.memory_space<vmem>> -> memref<1x4x8x128xi32, #tpu.memory_space<vmem>>
        %dma_start3A_829 = tpu.memref_squeeze %dma_start3A_828 : memref<1x4x8x128xi32, #tpu.memory_space<vmem>> -> memref<4x8x128xi32, #tpu.memory_space<vmem>>
        %dma_start3A_830 = arith.constant 0 : i32
        %dma_start3A_831 = arith.constant 0 : i32
        %dma_start3A_832 = tpu.memref_slice %dma_start3A_829[%dma_start3A_816, %dma_start3A_830, %dma_start3A_831] : memref<4x8x128xi32, #tpu.memory_space<vmem>> -> memref<1x8x128xi32, #tpu.memory_space<vmem>>
        %dma_start3A_833 = tpu.memref_squeeze %dma_start3A_832 : memref<1x8x128xi32, #tpu.memory_space<vmem>> -> memref<8x128xi32, #tpu.memory_space<vmem>>
        %dma_start3A_834 = arith.constant 0 : i32
        %dma_start3A_835 = tpu.memref_slice %dma_start3A_833[%select_n3A_703, %dma_start3A_834] : memref<8x128xi32, #tpu.memory_space<vmem>> -> memref<1x128xi32, #tpu.memory_space<vmem>>
        %dma_start3A_836 = tpu.memref_squeeze %dma_start3A_835 : memref<1x128xi32, #tpu.memory_space<vmem>> -> memref<128xi32, #tpu.memory_space<vmem>>
        %dma_start3A_837 = arith.constant 0 : i32
        %dma_start3A_838 = arith.constant 0 : i32
        %dma_start3A_839 = tpu.memref_slice %arg2[%dma_start3A_837, %dma_start3A_838] : memref<1000000x32xf32, #tpu.memory_space<hbm>> -> memref<1000000x32xf32, #tpu.memory_space<hbm>>
        tpu.enqueue_indirect_dma source(%dma_start3A_839 : memref<1000000x32xf32, #tpu.memory_space<hbm>>) target(%dma_start3A_824 : memref<128x32xf32, #tpu.memory_space<vmem>>) offsets(%dma_start3A_836 : memref<128xi32, #tpu.memory_space<vmem>>) semaphore(%arg9 : memref<!tpu.dma_semaphore, #tpu.memory_space<semaphore_mem>>)
      } else {
      }
      %ge3A = arith.constant 2 : i32
      %ge3A_338 = arith.cmpi sge, %add3A_283, %ge3A : i32
      %convert_element_type3A_339 = arith.extui %ge3A_338 : i1 to i32
      %cond3A_340 = arith.constant 0 : i32
      %cond3A_341 = arith.cmpi ne, %convert_element_type3A_339, %cond3A_340 : i32
      scf.if %cond3A_341 {
        %dma_wait3A_663 = arith.constant 0 : i32
        %dma_wait3A_664 = arith.constant 0 : i32
        %dma_wait3A_665 = arith.constant 0 : i32
        %dma_wait3A_666 = arith.constant 0 : i32
        %dma_wait3A_667 = tpu.memref_slice %arg7[%dma_wait3A_665, %dma_wait3A_666] : memref<256x128xf32, #tpu.memory_space<vmem>> -> memref<128x128xf32, #tpu.memory_space<vmem>>
        %dma_wait3A_668 = arith.constant 0 : i32
        %dma_wait3A_669 = arith.constant 0 : i32
        %dma_wait3A_670 = arith.constant 0 : i32
        %dma_wait3A_671 = tpu.memref_slice %arg4[%dma_wait3A_663, %dma_wait3A_668, %dma_wait3A_669, %dma_wait3A_670] : memref<200x4x1024x128xf32, #tpu.memory_space<hbm>> -> memref<1x4x1024x128xf32, #tpu.memory_space<hbm>>
        %dma_wait3A_672 = tpu.memref_squeeze %dma_wait3A_671 : memref<1x4x1024x128xf32, #tpu.memory_space<hbm>> -> memref<4x1024x128xf32, #tpu.memory_space<hbm>>
        %dma_wait3A_673 = arith.constant 0 : i32
        %dma_wait3A_674 = arith.constant 0 : i32
        %dma_wait3A_675 = tpu.memref_slice %dma_wait3A_672[%dma_wait3A_664, %dma_wait3A_673, %dma_wait3A_674] : memref<4x1024x128xf32, #tpu.memory_space<hbm>> -> memref<1x1024x128xf32, #tpu.memory_space<hbm>>
        %dma_wait3A_676 = tpu.memref_squeeze %dma_wait3A_675 : memref<1x1024x128xf32, #tpu.memory_space<hbm>> -> memref<1024x128xf32, #tpu.memory_space<hbm>>
        %dma_wait3A_677 = arith.constant 0 : i32
        %dma_wait3A_678 = arith.constant 0 : i32
        %dma_wait3A_679 = tpu.memref_slice %dma_wait3A_676[%dma_wait3A_677, %dma_wait3A_678] : memref<1024x128xf32, #tpu.memory_space<hbm>> -> memref<128x128xf32, #tpu.memory_space<hbm>>
        %dma_wait3A_680 = arith.constant 0 : i32
        %dma_wait3A_681 = arith.constant 0 : i32
        %dma_wait3A_682 = arith.constant 0 : i32
        %dma_wait3A_683 = tpu.memref_slice %arg4[%dma_wait3A_663, %dma_wait3A_680, %dma_wait3A_681, %dma_wait3A_682] : memref<200x4x1024x128xf32, #tpu.memory_space<hbm>> -> memref<1x4x1024x128xf32, #tpu.memory_space<hbm>>
        %dma_wait3A_684 = tpu.memref_squeeze %dma_wait3A_683 : memref<1x4x1024x128xf32, #tpu.memory_space<hbm>> -> memref<4x1024x128xf32, #tpu.memory_space<hbm>>
        %dma_wait3A_685 = arith.constant 0 : i32
        %dma_wait3A_686 = arith.constant 0 : i32
        %dma_wait3A_687 = tpu.memref_slice %dma_wait3A_684[%dma_wait3A_664, %dma_wait3A_685, %dma_wait3A_686] : memref<4x1024x128xf32, #tpu.memory_space<hbm>> -> memref<1x1024x128xf32, #tpu.memory_space<hbm>>
        %dma_wait3A_688 = tpu.memref_squeeze %dma_wait3A_687 : memref<1x1024x128xf32, #tpu.memory_space<hbm>> -> memref<1024x128xf32, #tpu.memory_space<hbm>>
        %dma_wait3A_689 = arith.constant 0 : i32
        %dma_wait3A_690 = arith.constant 0 : i32
        %dma_wait3A_691 = tpu.memref_slice %dma_wait3A_688[%dma_wait3A_689, %dma_wait3A_690] : memref<1024x128xf32, #tpu.memory_space<hbm>> -> memref<128x128xf32, #tpu.memory_space<hbm>>
        %dma_wait3A_692 = arith.constant 0 : i32
        %dma_wait3A_693 = arith.constant 0 : i32
        %dma_wait3A_694 = tpu.memref_slice %arg7[%dma_wait3A_692, %dma_wait3A_693] : memref<256x128xf32, #tpu.memory_space<vmem>> -> memref<128x128xf32, #tpu.memory_space<vmem>>
        tpu.wait_dma2 semaphore(%arg10 : memref<!tpu.dma_semaphore, #tpu.memory_space<semaphore_mem>>) src(%dma_wait3A_694 : memref<128x128xf32, #tpu.memory_space<vmem>>) dst(%dma_wait3A_691 : memref<128x128xf32, #tpu.memory_space<hbm>>)
      } else {
      }
      %parallel_loop3A = arith.constant 0 : i32
      %parallel_loop3A_342 = arith.constant 512 : i32
      %parallel_loop3A_343 = arith.constant 1 : i32
      %parallel_loop3A_344 = arith.constant 0 : i32
      scf.for %parallel_loop3A_663 = %parallel_loop3A to %parallel_loop3A_342 step %parallel_loop3A_343  : i32 {
        %parallel_loop3A_664 = arith.constant 128 : i32
        %parallel_loop3A_665 = arith.divsi %parallel_loop3A_663, %parallel_loop3A_664 : i32
        %parallel_loop3A_666 = arith.constant 0 : i32
        %parallel_loop3A_667 = arith.cmpi sgt, %parallel_loop3A_663, %parallel_loop3A_666 : i32
        %parallel_loop3A_668 = arith.extui %parallel_loop3A_667 : i1 to i32
        %parallel_loop3A_669 = arith.constant 0 : i32
        %parallel_loop3A_670 = arith.cmpi slt, %parallel_loop3A_663, %parallel_loop3A_669 : i32
        %parallel_loop3A_671 = arith.extui %parallel_loop3A_670 : i1 to i32
        %parallel_loop3A_672 = arith.subi %parallel_loop3A_668, %parallel_loop3A_671 : i32
        %parallel_loop3A_673 = arith.constant 0 : i32
        %parallel_loop3A_674 = arith.cmpi sgt, %parallel_loop3A_664, %parallel_loop3A_673 : i32
        %parallel_loop3A_675 = arith.extui %parallel_loop3A_674 : i1 to i32
        %parallel_loop3A_676 = arith.constant 0 : i32
        %parallel_loop3A_677 = arith.cmpi slt, %parallel_loop3A_664, %parallel_loop3A_676 : i32
        %parallel_loop3A_678 = arith.extui %parallel_loop3A_677 : i1 to i32
        %parallel_loop3A_679 = arith.subi %parallel_loop3A_675, %parallel_loop3A_678 : i32
        %parallel_loop3A_680 = arith.cmpi ne, %parallel_loop3A_672, %parallel_loop3A_679 : i32
        %parallel_loop3A_681 = arith.remsi %parallel_loop3A_663, %parallel_loop3A_664 : i32
        %parallel_loop3A_682 = arith.constant 0 : i32
        %parallel_loop3A_683 = arith.cmpi ne, %parallel_loop3A_681, %parallel_loop3A_682 : i32
        %parallel_loop3A_684 = arith.andi %parallel_loop3A_680, %parallel_loop3A_683 : i1
        %parallel_loop3A_685 = arith.constant 1 : i32
        %parallel_loop3A_686 = arith.subi %parallel_loop3A_665, %parallel_loop3A_685 : i32
        %parallel_loop3A_687 = arith.select %parallel_loop3A_684, %parallel_loop3A_686, %parallel_loop3A_665 : i32
        %parallel_loop3A_688 = arith.constant 128 : i32
        %parallel_loop3A_689 = arith.muli %parallel_loop3A_687, %parallel_loop3A_688 : i32
        %parallel_loop3A_690 = arith.subi %parallel_loop3A_663, %parallel_loop3A_689 : i32
        %parallel_loop3A_691 = arith.constant 0 : i32
        %parallel_loop3A_692 = vector.broadcast %parallel_loop3A_691 : i32 to vector<16xi32>
        %parallel_loop3A_693 = vector.broadcast %parallel_loop3A_690 : i32 to vector<16xi32>
        %parallel_loop3A_694 = arith.addi %parallel_loop3A_692, %parallel_loop3A_693 : vector<16xi32>
        %parallel_loop3A_695 = arith.constant 0 : i32
        %parallel_loop3A_696 = arith.constant 0 : i32
        %parallel_loop3A_697 = tpu.memref_slice %arg6[%parallel_loop3A_344, %parallel_loop3A_695, %parallel_loop3A_696] : memref<2x512x32xf32, #tpu.memory_space<vmem>> -> memref<1x512x32xf32, #tpu.memory_space<vmem>>
        %parallel_loop3A_698 = tpu.memref_squeeze %parallel_loop3A_697 : memref<1x512x32xf32, #tpu.memory_space<vmem>> -> memref<512x32xf32, #tpu.memory_space<vmem>>
        %parallel_loop3A_699 = arith.index_cast %parallel_loop3A_663 : i32 to index
        %parallel_loop3A_700 = arith.constant 0 : index
        %parallel_loop3A_701 = tpu.vector_load %parallel_loop3A_698[%parallel_loop3A_699, %parallel_loop3A_700] {strides = array<i32>} : memref<512x32xf32, #tpu.memory_space<vmem>>, vector<16xf32>,
        %parallel_loop3A_702 = arith.constant 8 : i32
        %parallel_loop3A_703 = arith.muli %parallel_loop3A_687, %parallel_loop3A_702 : i32
        %parallel_loop3A_704 = arith.constant 0 : i32
        %parallel_loop3A_705 = arith.addi %parallel_loop3A_704, %parallel_loop3A_703 : i32
        %parallel_loop3A_706 = vector.broadcast %parallel_loop3A_705 : i32 to vector<16xi32>
        %parallel_loop3A_707 = arith.addi %add3A_49, %parallel_loop3A_706 : vector<16xi32>
        tpu.vector_store_idx %arg7[%parallel_loop3A_707, %parallel_loop3A_694], %parallel_loop3A_701 : memref<256x128xf32, #tpu.memory_space<vmem>>[vector<16xi32>, vector<16xi32>], vector<16xf32>,
        %parallel_loop3A_708 = arith.constant 0 : i32
        %parallel_loop3A_709 = arith.constant 0 : i32
        %parallel_loop3A_710 = tpu.memref_slice %arg6[%parallel_loop3A_344, %parallel_loop3A_708, %parallel_loop3A_709] : memref<2x512x32xf32, #tpu.memory_space<vmem>> -> memref<1x512x32xf32, #tpu.memory_space<vmem>>
        %parallel_loop3A_711 = tpu.memref_squeeze %parallel_loop3A_710 : memref<1x512x32xf32, #tpu.memory_space<vmem>> -> memref<512x32xf32, #tpu.memory_space<vmem>>
        %parallel_loop3A_712 = arith.index_cast %parallel_loop3A_663 : i32 to index
        %parallel_loop3A_713 = arith.constant 16 : index
        %parallel_loop3A_714 = tpu.vector_load %parallel_loop3A_711[%parallel_loop3A_712, %parallel_loop3A_713] {strides = array<i32>} : memref<512x32xf32, #tpu.memory_space<vmem>>, vector<16xf32>,
        %parallel_loop3A_715 = arith.constant 8 : i32
        %parallel_loop3A_716 = arith.muli %parallel_loop3A_687, %parallel_loop3A_715 : i32
        %parallel_loop3A_717 = arith.constant 64 : i32
        %parallel_loop3A_718 = arith.addi %parallel_loop3A_717, %parallel_loop3A_716 : i32
        %parallel_loop3A_719 = vector.broadcast %parallel_loop3A_718 : i32 to vector<16xi32>
        %parallel_loop3A_720 = arith.addi %add3A_49, %parallel_loop3A_719 : vector<16xi32>
        tpu.vector_store_idx %arg7[%parallel_loop3A_720, %parallel_loop3A_694], %parallel_loop3A_714 : memref<256x128xf32, #tpu.memory_space<vmem>>[vector<16xi32>, vector<16xi32>], vector<16xf32>,
      } {sc.loop_unroll_factor = 16 : i64, sc.parallel_access}
      %mul3A_345 = arith.constant 8 : i32
      %mul3A_346 = arith.muli %mul3A_2, %mul3A_345 : i32
      %dma_start3A_347 = arith.constant 0 : i32
      %dma_start3A_348 = arith.constant 0 : i32
      %dma_start3A_349 = arith.constant 0 : i32
      %dma_start3A_350 = tpu.memref_slice %arg7[%dma_start3A_348, %dma_start3A_349] : memref<256x128xf32, #tpu.memory_space<vmem>> -> memref<32x128xf32, #tpu.memory_space<vmem>>
      %dma_start3A_351 = arith.constant 0 : i32
      %dma_start3A_352 = arith.constant 0 : i32
      %dma_start3A_353 = arith.constant 0 : i32
      %dma_start3A_354 = tpu.memref_slice %arg4[%add3A_283, %dma_start3A_351, %dma_start3A_352, %dma_start3A_353] : memref<200x4x1024x128xf32, #tpu.memory_space<hbm>> -> memref<1x4x1024x128xf32, #tpu.memory_space<hbm>>
      %dma_start3A_355 = tpu.memref_squeeze %dma_start3A_354 : memref<1x4x1024x128xf32, #tpu.memory_space<hbm>> -> memref<4x1024x128xf32, #tpu.memory_space<hbm>>
      %dma_start3A_356 = arith.constant 0 : i32
      %dma_start3A_357 = arith.constant 0 : i32
      %dma_start3A_358 = tpu.memref_slice %dma_start3A_355[%dma_start3A_347, %dma_start3A_356, %dma_start3A_357] : memref<4x1024x128xf32, #tpu.memory_space<hbm>> -> memref<1x1024x128xf32, #tpu.memory_space<hbm>>
      %dma_start3A_359 = tpu.memref_squeeze %dma_start3A_358 : memref<1x1024x128xf32, #tpu.memory_space<hbm>> -> memref<1024x128xf32, #tpu.memory_space<hbm>>
      %dma_start3A_360 = arith.constant 0 : i32
      %dma_start3A_361 = tpu.memref_slice %dma_start3A_359[%mul3A_346, %dma_start3A_360] : memref<1024x128xf32, #tpu.memory_space<hbm>> -> memref<32x128xf32, #tpu.memory_space<hbm>>
      %dma_start3A_362 = arith.constant 0 : i32
      %dma_start3A_363 = arith.constant 0 : i32
      %dma_start3A_364 = arith.constant 0 : i32
      %dma_start3A_365 = tpu.memref_slice %arg4[%add3A_283, %dma_start3A_362, %dma_start3A_363, %dma_start3A_364] : memref<200x4x1024x128xf32, #tpu.memory_space<hbm>> -> memref<1x4x1024x128xf32, #tpu.memory_space<hbm>>
      %dma_start3A_366 = tpu.memref_squeeze %dma_start3A_365 : memref<1x4x1024x128xf32, #tpu.memory_space<hbm>> -> memref<4x1024x128xf32, #tpu.memory_space<hbm>>
      %dma_start3A_367 = arith.constant 0 : i32
      %dma_start3A_368 = arith.constant 0 : i32
      %dma_start3A_369 = tpu.memref_slice %dma_start3A_366[%dma_start3A_347, %dma_start3A_367, %dma_start3A_368] : memref<4x1024x128xf32, #tpu.memory_space<hbm>> -> memref<1x1024x128xf32, #tpu.memory_space<hbm>>
      %dma_start3A_370 = tpu.memref_squeeze %dma_start3A_369 : memref<1x1024x128xf32, #tpu.memory_space<hbm>> -> memref<1024x128xf32, #tpu.memory_space<hbm>>
      %dma_start3A_371 = arith.constant 0 : i32
      %dma_start3A_372 = tpu.memref_slice %dma_start3A_370[%mul3A_346, %dma_start3A_371] : memref<1024x128xf32, #tpu.memory_space<hbm>> -> memref<32x128xf32, #tpu.memory_space<hbm>>
      %dma_start3A_373 = arith.constant 0 : i32
      %dma_start3A_374 = arith.constant 0 : i32
      %dma_start3A_375 = tpu.memref_slice %arg7[%dma_start3A_373, %dma_start3A_374] : memref<256x128xf32, #tpu.memory_space<vmem>> -> memref<32x128xf32, #tpu.memory_space<vmem>>
      tpu.enqueue_dma source(%dma_start3A_375 : memref<32x128xf32, #tpu.memory_space<vmem>>) target(%dma_start3A_372 : memref<32x128xf32, #tpu.memory_space<hbm>>) target_semaphore(%arg10 : memref<!tpu.dma_semaphore, #tpu.memory_space<semaphore_mem>>)
      %mul3A_376 = arith.constant 8 : i32
      %mul3A_377 = arith.muli %mul3A_2, %mul3A_376 : i32
      %dma_start3A_378 = arith.constant 1 : i32
      %dma_start3A_379 = arith.constant 32 : i32
      %dma_start3A_380 = arith.constant 0 : i32
      %dma_start3A_381 = tpu.memref_slice %arg7[%dma_start3A_379, %dma_start3A_380] : memref<256x128xf32, #tpu.memory_space<vmem>> -> memref<32x128xf32, #tpu.memory_space<vmem>>
      %dma_start3A_382 = arith.constant 0 : i32
      %dma_start3A_383 = arith.constant 0 : i32
      %dma_start3A_384 = arith.constant 0 : i32
      %dma_start3A_385 = tpu.memref_slice %arg4[%add3A_283, %dma_start3A_382, %dma_start3A_383, %dma_start3A_384] : memref<200x4x1024x128xf32, #tpu.memory_space<hbm>> -> memref<1x4x1024x128xf32, #tpu.memory_space<hbm>>
      %dma_start3A_386 = tpu.memref_squeeze %dma_start3A_385 : memref<1x4x1024x128xf32, #tpu.memory_space<hbm>> -> memref<4x1024x128xf32, #tpu.memory_space<hbm>>
      %dma_start3A_387 = arith.constant 0 : i32
      %dma_start3A_388 = arith.constant 0 : i32
      %dma_start3A_389 = tpu.memref_slice %dma_start3A_386[%dma_start3A_378, %dma_start3A_387, %dma_start3A_388] : memref<4x1024x128xf32, #tpu.memory_space<hbm>> -> memref<1x1024x128xf32, #tpu.memory_space<hbm>>
      %dma_start3A_390 = tpu.memref_squeeze %dma_start3A_389 : memref<1x1024x128xf32, #tpu.memory_space<hbm>> -> memref<1024x128xf32, #tpu.memory_space<hbm>>
      %dma_start3A_391 = arith.constant 0 : i32
      %dma_start3A_392 = tpu.memref_slice %dma_start3A_390[%mul3A_377, %dma_start3A_391] : memref<1024x128xf32, #tpu.memory_space<hbm>> -> memref<32x128xf32, #tpu.memory_space<hbm>>
      %dma_start3A_393 = arith.constant 0 : i32
      %dma_start3A_394 = arith.constant 0 : i32
      %dma_start3A_395 = arith.constant 0 : i32
      %dma_start3A_396 = tpu.memref_slice %arg4[%add3A_283, %dma_start3A_393, %dma_start3A_394, %dma_start3A_395] : memref<200x4x1024x128xf32, #tpu.memory_space<hbm>> -> memref<1x4x1024x128xf32, #tpu.memory_space<hbm>>
      %dma_start3A_397 = tpu.memref_squeeze %dma_start3A_396 : memref<1x4x1024x128xf32, #tpu.memory_space<hbm>> -> memref<4x1024x128xf32, #tpu.memory_space<hbm>>
      %dma_start3A_398 = arith.constant 0 : i32
      %dma_start3A_399 = arith.constant 0 : i32
      %dma_start3A_400 = tpu.memref_slice %dma_start3A_397[%dma_start3A_378, %dma_start3A_398, %dma_start3A_399] : memref<4x1024x128xf32, #tpu.memory_space<hbm>> -> memref<1x1024x128xf32, #tpu.memory_space<hbm>>
      %dma_start3A_401 = tpu.memref_squeeze %dma_start3A_400 : memref<1x1024x128xf32, #tpu.memory_space<hbm>> -> memref<1024x128xf32, #tpu.memory_space<hbm>>
      %dma_start3A_402 = arith.constant 0 : i32
      %dma_start3A_403 = tpu.memref_slice %dma_start3A_401[%mul3A_377, %dma_start3A_402] : memref<1024x128xf32, #tpu.memory_space<hbm>> -> memref<32x128xf32, #tpu.memory_space<hbm>>
      %dma_start3A_404 = arith.constant 32 : i32
      %dma_start3A_405 = arith.constant 0 : i32
      %dma_start3A_406 = tpu.memref_slice %arg7[%dma_start3A_404, %dma_start3A_405] : memref<256x128xf32, #tpu.memory_space<vmem>> -> memref<32x128xf32, #tpu.memory_space<vmem>>
      tpu.enqueue_dma source(%dma_start3A_406 : memref<32x128xf32, #tpu.memory_space<vmem>>) target(%dma_start3A_403 : memref<32x128xf32, #tpu.memory_space<hbm>>) target_semaphore(%arg10 : memref<!tpu.dma_semaphore, #tpu.memory_space<semaphore_mem>>)
      %mul3A_407 = arith.constant 8 : i32
      %mul3A_408 = arith.muli %mul3A_2, %mul3A_407 : i32
      %dma_start3A_409 = arith.constant 2 : i32
      %dma_start3A_410 = arith.constant 64 : i32
      %dma_start3A_411 = arith.constant 0 : i32
      %dma_start3A_412 = tpu.memref_slice %arg7[%dma_start3A_410, %dma_start3A_411] : memref<256x128xf32, #tpu.memory_space<vmem>> -> memref<32x128xf32, #tpu.memory_space<vmem>>
      %dma_start3A_413 = arith.constant 0 : i32
      %dma_start3A_414 = arith.constant 0 : i32
      %dma_start3A_415 = arith.constant 0 : i32
      %dma_start3A_416 = tpu.memref_slice %arg4[%add3A_283, %dma_start3A_413, %dma_start3A_414, %dma_start3A_415] : memref<200x4x1024x128xf32, #tpu.memory_space<hbm>> -> memref<1x4x1024x128xf32, #tpu.memory_space<hbm>>
      %dma_start3A_417 = tpu.memref_squeeze %dma_start3A_416 : memref<1x4x1024x128xf32, #tpu.memory_space<hbm>> -> memref<4x1024x128xf32, #tpu.memory_space<hbm>>
      %dma_start3A_418 = arith.constant 0 : i32
      %dma_start3A_419 = arith.constant 0 : i32
      %dma_start3A_420 = tpu.memref_slice %dma_start3A_417[%dma_start3A_409, %dma_start3A_418, %dma_start3A_419] : memref<4x1024x128xf32, #tpu.memory_space<hbm>> -> memref<1x1024x128xf32, #tpu.memory_space<hbm>>
      %dma_start3A_421 = tpu.memref_squeeze %dma_start3A_420 : memref<1x1024x128xf32, #tpu.memory_space<hbm>> -> memref<1024x128xf32, #tpu.memory_space<hbm>>
      %dma_start3A_422 = arith.constant 0 : i32
      %dma_start3A_423 = tpu.memref_slice %dma_start3A_421[%mul3A_408, %dma_start3A_422] : memref<1024x128xf32, #tpu.memory_space<hbm>> -> memref<32x128xf32, #tpu.memory_space<hbm>>
      %dma_start3A_424 = arith.constant 0 : i32
      %dma_start3A_425 = arith.constant 0 : i32
      %dma_start3A_426 = arith.constant 0 : i32
      %dma_start3A_427 = tpu.memref_slice %arg4[%add3A_283, %dma_start3A_424, %dma_start3A_425, %dma_start3A_426] : memref<200x4x1024x128xf32, #tpu.memory_space<hbm>> -> memref<1x4x1024x128xf32, #tpu.memory_space<hbm>>
      %dma_start3A_428 = tpu.memref_squeeze %dma_start3A_427 : memref<1x4x1024x128xf32, #tpu.memory_space<hbm>> -> memref<4x1024x128xf32, #tpu.memory_space<hbm>>
      %dma_start3A_429 = arith.constant 0 : i32
      %dma_start3A_430 = arith.constant 0 : i32
      %dma_start3A_431 = tpu.memref_slice %dma_start3A_428[%dma_start3A_409, %dma_start3A_429, %dma_start3A_430] : memref<4x1024x128xf32, #tpu.memory_space<hbm>> -> memref<1x1024x128xf32, #tpu.memory_space<hbm>>
      %dma_start3A_432 = tpu.memref_squeeze %dma_start3A_431 : memref<1x1024x128xf32, #tpu.memory_space<hbm>> -> memref<1024x128xf32, #tpu.memory_space<hbm>>
      %dma_start3A_433 = arith.constant 0 : i32
      %dma_start3A_434 = tpu.memref_slice %dma_start3A_432[%mul3A_408, %dma_start3A_433] : memref<1024x128xf32, #tpu.memory_space<hbm>> -> memref<32x128xf32, #tpu.memory_space<hbm>>
      %dma_start3A_435 = arith.constant 64 : i32
      %dma_start3A_436 = arith.constant 0 : i32
      %dma_start3A_437 = tpu.memref_slice %arg7[%dma_start3A_435, %dma_start3A_436] : memref<256x128xf32, #tpu.memory_space<vmem>> -> memref<32x128xf32, #tpu.memory_space<vmem>>
      tpu.enqueue_dma source(%dma_start3A_437 : memref<32x128xf32, #tpu.memory_space<vmem>>) target(%dma_start3A_434 : memref<32x128xf32, #tpu.memory_space<hbm>>) target_semaphore(%arg10 : memref<!tpu.dma_semaphore, #tpu.memory_space<semaphore_mem>>)
      %mul3A_438 = arith.constant 8 : i32
      %mul3A_439 = arith.muli %mul3A_2, %mul3A_438 : i32
      %dma_start3A_440 = arith.constant 3 : i32
      %dma_start3A_441 = arith.constant 96 : i32
      %dma_start3A_442 = arith.constant 0 : i32
      %dma_start3A_443 = tpu.memref_slice %arg7[%dma_start3A_441, %dma_start3A_442] : memref<256x128xf32, #tpu.memory_space<vmem>> -> memref<32x128xf32, #tpu.memory_space<vmem>>
      %dma_start3A_444 = arith.constant 0 : i32
      %dma_start3A_445 = arith.constant 0 : i32
      %dma_start3A_446 = arith.constant 0 : i32
      %dma_start3A_447 = tpu.memref_slice %arg4[%add3A_283, %dma_start3A_444, %dma_start3A_445, %dma_start3A_446] : memref<200x4x1024x128xf32, #tpu.memory_space<hbm>> -> memref<1x4x1024x128xf32, #tpu.memory_space<hbm>>
      %dma_start3A_448 = tpu.memref_squeeze %dma_start3A_447 : memref<1x4x1024x128xf32, #tpu.memory_space<hbm>> -> memref<4x1024x128xf32, #tpu.memory_space<hbm>>
      %dma_start3A_449 = arith.constant 0 : i32
      %dma_start3A_450 = arith.constant 0 : i32
      %dma_start3A_451 = tpu.memref_slice %dma_start3A_448[%dma_start3A_440, %dma_start3A_449, %dma_start3A_450] : memref<4x1024x128xf32, #tpu.memory_space<hbm>> -> memref<1x1024x128xf32, #tpu.memory_space<hbm>>
      %dma_start3A_452 = tpu.memref_squeeze %dma_start3A_451 : memref<1x1024x128xf32, #tpu.memory_space<hbm>> -> memref<1024x128xf32, #tpu.memory_space<hbm>>
      %dma_start3A_453 = arith.constant 0 : i32
      %dma_start3A_454 = tpu.memref_slice %dma_start3A_452[%mul3A_439, %dma_start3A_453] : memref<1024x128xf32, #tpu.memory_space<hbm>> -> memref<32x128xf32, #tpu.memory_space<hbm>>
      %dma_start3A_455 = arith.constant 0 : i32
      %dma_start3A_456 = arith.constant 0 : i32
      %dma_start3A_457 = arith.constant 0 : i32
      %dma_start3A_458 = tpu.memref_slice %arg4[%add3A_283, %dma_start3A_455, %dma_start3A_456, %dma_start3A_457] : memref<200x4x1024x128xf32, #tpu.memory_space<hbm>> -> memref<1x4x1024x128xf32, #tpu.memory_space<hbm>>
      %dma_start3A_459 = tpu.memref_squeeze %dma_start3A_458 : memref<1x4x1024x128xf32, #tpu.memory_space<hbm>> -> memref<4x1024x128xf32, #tpu.memory_space<hbm>>
      %dma_start3A_460 = arith.constant 0 : i32
      %dma_start3A_461 = arith.constant 0 : i32
      %dma_start3A_462 = tpu.memref_slice %dma_start3A_459[%dma_start3A_440, %dma_start3A_460, %dma_start3A_461] : memref<4x1024x128xf32, #tpu.memory_space<hbm>> -> memref<1x1024x128xf32, #tpu.memory_space<hbm>>
      %dma_start3A_463 = tpu.memref_squeeze %dma_start3A_462 : memref<1x1024x128xf32, #tpu.memory_space<hbm>> -> memref<1024x128xf32, #tpu.memory_space<hbm>>
      %dma_start3A_464 = arith.constant 0 : i32
      %dma_start3A_465 = tpu.memref_slice %dma_start3A_463[%mul3A_439, %dma_start3A_464] : memref<1024x128xf32, #tpu.memory_space<hbm>> -> memref<32x128xf32, #tpu.memory_space<hbm>>
      %dma_start3A_466 = arith.constant 96 : i32
      %dma_start3A_467 = arith.constant 0 : i32
      %dma_start3A_468 = tpu.memref_slice %arg7[%dma_start3A_466, %dma_start3A_467] : memref<256x128xf32, #tpu.memory_space<vmem>> -> memref<32x128xf32, #tpu.memory_space<vmem>>
      tpu.enqueue_dma source(%dma_start3A_468 : memref<32x128xf32, #tpu.memory_space<vmem>>) target(%dma_start3A_465 : memref<32x128xf32, #tpu.memory_space<hbm>>) target_semaphore(%arg10 : memref<!tpu.dma_semaphore, #tpu.memory_space<semaphore_mem>>)
      %mul3A_469 = arith.constant 2 : i32
      %mul3A_470 = arith.muli %scan3A_278, %mul3A_469 : i32
      %add3A_471 = arith.constant 1 : i32
      %add3A_472 = arith.addi %mul3A_470, %add3A_471 : i32
      %jit3A_473 = arith.constant 8 : i32
      %eq3A_474 = arith.constant 0 : i32
      %eq3A_475 = arith.cmpi eq, %jit3A_473, %eq3A_474 : i32
      %jit3A_476 = arith.constant 1 : i32
      %select_n3A_477 = arith.select %eq3A_475, %jit3A_476, %jit3A_473 : i32
      %rem3A_478 = arith.remsi %add3A_472, %select_n3A_477 : i32
      %ne3A_479 = arith.constant 0 : i32
      %ne3A_480 = arith.cmpi ne, %rem3A_478, %ne3A_479 : i32
      %lt3A_481 = arith.constant 0 : i32
      %lt3A_482 = arith.cmpi slt, %rem3A_478, %lt3A_481 : i32
      %lt3A_483 = arith.constant 0 : i32
      %lt3A_484 = arith.cmpi slt, %select_n3A_477, %lt3A_483 : i32
      %ne3A_485 = arith.xori %lt3A_482, %lt3A_484 : i1
      %and3A_486 = arith.andi %ne3A_485, %ne3A_480 : i1
      %add3A_487 = arith.addi %rem3A_478, %select_n3A_477 : i32
      %select_n3A_488 = arith.select %and3A_486, %add3A_487, %rem3A_478 : i32
      %eq3A_489 = arith.constant 0 : i32
      %eq3A_490 = arith.cmpi eq, %select_n3A_488, %eq3A_489 : i32
      %add3A_491 = arith.constant 8 : i32
      %add3A_492 = arith.addi %add3A_472, %add3A_491 : i32
      %lt3A_493 = arith.constant 200 : i32
      %lt3A_494 = arith.cmpi slt, %add3A_492, %lt3A_493 : i32
      %and3A_495 = arith.andi %eq3A_490, %lt3A_494 : i1
      %convert_element_type3A_496 = arith.extui %and3A_495 : i1 to i32
      %cond3A_497 = arith.constant 0 : i32
      %cond3A_498 = arith.cmpi ne, %convert_element_type3A_496, %cond3A_497 : i32
      scf.if %cond3A_498 {
        %jit3A_663 = arith.constant 8 : i32
        %div3A_664 = arith.divsi %add3A_472, %jit3A_663 : i32
        %sign3A_665 = arith.constant 0 : i32
        %sign3A_666 = arith.cmpi sgt, %add3A_472, %sign3A_665 : i32
        %sign3A_667 = arith.extui %sign3A_666 : i1 to i32
        %sign3A_668 = arith.constant 0 : i32
        %sign3A_669 = arith.cmpi slt, %add3A_472, %sign3A_668 : i32
        %sign3A_670 = arith.extui %sign3A_669 : i1 to i32
        %sign3A_671 = arith.subi %sign3A_667, %sign3A_670 : i32
        %sign3A_672 = arith.constant 0 : i32
        %sign3A_673 = arith.cmpi sgt, %jit3A_663, %sign3A_672 : i32
        %sign3A_674 = arith.extui %sign3A_673 : i1 to i32
        %sign3A_675 = arith.constant 0 : i32
        %sign3A_676 = arith.cmpi slt, %jit3A_663, %sign3A_675 : i32
        %sign3A_677 = arith.extui %sign3A_676 : i1 to i32
        %sign3A_678 = arith.subi %sign3A_674, %sign3A_677 : i32
        %ne3A_679 = arith.cmpi ne, %sign3A_671, %sign3A_678 : i32
        %rem3A_680 = arith.remsi %add3A_472, %jit3A_663 : i32
        %ne3A_681 = arith.constant 0 : i32
        %ne3A_682 = arith.cmpi ne, %rem3A_680, %ne3A_681 : i32
        %and3A_683 = arith.andi %ne3A_679, %ne3A_682 : i1
        %sub3A_684 = arith.constant 1 : i32
        %sub3A_685 = arith.subi %div3A_664, %sub3A_684 : i32
        %select_n3A_686 = arith.select %and3A_683, %sub3A_685, %div3A_664 : i32
        %add3A_687 = arith.constant 1 : i32
        %add3A_688 = arith.addi %select_n3A_686, %add3A_687 : i32
        %jit3A_689 = arith.constant 8 : i32
        %div3A_690 = arith.divsi %add3A_472, %jit3A_689 : i32
        %sign3A_691 = arith.constant 0 : i32
        %sign3A_692 = arith.cmpi sgt, %add3A_472, %sign3A_691 : i32
        %sign3A_693 = arith.extui %sign3A_692 : i1 to i32
        %sign3A_694 = arith.constant 0 : i32
        %sign3A_695 = arith.cmpi slt, %add3A_472, %sign3A_694 : i32
        %sign3A_696 = arith.extui %sign3A_695 : i1 to i32
        %sign3A_697 = arith.subi %sign3A_693, %sign3A_696 : i32
        %sign3A_698 = arith.constant 0 : i32
        %sign3A_699 = arith.cmpi sgt, %jit3A_689, %sign3A_698 : i32
        %sign3A_700 = arith.extui %sign3A_699 : i1 to i32
        %sign3A_701 = arith.constant 0 : i32
        %sign3A_702 = arith.cmpi slt, %jit3A_689, %sign3A_701 : i32
        %sign3A_703 = arith.extui %sign3A_702 : i1 to i32
        %sign3A_704 = arith.subi %sign3A_700, %sign3A_703 : i32
        %ne3A_705 = arith.cmpi ne, %sign3A_697, %sign3A_704 : i32
        %rem3A_706 = arith.remsi %add3A_472, %jit3A_689 : i32
        %ne3A_707 = arith.constant 0 : i32
        %ne3A_708 = arith.cmpi ne, %rem3A_706, %ne3A_707 : i32
        %and3A_709 = arith.andi %ne3A_705, %ne3A_708 : i1
        %sub3A_710 = arith.constant 1 : i32
        %sub3A_711 = arith.subi %div3A_690, %sub3A_710 : i32
        %select_n3A_712 = arith.select %and3A_709, %sub3A_711, %div3A_690 : i32
        %add3A_713 = arith.constant 1 : i32
        %add3A_714 = arith.addi %select_n3A_712, %add3A_713 : i32
        %jit3A_715 = arith.constant 2 : i32
        %eq3A_716 = arith.constant 0 : i32
        %eq3A_717 = arith.cmpi eq, %jit3A_715, %eq3A_716 : i32
        %jit3A_718 = arith.constant 1 : i32
        %select_n3A_719 = arith.select %eq3A_717, %jit3A_718, %jit3A_715 : i32
        %rem3A_720 = arith.remsi %add3A_714, %select_n3A_719 : i32
        %ne3A_721 = arith.constant 0 : i32
        %ne3A_722 = arith.cmpi ne, %rem3A_720, %ne3A_721 : i32
        %lt3A_723 = arith.constant 0 : i32
        %lt3A_724 = arith.cmpi slt, %rem3A_720, %lt3A_723 : i32
        %lt3A_725 = arith.constant 0 : i32
        %lt3A_726 = arith.cmpi slt, %select_n3A_719, %lt3A_725 : i32
        %ne3A_727 = arith.xori %lt3A_724, %lt3A_726 : i1
        %and3A_728 = arith.andi %ne3A_727, %ne3A_722 : i1
        %add3A_729 = arith.addi %rem3A_720, %select_n3A_719 : i32
        %select_n3A_730 = arith.select %and3A_728, %add3A_729, %rem3A_720 : i32
        %dma_start3A_731 = arith.constant 0 : i32
        %dma_start3A_732 = arith.constant 0 : i32
        %dma_start3A_733 = arith.constant 0 : i32
        %dma_start3A_734 = tpu.memref_slice %arg5[%select_n3A_730, %dma_start3A_731, %dma_start3A_732, %dma_start3A_733] : memref<2x4x8x128xi32, #tpu.memory_space<vmem>> -> memref<1x4x8x128xi32, #tpu.memory_space<vmem>>
        %dma_start3A_735 = tpu.memref_squeeze %dma_start3A_734 : memref<1x4x8x128xi32, #tpu.memory_space<vmem>> -> memref<4x8x128xi32, #tpu.memory_space<vmem>>
        %dma_start3A_736 = arith.constant 0 : i32
        %dma_start3A_737 = arith.constant 0 : i32
        %dma_start3A_738 = arith.constant 0 : i32
        %dma_start3A_739 = tpu.memref_slice %arg3[%add3A_688, %dma_start3A_736, %dma_start3A_737, %dma_start3A_738] : memref<25x128x8x128xi32, #tpu.memory_space<hbm>> -> memref<1x128x8x128xi32, #tpu.memory_space<hbm>>
        %dma_start3A_740 = tpu.memref_squeeze %dma_start3A_739 : memref<1x128x8x128xi32, #tpu.memory_space<hbm>> -> memref<128x8x128xi32, #tpu.memory_space<hbm>>
        %dma_start3A_741 = arith.constant 0 : i32
        %dma_start3A_742 = arith.constant 0 : i32
        %dma_start3A_743 = tpu.memref_slice %dma_start3A_740[%mul3A_2, %dma_start3A_741, %dma_start3A_742] : memref<128x8x128xi32, #tpu.memory_space<hbm>> -> memref<4x8x128xi32, #tpu.memory_space<hbm>>
        %dma_start3A_744 = arith.constant 0 : i32
        %dma_start3A_745 = arith.constant 0 : i32
        %dma_start3A_746 = arith.constant 0 : i32
        %dma_start3A_747 = tpu.memref_slice %arg5[%select_n3A_730, %dma_start3A_744, %dma_start3A_745, %dma_start3A_746] : memref<2x4x8x128xi32, #tpu.memory_space<vmem>> -> memref<1x4x8x128xi32, #tpu.memory_space<vmem>>
        %dma_start3A_748 = tpu.memref_squeeze %dma_start3A_747 : memref<1x4x8x128xi32, #tpu.memory_space<vmem>> -> memref<4x8x128xi32, #tpu.memory_space<vmem>>
        %dma_start3A_749 = arith.constant 0 : i32
        %dma_start3A_750 = arith.constant 0 : i32
        %dma_start3A_751 = arith.constant 0 : i32
        %dma_start3A_752 = tpu.memref_slice %arg3[%add3A_688, %dma_start3A_749, %dma_start3A_750, %dma_start3A_751] : memref<25x128x8x128xi32, #tpu.memory_space<hbm>> -> memref<1x128x8x128xi32, #tpu.memory_space<hbm>>
        %dma_start3A_753 = tpu.memref_squeeze %dma_start3A_752 : memref<1x128x8x128xi32, #tpu.memory_space<hbm>> -> memref<128x8x128xi32, #tpu.memory_space<hbm>>
        %dma_start3A_754 = arith.constant 0 : i32
        %dma_start3A_755 = arith.constant 0 : i32
        %dma_start3A_756 = tpu.memref_slice %dma_start3A_753[%mul3A_2, %dma_start3A_754, %dma_start3A_755] : memref<128x8x128xi32, #tpu.memory_space<hbm>> -> memref<4x8x128xi32, #tpu.memory_space<hbm>>
        tpu.enqueue_dma source(%dma_start3A_756 : memref<4x8x128xi32, #tpu.memory_space<hbm>>) target(%dma_start3A_748 : memref<4x8x128xi32, #tpu.memory_space<vmem>>) target_semaphore(%arg8 : memref<!tpu.dma_semaphore, #tpu.memory_space<semaphore_mem>>)
      } else {
      }
      %dma_wait3A_499 = arith.constant 0 : i32
      %dma_wait3A_500 = arith.constant 0 : i32
      %dma_wait3A_501 = arith.constant 0 : i32
      %dma_wait3A_502 = arith.constant 1 : i32
      %dma_wait3A_503 = arith.constant 0 : i32
      %dma_wait3A_504 = arith.constant 0 : i32
      %dma_wait3A_505 = tpu.memref_slice %arg6[%dma_wait3A_502, %dma_wait3A_503, %dma_wait3A_504] : memref<2x512x32xf32, #tpu.memory_space<vmem>> -> memref<1x512x32xf32, #tpu.memory_space<vmem>>
      %dma_wait3A_506 = tpu.memref_squeeze %dma_wait3A_505 : memref<1x512x32xf32, #tpu.memory_space<vmem>> -> memref<512x32xf32, #tpu.memory_space<vmem>>
      %dma_wait3A_507 = arith.constant 0 : i32
      %dma_wait3A_508 = arith.constant 0 : i32
      %dma_wait3A_509 = arith.constant 0 : i32
      %dma_wait3A_510 = tpu.memref_slice %arg5[%dma_wait3A_499, %dma_wait3A_507, %dma_wait3A_508, %dma_wait3A_509] : memref<2x4x8x128xi32, #tpu.memory_space<vmem>> -> memref<1x4x8x128xi32, #tpu.memory_space<vmem>>
      %dma_wait3A_511 = tpu.memref_squeeze %dma_wait3A_510 : memref<1x4x8x128xi32, #tpu.memory_space<vmem>> -> memref<4x8x128xi32, #tpu.memory_space<vmem>>
      %dma_wait3A_512 = arith.constant 0 : i32
      %dma_wait3A_513 = arith.constant 0 : i32
      %dma_wait3A_514 = tpu.memref_slice %dma_wait3A_511[%dma_wait3A_500, %dma_wait3A_512, %dma_wait3A_513] : memref<4x8x128xi32, #tpu.memory_space<vmem>> -> memref<1x8x128xi32, #tpu.memory_space<vmem>>
      %dma_wait3A_515 = tpu.memref_squeeze %dma_wait3A_514 : memref<1x8x128xi32, #tpu.memory_space<vmem>> -> memref<8x128xi32, #tpu.memory_space<vmem>>
      %dma_wait3A_516 = arith.constant 0 : i32
      %dma_wait3A_517 = tpu.memref_slice %dma_wait3A_515[%dma_wait3A_501, %dma_wait3A_516] : memref<8x128xi32, #tpu.memory_space<vmem>> -> memref<1x128xi32, #tpu.memory_space<vmem>>
      %dma_wait3A_518 = tpu.memref_squeeze %dma_wait3A_517 : memref<1x128xi32, #tpu.memory_space<vmem>> -> memref<128xi32, #tpu.memory_space<vmem>>
      %dma_wait3A_519 = arith.constant 0 : i32
      %dma_wait3A_520 = arith.constant 0 : i32
      %dma_wait3A_521 = tpu.memref_slice %arg2[%dma_wait3A_519, %dma_wait3A_520] : memref<1000000x32xf32, #tpu.memory_space<hbm>> -> memref<1000000x32xf32, #tpu.memory_space<hbm>>
      tpu.wait_indirect_dma semaphore(%arg9 : memref<!tpu.dma_semaphore, #tpu.memory_space<semaphore_mem>>) src(%dma_wait3A_521 : memref<1000000x32xf32, #tpu.memory_space<hbm>>) dst(%dma_wait3A_506 : memref<512x32xf32, #tpu.memory_space<vmem>>)
      %add3A_522 = arith.constant 1 : i32
      %add3A_523 = arith.addi %add3A_472, %add3A_522 : i32
      %lt3A_524 = arith.constant 200 : i32
      %lt3A_525 = arith.cmpi slt, %add3A_523, %lt3A_524 : i32
      %convert_element_type3A_526 = arith.extui %lt3A_525 : i1 to i32
      %cond3A_527 = arith.constant 0 : i32
      %cond3A_528 = arith.cmpi ne, %convert_element_type3A_526, %cond3A_527 : i32
      scf.if %cond3A_528 {
        %add3A_663 = arith.constant 1 : i32
        %add3A_664 = arith.addi %add3A_472, %add3A_663 : i32
        %jit3A_665 = arith.constant 8 : i32
        %eq3A_666 = arith.constant 0 : i32
        %eq3A_667 = arith.cmpi eq, %jit3A_665, %eq3A_666 : i32
        %jit3A_668 = arith.constant 1 : i32
        %select_n3A_669 = arith.select %eq3A_667, %jit3A_668, %jit3A_665 : i32
        %rem3A_670 = arith.remsi %add3A_664, %select_n3A_669 : i32
        %ne3A_671 = arith.constant 0 : i32
        %ne3A_672 = arith.cmpi ne, %rem3A_670, %ne3A_671 : i32
        %lt3A_673 = arith.constant 0 : i32
        %lt3A_674 = arith.cmpi slt, %rem3A_670, %lt3A_673 : i32
        %lt3A_675 = arith.constant 0 : i32
        %lt3A_676 = arith.cmpi slt, %select_n3A_669, %lt3A_675 : i32
        %ne3A_677 = arith.xori %lt3A_674, %lt3A_676 : i1
        %and3A_678 = arith.andi %ne3A_677, %ne3A_672 : i1
        %add3A_679 = arith.addi %rem3A_670, %select_n3A_669 : i32
        %select_n3A_680 = arith.select %and3A_678, %add3A_679, %rem3A_670 : i32
        %eq3A_681 = arith.constant 0 : i32
        %eq3A_682 = arith.cmpi eq, %select_n3A_680, %eq3A_681 : i32
        %convert_element_type3A_683 = arith.extui %eq3A_682 : i1 to i32
        %cond3A_684 = arith.constant 0 : i32
        %cond3A_685 = arith.cmpi ne, %convert_element_type3A_683, %cond3A_684 : i32
        scf.if %cond3A_685 {
          %add3A_840 = arith.constant 1 : i32
          %add3A_841 = arith.addi %add3A_472, %add3A_840 : i32
          %jit3A_842 = arith.constant 8 : i32
          %div3A_843 = arith.divsi %add3A_841, %jit3A_842 : i32
          %sign3A_844 = arith.constant 0 : i32
          %sign3A_845 = arith.cmpi sgt, %add3A_841, %sign3A_844 : i32
          %sign3A_846 = arith.extui %sign3A_845 : i1 to i32
          %sign3A_847 = arith.constant 0 : i32
          %sign3A_848 = arith.cmpi slt, %add3A_841, %sign3A_847 : i32
          %sign3A_849 = arith.extui %sign3A_848 : i1 to i32
          %sign3A_850 = arith.subi %sign3A_846, %sign3A_849 : i32
          %sign3A_851 = arith.constant 0 : i32
          %sign3A_852 = arith.cmpi sgt, %jit3A_842, %sign3A_851 : i32
          %sign3A_853 = arith.extui %sign3A_852 : i1 to i32
          %sign3A_854 = arith.constant 0 : i32
          %sign3A_855 = arith.cmpi slt, %jit3A_842, %sign3A_854 : i32
          %sign3A_856 = arith.extui %sign3A_855 : i1 to i32
          %sign3A_857 = arith.subi %sign3A_853, %sign3A_856 : i32
          %ne3A_858 = arith.cmpi ne, %sign3A_850, %sign3A_857 : i32
          %rem3A_859 = arith.remsi %add3A_841, %jit3A_842 : i32
          %ne3A_860 = arith.constant 0 : i32
          %ne3A_861 = arith.cmpi ne, %rem3A_859, %ne3A_860 : i32
          %and3A_862 = arith.andi %ne3A_858, %ne3A_861 : i1
          %sub3A_863 = arith.constant 1 : i32
          %sub3A_864 = arith.subi %div3A_843, %sub3A_863 : i32
          %select_n3A_865 = arith.select %and3A_862, %sub3A_864, %div3A_843 : i32
          %jit3A_866 = arith.constant 2 : i32
          %eq3A_867 = arith.constant 0 : i32
          %eq3A_868 = arith.cmpi eq, %jit3A_866, %eq3A_867 : i32
          %jit3A_869 = arith.constant 1 : i32
          %select_n3A_870 = arith.select %eq3A_868, %jit3A_869, %jit3A_866 : i32
          %rem3A_871 = arith.remsi %select_n3A_865, %select_n3A_870 : i32
          %ne3A_872 = arith.constant 0 : i32
          %ne3A_873 = arith.cmpi ne, %rem3A_871, %ne3A_872 : i32
          %lt3A_874 = arith.constant 0 : i32
          %lt3A_875 = arith.cmpi slt, %rem3A_871, %lt3A_874 : i32
          %lt3A_876 = arith.constant 0 : i32
          %lt3A_877 = arith.cmpi slt, %select_n3A_870, %lt3A_876 : i32
          %ne3A_878 = arith.xori %lt3A_875, %lt3A_877 : i1
          %and3A_879 = arith.andi %ne3A_878, %ne3A_873 : i1
          %add3A_880 = arith.addi %rem3A_871, %select_n3A_870 : i32
          %select_n3A_881 = arith.select %and3A_879, %add3A_880, %rem3A_871 : i32
          %dma_wait3A_882 = arith.constant 0 : i32
          %dma_wait3A_883 = arith.constant 0 : i32
          %dma_wait3A_884 = arith.constant 0 : i32
          %dma_wait3A_885 = arith.constant 0 : i32
          %dma_wait3A_886 = tpu.memref_slice %arg5[%select_n3A_881, %dma_wait3A_883, %dma_wait3A_884, %dma_wait3A_885] : memref<2x4x8x128xi32, #tpu.memory_space<vmem>> -> memref<1x4x8x128xi32, #tpu.memory_space<vmem>>
          %dma_wait3A_887 = tpu.memref_squeeze %dma_wait3A_886 : memref<1x4x8x128xi32, #tpu.memory_space<vmem>> -> memref<4x8x128xi32, #tpu.memory_space<vmem>>
          %dma_wait3A_888 = arith.constant 0 : i32
          %dma_wait3A_889 = arith.constant 0 : i32
          %dma_wait3A_890 = arith.constant 0 : i32
          %dma_wait3A_891 = tpu.memref_slice %arg3[%dma_wait3A_882, %dma_wait3A_888, %dma_wait3A_889, %dma_wait3A_890] : memref<25x128x8x128xi32, #tpu.memory_space<hbm>> -> memref<1x128x8x128xi32, #tpu.memory_space<hbm>>
          %dma_wait3A_892 = tpu.memref_squeeze %dma_wait3A_891 : memref<1x128x8x128xi32, #tpu.memory_space<hbm>> -> memref<128x8x128xi32, #tpu.memory_space<hbm>>
          %dma_wait3A_893 = arith.constant 0 : i32
          %dma_wait3A_894 = arith.constant 0 : i32
          %dma_wait3A_895 = tpu.memref_slice %dma_wait3A_892[%mul3A_2, %dma_wait3A_893, %dma_wait3A_894] : memref<128x8x128xi32, #tpu.memory_space<hbm>> -> memref<4x8x128xi32, #tpu.memory_space<hbm>>
          %dma_wait3A_896 = arith.constant 0 : i32
          %dma_wait3A_897 = arith.constant 0 : i32
          %dma_wait3A_898 = arith.constant 0 : i32
          %dma_wait3A_899 = tpu.memref_slice %arg5[%select_n3A_881, %dma_wait3A_896, %dma_wait3A_897, %dma_wait3A_898] : memref<2x4x8x128xi32, #tpu.memory_space<vmem>> -> memref<1x4x8x128xi32, #tpu.memory_space<vmem>>
          %dma_wait3A_900 = tpu.memref_squeeze %dma_wait3A_899 : memref<1x4x8x128xi32, #tpu.memory_space<vmem>> -> memref<4x8x128xi32, #tpu.memory_space<vmem>>
          %dma_wait3A_901 = arith.constant 0 : i32
          %dma_wait3A_902 = arith.constant 0 : i32
          %dma_wait3A_903 = arith.constant 0 : i32
          %dma_wait3A_904 = tpu.memref_slice %arg3[%dma_wait3A_882, %dma_wait3A_901, %dma_wait3A_902, %dma_wait3A_903] : memref<25x128x8x128xi32, #tpu.memory_space<hbm>> -> memref<1x128x8x128xi32, #tpu.memory_space<hbm>>
          %dma_wait3A_905 = tpu.memref_squeeze %dma_wait3A_904 : memref<1x128x8x128xi32, #tpu.memory_space<hbm>> -> memref<128x8x128xi32, #tpu.memory_space<hbm>>
          %dma_wait3A_906 = arith.constant 0 : i32
          %dma_wait3A_907 = arith.constant 0 : i32
          %dma_wait3A_908 = tpu.memref_slice %dma_wait3A_905[%mul3A_2, %dma_wait3A_906, %dma_wait3A_907] : memref<128x8x128xi32, #tpu.memory_space<hbm>> -> memref<4x8x128xi32, #tpu.memory_space<hbm>>
          tpu.wait_dma2 semaphore(%arg8 : memref<!tpu.dma_semaphore, #tpu.memory_space<semaphore_mem>>) src(%dma_wait3A_908 : memref<4x8x128xi32, #tpu.memory_space<hbm>>) dst(%dma_wait3A_900 : memref<4x8x128xi32, #tpu.memory_space<vmem>>)
        } else {
        }
        %add3A_686 = arith.constant 1 : i32
        %add3A_687 = arith.addi %add3A_472, %add3A_686 : i32
        %jit3A_688 = arith.constant 8 : i32
        %eq3A_689 = arith.constant 0 : i32
        %eq3A_690 = arith.cmpi eq, %jit3A_688, %eq3A_689 : i32
        %jit3A_691 = arith.constant 1 : i32
        %select_n3A_692 = arith.select %eq3A_690, %jit3A_691, %jit3A_688 : i32
        %rem3A_693 = arith.remsi %add3A_687, %select_n3A_692 : i32
        %ne3A_694 = arith.constant 0 : i32
        %ne3A_695 = arith.cmpi ne, %rem3A_693, %ne3A_694 : i32
        %lt3A_696 = arith.constant 0 : i32
        %lt3A_697 = arith.cmpi slt, %rem3A_693, %lt3A_696 : i32
        %lt3A_698 = arith.constant 0 : i32
        %lt3A_699 = arith.cmpi slt, %select_n3A_692, %lt3A_698 : i32
        %ne3A_700 = arith.xori %lt3A_697, %lt3A_699 : i1
        %and3A_701 = arith.andi %ne3A_700, %ne3A_695 : i1
        %add3A_702 = arith.addi %rem3A_693, %select_n3A_692 : i32
        %select_n3A_703 = arith.select %and3A_701, %add3A_702, %rem3A_693 : i32
        %jit3A_704 = arith.constant 8 : i32
        %div3A_705 = arith.divsi %add3A_687, %jit3A_704 : i32
        %sign3A_706 = arith.constant 0 : i32
        %sign3A_707 = arith.cmpi sgt, %add3A_687, %sign3A_706 : i32
        %sign3A_708 = arith.extui %sign3A_707 : i1 to i32
        %sign3A_709 = arith.constant 0 : i32
        %sign3A_710 = arith.cmpi slt, %add3A_687, %sign3A_709 : i32
        %sign3A_711 = arith.extui %sign3A_710 : i1 to i32
        %sign3A_712 = arith.subi %sign3A_708, %sign3A_711 : i32
        %sign3A_713 = arith.constant 0 : i32
        %sign3A_714 = arith.cmpi sgt, %jit3A_704, %sign3A_713 : i32
        %sign3A_715 = arith.extui %sign3A_714 : i1 to i32
        %sign3A_716 = arith.constant 0 : i32
        %sign3A_717 = arith.cmpi slt, %jit3A_704, %sign3A_716 : i32
        %sign3A_718 = arith.extui %sign3A_717 : i1 to i32
        %sign3A_719 = arith.subi %sign3A_715, %sign3A_718 : i32
        %ne3A_720 = arith.cmpi ne, %sign3A_712, %sign3A_719 : i32
        %rem3A_721 = arith.remsi %add3A_687, %jit3A_704 : i32
        %ne3A_722 = arith.constant 0 : i32
        %ne3A_723 = arith.cmpi ne, %rem3A_721, %ne3A_722 : i32
        %and3A_724 = arith.andi %ne3A_720, %ne3A_723 : i1
        %sub3A_725 = arith.constant 1 : i32
        %sub3A_726 = arith.subi %div3A_705, %sub3A_725 : i32
        %select_n3A_727 = arith.select %and3A_724, %sub3A_726, %div3A_705 : i32
        %jit3A_728 = arith.constant 2 : i32
        %eq3A_729 = arith.constant 0 : i32
        %eq3A_730 = arith.cmpi eq, %jit3A_728, %eq3A_729 : i32
        %jit3A_731 = arith.constant 1 : i32
        %select_n3A_732 = arith.select %eq3A_730, %jit3A_731, %jit3A_728 : i32
        %rem3A_733 = arith.remsi %select_n3A_727, %select_n3A_732 : i32
        %ne3A_734 = arith.constant 0 : i32
        %ne3A_735 = arith.cmpi ne, %rem3A_733, %ne3A_734 : i32
        %lt3A_736 = arith.constant 0 : i32
        %lt3A_737 = arith.cmpi slt, %rem3A_733, %lt3A_736 : i32
        %lt3A_738 = arith.constant 0 : i32
        %lt3A_739 = arith.cmpi slt, %select_n3A_732, %lt3A_738 : i32
        %ne3A_740 = arith.xori %lt3A_737, %lt3A_739 : i1
        %and3A_741 = arith.andi %ne3A_740, %ne3A_735 : i1
        %add3A_742 = arith.addi %rem3A_733, %select_n3A_732 : i32
        %select_n3A_743 = arith.select %and3A_741, %add3A_742, %rem3A_733 : i32
        %dma_start3A_744 = arith.constant 0 : i32
        %dma_start3A_745 = arith.constant 0 : i32
        %dma_start3A_746 = arith.constant 0 : i32
        %dma_start3A_747 = arith.constant 0 : i32
        %dma_start3A_748 = tpu.memref_slice %arg6[%dma_start3A_745, %dma_start3A_746, %dma_start3A_747] : memref<2x512x32xf32, #tpu.memory_space<vmem>> -> memref<1x512x32xf32, #tpu.memory_space<vmem>>
        %dma_start3A_749 = tpu.memref_squeeze %dma_start3A_748 : memref<1x512x32xf32, #tpu.memory_space<vmem>> -> memref<512x32xf32, #tpu.memory_space<vmem>>
        %dma_start3A_750 = arith.constant 0 : i32
        %dma_start3A_751 = arith.constant 0 : i32
        %dma_start3A_752 = tpu.memref_slice %dma_start3A_749[%dma_start3A_750, %dma_start3A_751] : memref<512x32xf32, #tpu.memory_space<vmem>> -> memref<128x32xf32, #tpu.memory_space<vmem>>
        %dma_start3A_753 = arith.constant 0 : i32
        %dma_start3A_754 = arith.constant 0 : i32
        %dma_start3A_755 = arith.constant 0 : i32
        %dma_start3A_756 = tpu.memref_slice %arg5[%select_n3A_743, %dma_start3A_753, %dma_start3A_754, %dma_start3A_755] : memref<2x4x8x128xi32, #tpu.memory_space<vmem>> -> memref<1x4x8x128xi32, #tpu.memory_space<vmem>>
        %dma_start3A_757 = tpu.memref_squeeze %dma_start3A_756 : memref<1x4x8x128xi32, #tpu.memory_space<vmem>> -> memref<4x8x128xi32, #tpu.memory_space<vmem>>
        %dma_start3A_758 = arith.constant 0 : i32
        %dma_start3A_759 = arith.constant 0 : i32
        %dma_start3A_760 = tpu.memref_slice %dma_start3A_757[%dma_start3A_744, %dma_start3A_758, %dma_start3A_759] : memref<4x8x128xi32, #tpu.memory_space<vmem>> -> memref<1x8x128xi32, #tpu.memory_space<vmem>>
        %dma_start3A_761 = tpu.memref_squeeze %dma_start3A_760 : memref<1x8x128xi32, #tpu.memory_space<vmem>> -> memref<8x128xi32, #tpu.memory_space<vmem>>
        %dma_start3A_762 = arith.constant 0 : i32
        %dma_start3A_763 = tpu.memref_slice %dma_start3A_761[%select_n3A_703, %dma_start3A_762] : memref<8x128xi32, #tpu.memory_space<vmem>> -> memref<1x128xi32, #tpu.memory_space<vmem>>
        %dma_start3A_764 = tpu.memref_squeeze %dma_start3A_763 : memref<1x128xi32, #tpu.memory_space<vmem>> -> memref<128xi32, #tpu.memory_space<vmem>>
        %dma_start3A_765 = arith.constant 0 : i32
        %dma_start3A_766 = arith.constant 0 : i32
        %dma_start3A_767 = tpu.memref_slice %arg2[%dma_start3A_765, %dma_start3A_766] : memref<1000000x32xf32, #tpu.memory_space<hbm>> -> memref<1000000x32xf32, #tpu.memory_space<hbm>>
        tpu.enqueue_indirect_dma source(%dma_start3A_767 : memref<1000000x32xf32, #tpu.memory_space<hbm>>) target(%dma_start3A_752 : memref<128x32xf32, #tpu.memory_space<vmem>>) offsets(%dma_start3A_764 : memref<128xi32, #tpu.memory_space<vmem>>) semaphore(%arg9 : memref<!tpu.dma_semaphore, #tpu.memory_space<semaphore_mem>>)
        %dma_start3A_768 = arith.constant 1 : i32
        %dma_start3A_769 = arith.constant 0 : i32
        %dma_start3A_770 = arith.constant 0 : i32
        %dma_start3A_771 = arith.constant 0 : i32
        %dma_start3A_772 = tpu.memref_slice %arg6[%dma_start3A_769, %dma_start3A_770, %dma_start3A_771] : memref<2x512x32xf32, #tpu.memory_space<vmem>> -> memref<1x512x32xf32, #tpu.memory_space<vmem>>
        %dma_start3A_773 = tpu.memref_squeeze %dma_start3A_772 : memref<1x512x32xf32, #tpu.memory_space<vmem>> -> memref<512x32xf32, #tpu.memory_space<vmem>>
        %dma_start3A_774 = arith.constant 128 : i32
        %dma_start3A_775 = arith.constant 0 : i32
        %dma_start3A_776 = tpu.memref_slice %dma_start3A_773[%dma_start3A_774, %dma_start3A_775] : memref<512x32xf32, #tpu.memory_space<vmem>> -> memref<128x32xf32, #tpu.memory_space<vmem>>
        %dma_start3A_777 = arith.constant 0 : i32
        %dma_start3A_778 = arith.constant 0 : i32
        %dma_start3A_779 = arith.constant 0 : i32
        %dma_start3A_780 = tpu.memref_slice %arg5[%select_n3A_743, %dma_start3A_777, %dma_start3A_778, %dma_start3A_779] : memref<2x4x8x128xi32, #tpu.memory_space<vmem>> -> memref<1x4x8x128xi32, #tpu.memory_space<vmem>>
        %dma_start3A_781 = tpu.memref_squeeze %dma_start3A_780 : memref<1x4x8x128xi32, #tpu.memory_space<vmem>> -> memref<4x8x128xi32, #tpu.memory_space<vmem>>
        %dma_start3A_782 = arith.constant 0 : i32
        %dma_start3A_783 = arith.constant 0 : i32
        %dma_start3A_784 = tpu.memref_slice %dma_start3A_781[%dma_start3A_768, %dma_start3A_782, %dma_start3A_783] : memref<4x8x128xi32, #tpu.memory_space<vmem>> -> memref<1x8x128xi32, #tpu.memory_space<vmem>>
        %dma_start3A_785 = tpu.memref_squeeze %dma_start3A_784 : memref<1x8x128xi32, #tpu.memory_space<vmem>> -> memref<8x128xi32, #tpu.memory_space<vmem>>
        %dma_start3A_786 = arith.constant 0 : i32
        %dma_start3A_787 = tpu.memref_slice %dma_start3A_785[%select_n3A_703, %dma_start3A_786] : memref<8x128xi32, #tpu.memory_space<vmem>> -> memref<1x128xi32, #tpu.memory_space<vmem>>
        %dma_start3A_788 = tpu.memref_squeeze %dma_start3A_787 : memref<1x128xi32, #tpu.memory_space<vmem>> -> memref<128xi32, #tpu.memory_space<vmem>>
        %dma_start3A_789 = arith.constant 0 : i32
        %dma_start3A_790 = arith.constant 0 : i32
        %dma_start3A_791 = tpu.memref_slice %arg2[%dma_start3A_789, %dma_start3A_790] : memref<1000000x32xf32, #tpu.memory_space<hbm>> -> memref<1000000x32xf32, #tpu.memory_space<hbm>>
        tpu.enqueue_indirect_dma source(%dma_start3A_791 : memref<1000000x32xf32, #tpu.memory_space<hbm>>) target(%dma_start3A_776 : memref<128x32xf32, #tpu.memory_space<vmem>>) offsets(%dma_start3A_788 : memref<128xi32, #tpu.memory_space<vmem>>) semaphore(%arg9 : memref<!tpu.dma_semaphore, #tpu.memory_space<semaphore_mem>>)
        %dma_start3A_792 = arith.constant 2 : i32
        %dma_start3A_793 = arith.constant 0 : i32
        %dma_start3A_794 = arith.constant 0 : i32
        %dma_start3A_795 = arith.constant 0 : i32
        %dma_start3A_796 = tpu.memref_slice %arg6[%dma_start3A_793, %dma_start3A_794, %dma_start3A_795] : memref<2x512x32xf32, #tpu.memory_space<vmem>> -> memref<1x512x32xf32, #tpu.memory_space<vmem>>
        %dma_start3A_797 = tpu.memref_squeeze %dma_start3A_796 : memref<1x512x32xf32, #tpu.memory_space<vmem>> -> memref<512x32xf32, #tpu.memory_space<vmem>>
        %dma_start3A_798 = arith.constant 256 : i32
        %dma_start3A_799 = arith.constant 0 : i32
        %dma_start3A_800 = tpu.memref_slice %dma_start3A_797[%dma_start3A_798, %dma_start3A_799] : memref<512x32xf32, #tpu.memory_space<vmem>> -> memref<128x32xf32, #tpu.memory_space<vmem>>
        %dma_start3A_801 = arith.constant 0 : i32
        %dma_start3A_802 = arith.constant 0 : i32
        %dma_start3A_803 = arith.constant 0 : i32
        %dma_start3A_804 = tpu.memref_slice %arg5[%select_n3A_743, %dma_start3A_801, %dma_start3A_802, %dma_start3A_803] : memref<2x4x8x128xi32, #tpu.memory_space<vmem>> -> memref<1x4x8x128xi32, #tpu.memory_space<vmem>>
        %dma_start3A_805 = tpu.memref_squeeze %dma_start3A_804 : memref<1x4x8x128xi32, #tpu.memory_space<vmem>> -> memref<4x8x128xi32, #tpu.memory_space<vmem>>
        %dma_start3A_806 = arith.constant 0 : i32
        %dma_start3A_807 = arith.constant 0 : i32
        %dma_start3A_808 = tpu.memref_slice %dma_start3A_805[%dma_start3A_792, %dma_start3A_806, %dma_start3A_807] : memref<4x8x128xi32, #tpu.memory_space<vmem>> -> memref<1x8x128xi32, #tpu.memory_space<vmem>>
        %dma_start3A_809 = tpu.memref_squeeze %dma_start3A_808 : memref<1x8x128xi32, #tpu.memory_space<vmem>> -> memref<8x128xi32, #tpu.memory_space<vmem>>
        %dma_start3A_810 = arith.constant 0 : i32
        %dma_start3A_811 = tpu.memref_slice %dma_start3A_809[%select_n3A_703, %dma_start3A_810] : memref<8x128xi32, #tpu.memory_space<vmem>> -> memref<1x128xi32, #tpu.memory_space<vmem>>
        %dma_start3A_812 = tpu.memref_squeeze %dma_start3A_811 : memref<1x128xi32, #tpu.memory_space<vmem>> -> memref<128xi32, #tpu.memory_space<vmem>>
        %dma_start3A_813 = arith.constant 0 : i32
        %dma_start3A_814 = arith.constant 0 : i32
        %dma_start3A_815 = tpu.memref_slice %arg2[%dma_start3A_813, %dma_start3A_814] : memref<1000000x32xf32, #tpu.memory_space<hbm>> -> memref<1000000x32xf32, #tpu.memory_space<hbm>>
        tpu.enqueue_indirect_dma source(%dma_start3A_815 : memref<1000000x32xf32, #tpu.memory_space<hbm>>) target(%dma_start3A_800 : memref<128x32xf32, #tpu.memory_space<vmem>>) offsets(%dma_start3A_812 : memref<128xi32, #tpu.memory_space<vmem>>) semaphore(%arg9 : memref<!tpu.dma_semaphore, #tpu.memory_space<semaphore_mem>>)
        %dma_start3A_816 = arith.constant 3 : i32
        %dma_start3A_817 = arith.constant 0 : i32
        %dma_start3A_818 = arith.constant 0 : i32
        %dma_start3A_819 = arith.constant 0 : i32
        %dma_start3A_820 = tpu.memref_slice %arg6[%dma_start3A_817, %dma_start3A_818, %dma_start3A_819] : memref<2x512x32xf32, #tpu.memory_space<vmem>> -> memref<1x512x32xf32, #tpu.memory_space<vmem>>
        %dma_start3A_821 = tpu.memref_squeeze %dma_start3A_820 : memref<1x512x32xf32, #tpu.memory_space<vmem>> -> memref<512x32xf32, #tpu.memory_space<vmem>>
        %dma_start3A_822 = arith.constant 384 : i32
        %dma_start3A_823 = arith.constant 0 : i32
        %dma_start3A_824 = tpu.memref_slice %dma_start3A_821[%dma_start3A_822, %dma_start3A_823] : memref<512x32xf32, #tpu.memory_space<vmem>> -> memref<128x32xf32, #tpu.memory_space<vmem>>
        %dma_start3A_825 = arith.constant 0 : i32
        %dma_start3A_826 = arith.constant 0 : i32
        %dma_start3A_827 = arith.constant 0 : i32
        %dma_start3A_828 = tpu.memref_slice %arg5[%select_n3A_743, %dma_start3A_825, %dma_start3A_826, %dma_start3A_827] : memref<2x4x8x128xi32, #tpu.memory_space<vmem>> -> memref<1x4x8x128xi32, #tpu.memory_space<vmem>>
        %dma_start3A_829 = tpu.memref_squeeze %dma_start3A_828 : memref<1x4x8x128xi32, #tpu.memory_space<vmem>> -> memref<4x8x128xi32, #tpu.memory_space<vmem>>
        %dma_start3A_830 = arith.constant 0 : i32
        %dma_start3A_831 = arith.constant 0 : i32
        %dma_start3A_832 = tpu.memref_slice %dma_start3A_829[%dma_start3A_816, %dma_start3A_830, %dma_start3A_831] : memref<4x8x128xi32, #tpu.memory_space<vmem>> -> memref<1x8x128xi32, #tpu.memory_space<vmem>>
        %dma_start3A_833 = tpu.memref_squeeze %dma_start3A_832 : memref<1x8x128xi32, #tpu.memory_space<vmem>> -> memref<8x128xi32, #tpu.memory_space<vmem>>
        %dma_start3A_834 = arith.constant 0 : i32
        %dma_start3A_835 = tpu.memref_slice %dma_start3A_833[%select_n3A_703, %dma_start3A_834] : memref<8x128xi32, #tpu.memory_space<vmem>> -> memref<1x128xi32, #tpu.memory_space<vmem>>
        %dma_start3A_836 = tpu.memref_squeeze %dma_start3A_835 : memref<1x128xi32, #tpu.memory_space<vmem>> -> memref<128xi32, #tpu.memory_space<vmem>>
        %dma_start3A_837 = arith.constant 0 : i32
        %dma_start3A_838 = arith.constant 0 : i32
        %dma_start3A_839 = tpu.memref_slice %arg2[%dma_start3A_837, %dma_start3A_838] : memref<1000000x32xf32, #tpu.memory_space<hbm>> -> memref<1000000x32xf32, #tpu.memory_space<hbm>>
        tpu.enqueue_indirect_dma source(%dma_start3A_839 : memref<1000000x32xf32, #tpu.memory_space<hbm>>) target(%dma_start3A_824 : memref<128x32xf32, #tpu.memory_space<vmem>>) offsets(%dma_start3A_836 : memref<128xi32, #tpu.memory_space<vmem>>) semaphore(%arg9 : memref<!tpu.dma_semaphore, #tpu.memory_space<semaphore_mem>>)
      } else {
      }
      %ge3A_529 = arith.constant 2 : i32
      %ge3A_530 = arith.cmpi sge, %add3A_472, %ge3A_529 : i32
      %convert_element_type3A_531 = arith.extui %ge3A_530 : i1 to i32
      %cond3A_532 = arith.constant 0 : i32
      %cond3A_533 = arith.cmpi ne, %convert_element_type3A_531, %cond3A_532 : i32
      scf.if %cond3A_533 {
        %dma_wait3A_663 = arith.constant 0 : i32
        %dma_wait3A_664 = arith.constant 0 : i32
        %dma_wait3A_665 = arith.constant 128 : i32
        %dma_wait3A_666 = arith.constant 0 : i32
        %dma_wait3A_667 = tpu.memref_slice %arg7[%dma_wait3A_665, %dma_wait3A_666] : memref<256x128xf32, #tpu.memory_space<vmem>> -> memref<128x128xf32, #tpu.memory_space<vmem>>
        %dma_wait3A_668 = arith.constant 0 : i32
        %dma_wait3A_669 = arith.constant 0 : i32
        %dma_wait3A_670 = arith.constant 0 : i32
        %dma_wait3A_671 = tpu.memref_slice %arg4[%dma_wait3A_663, %dma_wait3A_668, %dma_wait3A_669, %dma_wait3A_670] : memref<200x4x1024x128xf32, #tpu.memory_space<hbm>> -> memref<1x4x1024x128xf32, #tpu.memory_space<hbm>>
        %dma_wait3A_672 = tpu.memref_squeeze %dma_wait3A_671 : memref<1x4x1024x128xf32, #tpu.memory_space<hbm>> -> memref<4x1024x128xf32, #tpu.memory_space<hbm>>
        %dma_wait3A_673 = arith.constant 0 : i32
        %dma_wait3A_674 = arith.constant 0 : i32
        %dma_wait3A_675 = tpu.memref_slice %dma_wait3A_672[%dma_wait3A_664, %dma_wait3A_673, %dma_wait3A_674] : memref<4x1024x128xf32, #tpu.memory_space<hbm>> -> memref<1x1024x128xf32, #tpu.memory_space<hbm>>
        %dma_wait3A_676 = tpu.memref_squeeze %dma_wait3A_675 : memref<1x1024x128xf32, #tpu.memory_space<hbm>> -> memref<1024x128xf32, #tpu.memory_space<hbm>>
        %dma_wait3A_677 = arith.constant 0 : i32
        %dma_wait3A_678 = arith.constant 0 : i32
        %dma_wait3A_679 = tpu.memref_slice %dma_wait3A_676[%dma_wait3A_677, %dma_wait3A_678] : memref<1024x128xf32, #tpu.memory_space<hbm>> -> memref<128x128xf32, #tpu.memory_space<hbm>>
        %dma_wait3A_680 = arith.constant 0 : i32
        %dma_wait3A_681 = arith.constant 0 : i32
        %dma_wait3A_682 = arith.constant 0 : i32
        %dma_wait3A_683 = tpu.memref_slice %arg4[%dma_wait3A_663, %dma_wait3A_680, %dma_wait3A_681, %dma_wait3A_682] : memref<200x4x1024x128xf32, #tpu.memory_space<hbm>> -> memref<1x4x1024x128xf32, #tpu.memory_space<hbm>>
        %dma_wait3A_684 = tpu.memref_squeeze %dma_wait3A_683 : memref<1x4x1024x128xf32, #tpu.memory_space<hbm>> -> memref<4x1024x128xf32, #tpu.memory_space<hbm>>
        %dma_wait3A_685 = arith.constant 0 : i32
        %dma_wait3A_686 = arith.constant 0 : i32
        %dma_wait3A_687 = tpu.memref_slice %dma_wait3A_684[%dma_wait3A_664, %dma_wait3A_685, %dma_wait3A_686] : memref<4x1024x128xf32, #tpu.memory_space<hbm>> -> memref<1x1024x128xf32, #tpu.memory_space<hbm>>
        %dma_wait3A_688 = tpu.memref_squeeze %dma_wait3A_687 : memref<1x1024x128xf32, #tpu.memory_space<hbm>> -> memref<1024x128xf32, #tpu.memory_space<hbm>>
        %dma_wait3A_689 = arith.constant 0 : i32
        %dma_wait3A_690 = arith.constant 0 : i32
        %dma_wait3A_691 = tpu.memref_slice %dma_wait3A_688[%dma_wait3A_689, %dma_wait3A_690] : memref<1024x128xf32, #tpu.memory_space<hbm>> -> memref<128x128xf32, #tpu.memory_space<hbm>>
        %dma_wait3A_692 = arith.constant 128 : i32
        %dma_wait3A_693 = arith.constant 0 : i32
        %dma_wait3A_694 = tpu.memref_slice %arg7[%dma_wait3A_692, %dma_wait3A_693] : memref<256x128xf32, #tpu.memory_space<vmem>> -> memref<128x128xf32, #tpu.memory_space<vmem>>
        tpu.wait_dma2 semaphore(%arg10 : memref<!tpu.dma_semaphore, #tpu.memory_space<semaphore_mem>>) src(%dma_wait3A_694 : memref<128x128xf32, #tpu.memory_space<vmem>>) dst(%dma_wait3A_691 : memref<128x128xf32, #tpu.memory_space<hbm>>)
      } else {
      }
      %parallel_loop3A_534 = arith.constant 0 : i32
      %parallel_loop3A_535 = arith.constant 512 : i32
      %parallel_loop3A_536 = arith.constant 1 : i32
      %parallel_loop3A_537 = arith.constant 1 : i32
      scf.for %parallel_loop3A_663 = %parallel_loop3A_534 to %parallel_loop3A_535 step %parallel_loop3A_536  : i32 {
        %parallel_loop3A_664 = arith.constant 128 : i32
        %parallel_loop3A_665 = arith.divsi %parallel_loop3A_663, %parallel_loop3A_664 : i32
        %parallel_loop3A_666 = arith.constant 0 : i32
        %parallel_loop3A_667 = arith.cmpi sgt, %parallel_loop3A_663, %parallel_loop3A_666 : i32
        %parallel_loop3A_668 = arith.extui %parallel_loop3A_667 : i1 to i32
        %parallel_loop3A_669 = arith.constant 0 : i32
        %parallel_loop3A_670 = arith.cmpi slt, %parallel_loop3A_663, %parallel_loop3A_669 : i32
        %parallel_loop3A_671 = arith.extui %parallel_loop3A_670 : i1 to i32
        %parallel_loop3A_672 = arith.subi %parallel_loop3A_668, %parallel_loop3A_671 : i32
        %parallel_loop3A_673 = arith.constant 0 : i32
        %parallel_loop3A_674 = arith.cmpi sgt, %parallel_loop3A_664, %parallel_loop3A_673 : i32
        %parallel_loop3A_675 = arith.extui %parallel_loop3A_674 : i1 to i32
        %parallel_loop3A_676 = arith.constant 0 : i32
        %parallel_loop3A_677 = arith.cmpi slt, %parallel_loop3A_664, %parallel_loop3A_676 : i32
        %parallel_loop3A_678 = arith.extui %parallel_loop3A_677 : i1 to i32
        %parallel_loop3A_679 = arith.subi %parallel_loop3A_675, %parallel_loop3A_678 : i32
        %parallel_loop3A_680 = arith.cmpi ne, %parallel_loop3A_672, %parallel_loop3A_679 : i32
        %parallel_loop3A_681 = arith.remsi %parallel_loop3A_663, %parallel_loop3A_664 : i32
        %parallel_loop3A_682 = arith.constant 0 : i32
        %parallel_loop3A_683 = arith.cmpi ne, %parallel_loop3A_681, %parallel_loop3A_682 : i32
        %parallel_loop3A_684 = arith.andi %parallel_loop3A_680, %parallel_loop3A_683 : i1
        %parallel_loop3A_685 = arith.constant 1 : i32
        %parallel_loop3A_686 = arith.subi %parallel_loop3A_665, %parallel_loop3A_685 : i32
        %parallel_loop3A_687 = arith.select %parallel_loop3A_684, %parallel_loop3A_686, %parallel_loop3A_665 : i32
        %parallel_loop3A_688 = arith.constant 128 : i32
        %parallel_loop3A_689 = arith.muli %parallel_loop3A_687, %parallel_loop3A_688 : i32
        %parallel_loop3A_690 = arith.subi %parallel_loop3A_663, %parallel_loop3A_689 : i32
        %parallel_loop3A_691 = arith.constant 0 : i32
        %parallel_loop3A_692 = vector.broadcast %parallel_loop3A_691 : i32 to vector<16xi32>
        %parallel_loop3A_693 = vector.broadcast %parallel_loop3A_690 : i32 to vector<16xi32>
        %parallel_loop3A_694 = arith.addi %parallel_loop3A_692, %parallel_loop3A_693 : vector<16xi32>
        %parallel_loop3A_695 = arith.constant 0 : i32
        %parallel_loop3A_696 = arith.constant 0 : i32
        %parallel_loop3A_697 = tpu.memref_slice %arg6[%parallel_loop3A_537, %parallel_loop3A_695, %parallel_loop3A_696] : memref<2x512x32xf32, #tpu.memory_space<vmem>> -> memref<1x512x32xf32, #tpu.memory_space<vmem>>
        %parallel_loop3A_698 = tpu.memref_squeeze %parallel_loop3A_697 : memref<1x512x32xf32, #tpu.memory_space<vmem>> -> memref<512x32xf32, #tpu.memory_space<vmem>>
        %parallel_loop3A_699 = arith.index_cast %parallel_loop3A_663 : i32 to index
        %parallel_loop3A_700 = arith.constant 0 : index
        %parallel_loop3A_701 = tpu.vector_load %parallel_loop3A_698[%parallel_loop3A_699, %parallel_loop3A_700] {strides = array<i32>} : memref<512x32xf32, #tpu.memory_space<vmem>>, vector<16xf32>,
        %parallel_loop3A_702 = arith.constant 8 : i32
        %parallel_loop3A_703 = arith.muli %parallel_loop3A_687, %parallel_loop3A_702 : i32
        %parallel_loop3A_704 = arith.constant 128 : i32
        %parallel_loop3A_705 = arith.addi %parallel_loop3A_704, %parallel_loop3A_703 : i32
        %parallel_loop3A_706 = vector.broadcast %parallel_loop3A_705 : i32 to vector<16xi32>
        %parallel_loop3A_707 = arith.addi %add3A_49, %parallel_loop3A_706 : vector<16xi32>
        tpu.vector_store_idx %arg7[%parallel_loop3A_707, %parallel_loop3A_694], %parallel_loop3A_701 : memref<256x128xf32, #tpu.memory_space<vmem>>[vector<16xi32>, vector<16xi32>], vector<16xf32>,
        %parallel_loop3A_708 = arith.constant 0 : i32
        %parallel_loop3A_709 = arith.constant 0 : i32
        %parallel_loop3A_710 = tpu.memref_slice %arg6[%parallel_loop3A_537, %parallel_loop3A_708, %parallel_loop3A_709] : memref<2x512x32xf32, #tpu.memory_space<vmem>> -> memref<1x512x32xf32, #tpu.memory_space<vmem>>
        %parallel_loop3A_711 = tpu.memref_squeeze %parallel_loop3A_710 : memref<1x512x32xf32, #tpu.memory_space<vmem>> -> memref<512x32xf32, #tpu.memory_space<vmem>>
        %parallel_loop3A_712 = arith.index_cast %parallel_loop3A_663 : i32 to index
        %parallel_loop3A_713 = arith.constant 16 : index
        %parallel_loop3A_714 = tpu.vector_load %parallel_loop3A_711[%parallel_loop3A_712, %parallel_loop3A_713] {strides = array<i32>} : memref<512x32xf32, #tpu.memory_space<vmem>>, vector<16xf32>,
        %parallel_loop3A_715 = arith.constant 8 : i32
        %parallel_loop3A_716 = arith.muli %parallel_loop3A_687, %parallel_loop3A_715 : i32
        %parallel_loop3A_717 = arith.constant 192 : i32
        %parallel_loop3A_718 = arith.addi %parallel_loop3A_717, %parallel_loop3A_716 : i32
        %parallel_loop3A_719 = vector.broadcast %parallel_loop3A_718 : i32 to vector<16xi32>
        %parallel_loop3A_720 = arith.addi %add3A_49, %parallel_loop3A_719 : vector<16xi32>
        tpu.vector_store_idx %arg7[%parallel_loop3A_720, %parallel_loop3A_694], %parallel_loop3A_714 : memref<256x128xf32, #tpu.memory_space<vmem>>[vector<16xi32>, vector<16xi32>], vector<16xf32>,
      } {sc.loop_unroll_factor = 16 : i64, sc.parallel_access}
      %mul3A_538 = arith.constant 8 : i32
      %mul3A_539 = arith.muli %mul3A_2, %mul3A_538 : i32
      %dma_start3A_540 = arith.constant 0 : i32
      %dma_start3A_541 = arith.constant 128 : i32
      %dma_start3A_542 = arith.constant 0 : i32
      %dma_start3A_543 = tpu.memref_slice %arg7[%dma_start3A_541, %dma_start3A_542] : memref<256x128xf32, #tpu.memory_space<vmem>> -> memref<32x128xf32, #tpu.memory_space<vmem>>
      %dma_start3A_544 = arith.constant 0 : i32
      %dma_start3A_545 = arith.constant 0 : i32
      %dma_start3A_546 = arith.constant 0 : i32
      %dma_start3A_547 = tpu.memref_slice %arg4[%add3A_472, %dma_start3A_544, %dma_start3A_545, %dma_start3A_546] : memref<200x4x1024x128xf32, #tpu.memory_space<hbm>> -> memref<1x4x1024x128xf32, #tpu.memory_space<hbm>>
      %dma_start3A_548 = tpu.memref_squeeze %dma_start3A_547 : memref<1x4x1024x128xf32, #tpu.memory_space<hbm>> -> memref<4x1024x128xf32, #tpu.memory_space<hbm>>
      %dma_start3A_549 = arith.constant 0 : i32
      %dma_start3A_550 = arith.constant 0 : i32
      %dma_start3A_551 = tpu.memref_slice %dma_start3A_548[%dma_start3A_540, %dma_start3A_549, %dma_start3A_550] : memref<4x1024x128xf32, #tpu.memory_space<hbm>> -> memref<1x1024x128xf32, #tpu.memory_space<hbm>>
      %dma_start3A_552 = tpu.memref_squeeze %dma_start3A_551 : memref<1x1024x128xf32, #tpu.memory_space<hbm>> -> memref<1024x128xf32, #tpu.memory_space<hbm>>
      %dma_start3A_553 = arith.constant 0 : i32
      %dma_start3A_554 = tpu.memref_slice %dma_start3A_552[%mul3A_539, %dma_start3A_553] : memref<1024x128xf32, #tpu.memory_space<hbm>> -> memref<32x128xf32, #tpu.memory_space<hbm>>
      %dma_start3A_555 = arith.constant 0 : i32
      %dma_start3A_556 = arith.constant 0 : i32
      %dma_start3A_557 = arith.constant 0 : i32
      %dma_start3A_558 = tpu.memref_slice %arg4[%add3A_472, %dma_start3A_555, %dma_start3A_556, %dma_start3A_557] : memref<200x4x1024x128xf32, #tpu.memory_space<hbm>> -> memref<1x4x1024x128xf32, #tpu.memory_space<hbm>>
      %dma_start3A_559 = tpu.memref_squeeze %dma_start3A_558 : memref<1x4x1024x128xf32, #tpu.memory_space<hbm>> -> memref<4x1024x128xf32, #tpu.memory_space<hbm>>
      %dma_start3A_560 = arith.constant 0 : i32
      %dma_start3A_561 = arith.constant 0 : i32
      %dma_start3A_562 = tpu.memref_slice %dma_start3A_559[%dma_start3A_540, %dma_start3A_560, %dma_start3A_561] : memref<4x1024x128xf32, #tpu.memory_space<hbm>> -> memref<1x1024x128xf32, #tpu.memory_space<hbm>>
      %dma_start3A_563 = tpu.memref_squeeze %dma_start3A_562 : memref<1x1024x128xf32, #tpu.memory_space<hbm>> -> memref<1024x128xf32, #tpu.memory_space<hbm>>
      %dma_start3A_564 = arith.constant 0 : i32
      %dma_start3A_565 = tpu.memref_slice %dma_start3A_563[%mul3A_539, %dma_start3A_564] : memref<1024x128xf32, #tpu.memory_space<hbm>> -> memref<32x128xf32, #tpu.memory_space<hbm>>
      %dma_start3A_566 = arith.constant 128 : i32
      %dma_start3A_567 = arith.constant 0 : i32
      %dma_start3A_568 = tpu.memref_slice %arg7[%dma_start3A_566, %dma_start3A_567] : memref<256x128xf32, #tpu.memory_space<vmem>> -> memref<32x128xf32, #tpu.memory_space<vmem>>
      tpu.enqueue_dma source(%dma_start3A_568 : memref<32x128xf32, #tpu.memory_space<vmem>>) target(%dma_start3A_565 : memref<32x128xf32, #tpu.memory_space<hbm>>) target_semaphore(%arg10 : memref<!tpu.dma_semaphore, #tpu.memory_space<semaphore_mem>>)
      %mul3A_569 = arith.constant 8 : i32
      %mul3A_570 = arith.muli %mul3A_2, %mul3A_569 : i32
      %dma_start3A_571 = arith.constant 1 : i32
      %dma_start3A_572 = arith.constant 160 : i32
      %dma_start3A_573 = arith.constant 0 : i32
      %dma_start3A_574 = tpu.memref_slice %arg7[%dma_start3A_572, %dma_start3A_573] : memref<256x128xf32, #tpu.memory_space<vmem>> -> memref<32x128xf32, #tpu.memory_space<vmem>>
      %dma_start3A_575 = arith.constant 0 : i32
      %dma_start3A_576 = arith.constant 0 : i32
      %dma_start3A_577 = arith.constant 0 : i32
      %dma_start3A_578 = tpu.memref_slice %arg4[%add3A_472, %dma_start3A_575, %dma_start3A_576, %dma_start3A_577] : memref<200x4x1024x128xf32, #tpu.memory_space<hbm>> -> memref<1x4x1024x128xf32, #tpu.memory_space<hbm>>
      %dma_start3A_579 = tpu.memref_squeeze %dma_start3A_578 : memref<1x4x1024x128xf32, #tpu.memory_space<hbm>> -> memref<4x1024x128xf32, #tpu.memory_space<hbm>>
      %dma_start3A_580 = arith.constant 0 : i32
      %dma_start3A_581 = arith.constant 0 : i32
      %dma_start3A_582 = tpu.memref_slice %dma_start3A_579[%dma_start3A_571, %dma_start3A_580, %dma_start3A_581] : memref<4x1024x128xf32, #tpu.memory_space<hbm>> -> memref<1x1024x128xf32, #tpu.memory_space<hbm>>
      %dma_start3A_583 = tpu.memref_squeeze %dma_start3A_582 : memref<1x1024x128xf32, #tpu.memory_space<hbm>> -> memref<1024x128xf32, #tpu.memory_space<hbm>>
      %dma_start3A_584 = arith.constant 0 : i32
      %dma_start3A_585 = tpu.memref_slice %dma_start3A_583[%mul3A_570, %dma_start3A_584] : memref<1024x128xf32, #tpu.memory_space<hbm>> -> memref<32x128xf32, #tpu.memory_space<hbm>>
      %dma_start3A_586 = arith.constant 0 : i32
      %dma_start3A_587 = arith.constant 0 : i32
      %dma_start3A_588 = arith.constant 0 : i32
      %dma_start3A_589 = tpu.memref_slice %arg4[%add3A_472, %dma_start3A_586, %dma_start3A_587, %dma_start3A_588] : memref<200x4x1024x128xf32, #tpu.memory_space<hbm>> -> memref<1x4x1024x128xf32, #tpu.memory_space<hbm>>
      %dma_start3A_590 = tpu.memref_squeeze %dma_start3A_589 : memref<1x4x1024x128xf32, #tpu.memory_space<hbm>> -> memref<4x1024x128xf32, #tpu.memory_space<hbm>>
      %dma_start3A_591 = arith.constant 0 : i32
      %dma_start3A_592 = arith.constant 0 : i32
      %dma_start3A_593 = tpu.memref_slice %dma_start3A_590[%dma_start3A_571, %dma_start3A_591, %dma_start3A_592] : memref<4x1024x128xf32, #tpu.memory_space<hbm>> -> memref<1x1024x128xf32, #tpu.memory_space<hbm>>
      %dma_start3A_594 = tpu.memref_squeeze %dma_start3A_593 : memref<1x1024x128xf32, #tpu.memory_space<hbm>> -> memref<1024x128xf32, #tpu.memory_space<hbm>>
      %dma_start3A_595 = arith.constant 0 : i32
      %dma_start3A_596 = tpu.memref_slice %dma_start3A_594[%mul3A_570, %dma_start3A_595] : memref<1024x128xf32, #tpu.memory_space<hbm>> -> memref<32x128xf32, #tpu.memory_space<hbm>>
      %dma_start3A_597 = arith.constant 160 : i32
      %dma_start3A_598 = arith.constant 0 : i32
      %dma_start3A_599 = tpu.memref_slice %arg7[%dma_start3A_597, %dma_start3A_598] : memref<256x128xf32, #tpu.memory_space<vmem>> -> memref<32x128xf32, #tpu.memory_space<vmem>>
      tpu.enqueue_dma source(%dma_start3A_599 : memref<32x128xf32, #tpu.memory_space<vmem>>) target(%dma_start3A_596 : memref<32x128xf32, #tpu.memory_space<hbm>>) target_semaphore(%arg10 : memref<!tpu.dma_semaphore, #tpu.memory_space<semaphore_mem>>)
      %mul3A_600 = arith.constant 8 : i32
      %mul3A_601 = arith.muli %mul3A_2, %mul3A_600 : i32
      %dma_start3A_602 = arith.constant 2 : i32
      %dma_start3A_603 = arith.constant 192 : i32
      %dma_start3A_604 = arith.constant 0 : i32
      %dma_start3A_605 = tpu.memref_slice %arg7[%dma_start3A_603, %dma_start3A_604] : memref<256x128xf32, #tpu.memory_space<vmem>> -> memref<32x128xf32, #tpu.memory_space<vmem>>
      %dma_start3A_606 = arith.constant 0 : i32
      %dma_start3A_607 = arith.constant 0 : i32
      %dma_start3A_608 = arith.constant 0 : i32
      %dma_start3A_609 = tpu.memref_slice %arg4[%add3A_472, %dma_start3A_606, %dma_start3A_607, %dma_start3A_608] : memref<200x4x1024x128xf32, #tpu.memory_space<hbm>> -> memref<1x4x1024x128xf32, #tpu.memory_space<hbm>>
      %dma_start3A_610 = tpu.memref_squeeze %dma_start3A_609 : memref<1x4x1024x128xf32, #tpu.memory_space<hbm>> -> memref<4x1024x128xf32, #tpu.memory_space<hbm>>
      %dma_start3A_611 = arith.constant 0 : i32
      %dma_start3A_612 = arith.constant 0 : i32
      %dma_start3A_613 = tpu.memref_slice %dma_start3A_610[%dma_start3A_602, %dma_start3A_611, %dma_start3A_612] : memref<4x1024x128xf32, #tpu.memory_space<hbm>> -> memref<1x1024x128xf32, #tpu.memory_space<hbm>>
      %dma_start3A_614 = tpu.memref_squeeze %dma_start3A_613 : memref<1x1024x128xf32, #tpu.memory_space<hbm>> -> memref<1024x128xf32, #tpu.memory_space<hbm>>
      %dma_start3A_615 = arith.constant 0 : i32
      %dma_start3A_616 = tpu.memref_slice %dma_start3A_614[%mul3A_601, %dma_start3A_615] : memref<1024x128xf32, #tpu.memory_space<hbm>> -> memref<32x128xf32, #tpu.memory_space<hbm>>
      %dma_start3A_617 = arith.constant 0 : i32
      %dma_start3A_618 = arith.constant 0 : i32
      %dma_start3A_619 = arith.constant 0 : i32
      %dma_start3A_620 = tpu.memref_slice %arg4[%add3A_472, %dma_start3A_617, %dma_start3A_618, %dma_start3A_619] : memref<200x4x1024x128xf32, #tpu.memory_space<hbm>> -> memref<1x4x1024x128xf32, #tpu.memory_space<hbm>>
      %dma_start3A_621 = tpu.memref_squeeze %dma_start3A_620 : memref<1x4x1024x128xf32, #tpu.memory_space<hbm>> -> memref<4x1024x128xf32, #tpu.memory_space<hbm>>
      %dma_start3A_622 = arith.constant 0 : i32
      %dma_start3A_623 = arith.constant 0 : i32
      %dma_start3A_624 = tpu.memref_slice %dma_start3A_621[%dma_start3A_602, %dma_start3A_622, %dma_start3A_623] : memref<4x1024x128xf32, #tpu.memory_space<hbm>> -> memref<1x1024x128xf32, #tpu.memory_space<hbm>>
      %dma_start3A_625 = tpu.memref_squeeze %dma_start3A_624 : memref<1x1024x128xf32, #tpu.memory_space<hbm>> -> memref<1024x128xf32, #tpu.memory_space<hbm>>
      %dma_start3A_626 = arith.constant 0 : i32
      %dma_start3A_627 = tpu.memref_slice %dma_start3A_625[%mul3A_601, %dma_start3A_626] : memref<1024x128xf32, #tpu.memory_space<hbm>> -> memref<32x128xf32, #tpu.memory_space<hbm>>
      %dma_start3A_628 = arith.constant 192 : i32
      %dma_start3A_629 = arith.constant 0 : i32
      %dma_start3A_630 = tpu.memref_slice %arg7[%dma_start3A_628, %dma_start3A_629] : memref<256x128xf32, #tpu.memory_space<vmem>> -> memref<32x128xf32, #tpu.memory_space<vmem>>
      tpu.enqueue_dma source(%dma_start3A_630 : memref<32x128xf32, #tpu.memory_space<vmem>>) target(%dma_start3A_627 : memref<32x128xf32, #tpu.memory_space<hbm>>) target_semaphore(%arg10 : memref<!tpu.dma_semaphore, #tpu.memory_space<semaphore_mem>>)
      %mul3A_631 = arith.constant 8 : i32
      %mul3A_632 = arith.muli %mul3A_2, %mul3A_631 : i32
      %dma_start3A_633 = arith.constant 3 : i32
      %dma_start3A_634 = arith.constant 224 : i32
      %dma_start3A_635 = arith.constant 0 : i32
      %dma_start3A_636 = tpu.memref_slice %arg7[%dma_start3A_634, %dma_start3A_635] : memref<256x128xf32, #tpu.memory_space<vmem>> -> memref<32x128xf32, #tpu.memory_space<vmem>>
      %dma_start3A_637 = arith.constant 0 : i32
      %dma_start3A_638 = arith.constant 0 : i32
      %dma_start3A_639 = arith.constant 0 : i32
      %dma_start3A_640 = tpu.memref_slice %arg4[%add3A_472, %dma_start3A_637, %dma_start3A_638, %dma_start3A_639] : memref<200x4x1024x128xf32, #tpu.memory_space<hbm>> -> memref<1x4x1024x128xf32, #tpu.memory_space<hbm>>
      %dma_start3A_641 = tpu.memref_squeeze %dma_start3A_640 : memref<1x4x1024x128xf32, #tpu.memory_space<hbm>> -> memref<4x1024x128xf32, #tpu.memory_space<hbm>>
      %dma_start3A_642 = arith.constant 0 : i32
      %dma_start3A_643 = arith.constant 0 : i32
      %dma_start3A_644 = tpu.memref_slice %dma_start3A_641[%dma_start3A_633, %dma_start3A_642, %dma_start3A_643] : memref<4x1024x128xf32, #tpu.memory_space<hbm>> -> memref<1x1024x128xf32, #tpu.memory_space<hbm>>
      %dma_start3A_645 = tpu.memref_squeeze %dma_start3A_644 : memref<1x1024x128xf32, #tpu.memory_space<hbm>> -> memref<1024x128xf32, #tpu.memory_space<hbm>>
      %dma_start3A_646 = arith.constant 0 : i32
      %dma_start3A_647 = tpu.memref_slice %dma_start3A_645[%mul3A_632, %dma_start3A_646] : memref<1024x128xf32, #tpu.memory_space<hbm>> -> memref<32x128xf32, #tpu.memory_space<hbm>>
      %dma_start3A_648 = arith.constant 0 : i32
      %dma_start3A_649 = arith.constant 0 : i32
      %dma_start3A_650 = arith.constant 0 : i32
      %dma_start3A_651 = tpu.memref_slice %arg4[%add3A_472, %dma_start3A_648, %dma_start3A_649, %dma_start3A_650] : memref<200x4x1024x128xf32, #tpu.memory_space<hbm>> -> memref<1x4x1024x128xf32, #tpu.memory_space<hbm>>
      %dma_start3A_652 = tpu.memref_squeeze %dma_start3A_651 : memref<1x4x1024x128xf32, #tpu.memory_space<hbm>> -> memref<4x1024x128xf32, #tpu.memory_space<hbm>>
      %dma_start3A_653 = arith.constant 0 : i32
      %dma_start3A_654 = arith.constant 0 : i32
      %dma_start3A_655 = tpu.memref_slice %dma_start3A_652[%dma_start3A_633, %dma_start3A_653, %dma_start3A_654] : memref<4x1024x128xf32, #tpu.memory_space<hbm>> -> memref<1x1024x128xf32, #tpu.memory_space<hbm>>
      %dma_start3A_656 = tpu.memref_squeeze %dma_start3A_655 : memref<1x1024x128xf32, #tpu.memory_space<hbm>> -> memref<1024x128xf32, #tpu.memory_space<hbm>>
      %dma_start3A_657 = arith.constant 0 : i32
      %dma_start3A_658 = tpu.memref_slice %dma_start3A_656[%mul3A_632, %dma_start3A_657] : memref<1024x128xf32, #tpu.memory_space<hbm>> -> memref<32x128xf32, #tpu.memory_space<hbm>>
      %dma_start3A_659 = arith.constant 224 : i32
      %dma_start3A_660 = arith.constant 0 : i32
      %dma_start3A_661 = tpu.memref_slice %arg7[%dma_start3A_659, %dma_start3A_660] : memref<256x128xf32, #tpu.memory_space<vmem>> -> memref<32x128xf32, #tpu.memory_space<vmem>>
      tpu.enqueue_dma source(%dma_start3A_661 : memref<32x128xf32, #tpu.memory_space<vmem>>) target(%dma_start3A_658 : memref<32x128xf32, #tpu.memory_space<hbm>>) target_semaphore(%arg10 : memref<!tpu.dma_semaphore, #tpu.memory_space<semaphore_mem>>)
      %scan3A_662 = arith.constant 0 : i32
      scf.yield %scan3A_662 : i32
    }
    %scan3A_213 = arith.constant 100 : i32
    %dma_wait3A_214 = arith.constant 0 : i32
    %dma_wait3A_215 = arith.constant 0 : i32
    %dma_wait3A_216 = arith.constant 0 : i32
    %dma_wait3A_217 = arith.constant 0 : i32
    %dma_wait3A_218 = tpu.memref_slice %arg7[%dma_wait3A_216, %dma_wait3A_217] : memref<256x128xf32, #tpu.memory_space<vmem>> -> memref<128x128xf32, #tpu.memory_space<vmem>>
    %dma_wait3A_219 = arith.constant 0 : i32
    %dma_wait3A_220 = arith.constant 0 : i32
    %dma_wait3A_221 = arith.constant 0 : i32
    %dma_wait3A_222 = tpu.memref_slice %arg4[%dma_wait3A_214, %dma_wait3A_219, %dma_wait3A_220, %dma_wait3A_221] : memref<200x4x1024x128xf32, #tpu.memory_space<hbm>> -> memref<1x4x1024x128xf32, #tpu.memory_space<hbm>>
    %dma_wait3A_223 = tpu.memref_squeeze %dma_wait3A_222 : memref<1x4x1024x128xf32, #tpu.memory_space<hbm>> -> memref<4x1024x128xf32, #tpu.memory_space<hbm>>
    %dma_wait3A_224 = arith.constant 0 : i32
    %dma_wait3A_225 = arith.constant 0 : i32
    %dma_wait3A_226 = tpu.memref_slice %dma_wait3A_223[%dma_wait3A_215, %dma_wait3A_224, %dma_wait3A_225] : memref<4x1024x128xf32, #tpu.memory_space<hbm>> -> memref<1x1024x128xf32, #tpu.memory_space<hbm>>
    %dma_wait3A_227 = tpu.memref_squeeze %dma_wait3A_226 : memref<1x1024x128xf32, #tpu.memory_space<hbm>> -> memref<1024x128xf32, #tpu.memory_space<hbm>>
    %dma_wait3A_228 = arith.constant 0 : i32
    %dma_wait3A_229 = arith.constant 0 : i32
    %dma_wait3A_230 = tpu.memref_slice %dma_wait3A_227[%dma_wait3A_228, %dma_wait3A_229] : memref<1024x128xf32, #tpu.memory_space<hbm>> -> memref<128x128xf32, #tpu.memory_space<hbm>>
    %dma_wait3A_231 = arith.constant 0 : i32
    %dma_wait3A_232 = arith.constant 0 : i32
    %dma_wait3A_233 = arith.constant 0 : i32
    %dma_wait3A_234 = tpu.memref_slice %arg4[%dma_wait3A_214, %dma_wait3A_231, %dma_wait3A_232, %dma_wait3A_233] : memref<200x4x1024x128xf32, #tpu.memory_space<hbm>> -> memref<1x4x1024x128xf32, #tpu.memory_space<hbm>>
    %dma_wait3A_235 = tpu.memref_squeeze %dma_wait3A_234 : memref<1x4x1024x128xf32, #tpu.memory_space<hbm>> -> memref<4x1024x128xf32, #tpu.memory_space<hbm>>
    %dma_wait3A_236 = arith.constant 0 : i32
    %dma_wait3A_237 = arith.constant 0 : i32
    %dma_wait3A_238 = tpu.memref_slice %dma_wait3A_235[%dma_wait3A_215, %dma_wait3A_236, %dma_wait3A_237] : memref<4x1024x128xf32, #tpu.memory_space<hbm>> -> memref<1x1024x128xf32, #tpu.memory_space<hbm>>
    %dma_wait3A_239 = tpu.memref_squeeze %dma_wait3A_238 : memref<1x1024x128xf32, #tpu.memory_space<hbm>> -> memref<1024x128xf32, #tpu.memory_space<hbm>>
    %dma_wait3A_240 = arith.constant 0 : i32
    %dma_wait3A_241 = arith.constant 0 : i32
    %dma_wait3A_242 = tpu.memref_slice %dma_wait3A_239[%dma_wait3A_240, %dma_wait3A_241] : memref<1024x128xf32, #tpu.memory_space<hbm>> -> memref<128x128xf32, #tpu.memory_space<hbm>>
    %dma_wait3A_243 = arith.constant 0 : i32
    %dma_wait3A_244 = arith.constant 0 : i32
    %dma_wait3A_245 = tpu.memref_slice %arg7[%dma_wait3A_243, %dma_wait3A_244] : memref<256x128xf32, #tpu.memory_space<vmem>> -> memref<128x128xf32, #tpu.memory_space<vmem>>
    tpu.wait_dma2 semaphore(%arg10 : memref<!tpu.dma_semaphore, #tpu.memory_space<semaphore_mem>>) src(%dma_wait3A_245 : memref<128x128xf32, #tpu.memory_space<vmem>>) dst(%dma_wait3A_242 : memref<128x128xf32, #tpu.memory_space<hbm>>)
    %dma_wait3A_246 = arith.constant 0 : i32
    %dma_wait3A_247 = arith.constant 0 : i32
    %dma_wait3A_248 = arith.constant 128 : i32
    %dma_wait3A_249 = arith.constant 0 : i32
    %dma_wait3A_250 = tpu.memref_slice %arg7[%dma_wait3A_248, %dma_wait3A_249] : memref<256x128xf32, #tpu.memory_space<vmem>> -> memref<128x128xf32, #tpu.memory_space<vmem>>
    %dma_wait3A_251 = arith.constant 0 : i32
    %dma_wait3A_252 = arith.constant 0 : i32
    %dma_wait3A_253 = arith.constant 0 : i32
    %dma_wait3A_254 = tpu.memref_slice %arg4[%dma_wait3A_246, %dma_wait3A_251, %dma_wait3A_252, %dma_wait3A_253] : memref<200x4x1024x128xf32, #tpu.memory_space<hbm>> -> memref<1x4x1024x128xf32, #tpu.memory_space<hbm>>
    %dma_wait3A_255 = tpu.memref_squeeze %dma_wait3A_254 : memref<1x4x1024x128xf32, #tpu.memory_space<hbm>> -> memref<4x1024x128xf32, #tpu.memory_space<hbm>>
    %dma_wait3A_256 = arith.constant 0 : i32
    %dma_wait3A_257 = arith.constant 0 : i32
    %dma_wait3A_258 = tpu.memref_slice %dma_wait3A_255[%dma_wait3A_247, %dma_wait3A_256, %dma_wait3A_257] : memref<4x1024x128xf32, #tpu.memory_space<hbm>> -> memref<1x1024x128xf32, #tpu.memory_space<hbm>>
    %dma_wait3A_259 = tpu.memref_squeeze %dma_wait3A_258 : memref<1x1024x128xf32, #tpu.memory_space<hbm>> -> memref<1024x128xf32, #tpu.memory_space<hbm>>
    %dma_wait3A_260 = arith.constant 0 : i32
    %dma_wait3A_261 = arith.constant 0 : i32
    %dma_wait3A_262 = tpu.memref_slice %dma_wait3A_259[%dma_wait3A_260, %dma_wait3A_261] : memref<1024x128xf32, #tpu.memory_space<hbm>> -> memref<128x128xf32, #tpu.memory_space<hbm>>
    %dma_wait3A_263 = arith.constant 0 : i32
    %dma_wait3A_264 = arith.constant 0 : i32
    %dma_wait3A_265 = arith.constant 0 : i32
    %dma_wait3A_266 = tpu.memref_slice %arg4[%dma_wait3A_246, %dma_wait3A_263, %dma_wait3A_264, %dma_wait3A_265] : memref<200x4x1024x128xf32, #tpu.memory_space<hbm>> -> memref<1x4x1024x128xf32, #tpu.memory_space<hbm>>
    %dma_wait3A_267 = tpu.memref_squeeze %dma_wait3A_266 : memref<1x4x1024x128xf32, #tpu.memory_space<hbm>> -> memref<4x1024x128xf32, #tpu.memory_space<hbm>>
    %dma_wait3A_268 = arith.constant 0 : i32
    %dma_wait3A_269 = arith.constant 0 : i32
    %dma_wait3A_270 = tpu.memref_slice %dma_wait3A_267[%dma_wait3A_247, %dma_wait3A_268, %dma_wait3A_269] : memref<4x1024x128xf32, #tpu.memory_space<hbm>> -> memref<1x1024x128xf32, #tpu.memory_space<hbm>>
    %dma_wait3A_271 = tpu.memref_squeeze %dma_wait3A_270 : memref<1x1024x128xf32, #tpu.memory_space<hbm>> -> memref<1024x128xf32, #tpu.memory_space<hbm>>
    %dma_wait3A_272 = arith.constant 0 : i32
    %dma_wait3A_273 = arith.constant 0 : i32
    %dma_wait3A_274 = tpu.memref_slice %dma_wait3A_271[%dma_wait3A_272, %dma_wait3A_273] : memref<1024x128xf32, #tpu.memory_space<hbm>> -> memref<128x128xf32, #tpu.memory_space<hbm>>
    %dma_wait3A_275 = arith.constant 128 : i32
    %dma_wait3A_276 = arith.constant 0 : i32
    %dma_wait3A_277 = tpu.memref_slice %arg7[%dma_wait3A_275, %dma_wait3A_276] : memref<256x128xf32, #tpu.memory_space<vmem>> -> memref<128x128xf32, #tpu.memory_space<vmem>>
    tpu.wait_dma2 semaphore(%arg10 : memref<!tpu.dma_semaphore, #tpu.memory_space<semaphore_mem>>) src(%dma_wait3A_277 : memref<128x128xf32, #tpu.memory_space<vmem>>) dst(%dma_wait3A_274 : memref<128x128xf32, #tpu.memory_space<hbm>>)
    return
  }
}

</mosaic_0001>

<sc_bundles>
// kernel: kernel.3.cloned.1.call-start
scs
__scs_entry_jumppad:
0x0: {  	(pc) =	sbr.rel $0x88, $3  }
0x1: {  	(tag) =	ssettag $0x0;
	lr =	simm.s32 $0x1  }
0x2: {  	[smem:$0x3F9F] =	sst lr;
	_ =	strace $0xD0000000  }
0x3: {  	_ = 	snop  }
0x4: {  	_ = 	snop  }
0x5: {  	_ = 	snop  }
0x6: {  	_ = 	snop  }
0x7: {  	_ = 	snop  }
__scs_overlays_trampoline_lowered:
0x8: {  	[smem:$0x3FAE] =	sst s0  }
0x9: {  	[smem:$0x3FAF] =	sst s1  }
0xa: {  	[smem:$0x3FB0] =	sst s2  }
0xb: {  	[smem:$0x3FB1] =	sst s3  }
0xc: {  	[smem:$0x3FB2] =	sst s4  }
0xd: {  	[smem:$0x3FB3] =	sst s5  }
0xe: {  	[smem:$0x3FB4] =	sst s6  }
0xf: {  	[smem:$0x3FB5] =	sst s7  }
0x10: {  	[smem:$0x3FB6] =	sst s8  }
0x11: {  	[smem:$0x3FB7] =	sst s9;
	s0 =	simm.s32 @!p0 $0x0  }
0x12: {  	s1 =	sld [smem:$0x3F9D];
	s0 =	simm.s32 @p0 $0x1  }
0x13: {  	[smem:$0x3FB8] =	sst s0;
	s0 =	simm.s32 @!p1 $0x0  }
0x14: {  	s2 =	sld [smem:$0x3F9C];
	s0 =	simm.s32 @p1 $0x1  }
0x15: {  	[smem:$0x3FB9] =	sst s0;
	s0 =	simm.s32 @!p2 $0x0  }
0x16: {  	s3 =	sld [smem:$0x3FDB];
	s0 =	simm.s32 @p2 $0x1  }
0x17: {  	s4 =	simm.s32 $0x1BF5;
	[smem:$0x3FBB] =	sst s0  }
0x18: {  	s0 =	sld [smem:$0x3F9E];
	_ =	swait.ge [sflag:s4], $0x0  }
0x19: {  	s7 =	sld [smem:$0x3F9F]  }
0x1a: {  	s8 =	sadd.s32 $0xFFFFE003, lr  }
0x1b: {  	s9 =	sadd.s32 $0xFFFFFEF7, lr;
	s5 =	simm.s32 $0xFFFFFFFF;
	p2 =	slt.u32 s8, $0xFFFFF086  }
0x1c: {  	p1 =	slt.u32 s9, $0xF7A;
	s5 =	simm.s32 @!p2 $0x0  }
0x1d: {  	s5 =	simm.s32 @p1 $0x1;
	p0 =	seq.s32 s7, s2  }
0x1e: {  	s7 =	smul.u32 @!p0 $0xF7A, s2;
	p2 =	seq.s32 @!p0 s5, $0x0  }
0x1f: {  	s9 =	smul.u32 $0xF7A, s1;
	s8 =	simm.s32 @!p0 $0x1BF5;
	p2 =	por !p2, p0  }
0x20: {  	[sflag:s8] =	ssyncset.s32 @!p0 $0xFFFFF086;
	s6 =	sadd.s32 @!p0 s3, s7;
	s7 =	simm.s32 @!p0 $0x108  }
0x21: {  	s3 =	sadd.s32 s3, s9;
	s6 =	sadd.s32 @!p0 $0x88, s6;
	s7 =	simm.s32 @p2 $0x1082  }
0x22: {  	[simem:s7], [sflag:s8] =	dma.local @!p0 [hbm:s6], $0xF7A  }
0x23: {  	s9 =	sor.u32 $0xD0000000, s2;
	s6 =	simm.s32 $0x108;
	_ =	swait.ge @!p0 [sflag:s8], $0x0  }
0x24: {  	s3 =	sadd.s32 $0x88, s3;
	s6 =	simm.s32 @!p1 $0x1082;
	[sflag:s4] =	ssyncset.s32 $0xFFFFF086  }
0x25: {  	[simem:s6], [sflag:s4] =	dma.local [hbm:s3], $0xF7A  }
0x26: {  	[smem:$0x3F9F] =	sst s1;
	(tag) =	ssettag s2;
	_ =	strace s9  }
0x27: {  	s1 =	sld [smem:$0x3FAF]  }
0x28: {  	s2 =	sld [smem:$0x3FB0]  }
0x29: {  	s4 =	sld [smem:$0x3FB2]  }
0x2a: {  	p0 =	seq.s32 s5, $0x0;
	s5 =	sld [smem:$0x3FB3]  }
0x2b: {  	s6 =	sld [smem:$0x3FB4]  }
0x2c: {  	s7 =	sld [smem:$0x3FB5]  }
0x2d: {  	s3 =	simm.s32 $0x108;
	s8 =	sld [smem:$0x3FB6]  }
0x2e: {  	s3 =	simm.s32 @!p0 $0x1082;
	s9 =	sld [smem:$0x3FB7]  }
0x2f: {  	lr =	sadd.s32 s0, s3;
	s0 =	sld [smem:$0x3FAE]  }
0x30: {  	s3 =	sld [smem:$0x3FB1]  }
0x31: {  	[smem:$0x3FBA] =	sst s10  }
0x32: {  	s10 =	sld [smem:$0x3FB8];
	_ =	sdelay $0x3  }
0x33: {  	p0 =	seq.s32 s10, $0x1;
	s10 =	sld [smem:$0x3FBA];
	_ =	sdelay $0x3  }
0x34: {  	[smem:$0x3FBA] =	sst s10  }
0x35: {  	s10 =	sld [smem:$0x3FB9];
	_ =	sdelay $0x3  }
0x36: {  	p1 =	seq.s32 s10, $0x1;
	s10 =	sld [smem:$0x3FBA];
	_ =	sdelay $0x3  }
0x37: {  	[smem:$0x3FBA] =	sst s10  }
0x38: {  	s10 =	sld [smem:$0x3FBB]  }
0x39: {  	_ = 	snop;
	(pc) =	sbr.ind lr, $3  }
0x3a: {  	_ = 	snop  }
0x3b: {  	_ = 	snop  }
0x3c: {  	p2 =	seq.s32 s10, $0x1;
	s10 =	sld [smem:$0x3FBA]  }
0x3d: {  	_ =	shalt  }
0x3e: {  	_ =	shalt  }
0x3f: {  	_ =	shalt  }
0x40: {  	_ =	shalt  }
0x41: {  	_ =	shalt  }
0x42: {  	_ =	shalt  }
0x43: {  	_ =	shalt  }
0x44: {  	_ =	shalt  }
0x45: {  	_ =	shalt  }
0x46: {  	_ =	shalt  }
0x47: {  	_ =	shalt  }
0x48: {  	_ =	shalt  }
0x49: {  	_ =	shalt  }
0x4a: {  	_ =	shalt  }
0x4b: {  	_ =	shalt  }
0x4c: {  	_ =	shalt  }
0x4d: {  	_ =	shalt  }
0x4e: {  	_ =	shalt  }
0x4f: {  	_ =	shalt  }
0x50: {  	_ =	shalt  }
0x51: {  	_ =	shalt  }
0x52: {  	_ =	shalt  }
0x53: {  	_ =	shalt  }
0x54: {  	_ =	shalt  }
0x55: {  	_ =	shalt  }
0x56: {  	_ =	shalt  }
0x57: {  	_ =	shalt  }
0x58: {  	_ =	shalt  }
0x59: {  	_ =	shalt  }
0x5a: {  	_ =	shalt  }
0x5b: {  	_ =	shalt  }
0x5c: {  	_ =	shalt  }
0x5d: {  	_ =	shalt  }
0x5e: {  	_ =	shalt  }
0x5f: {  	_ =	shalt  }
0x60: {  	_ =	shalt  }
0x61: {  	_ =	shalt  }
0x62: {  	_ =	shalt  }
0x63: {  	_ =	shalt  }
0x64: {  	_ =	shalt  }
0x65: {  	_ =	shalt  }
0x66: {  	_ =	shalt  }
0x67: {  	_ =	shalt  }
0x68: {  	_ =	shalt  }
0x69: {  	_ =	shalt  }
0x6a: {  	_ =	shalt  }
0x6b: {  	_ =	shalt  }
0x6c: {  	_ =	shalt  }
0x6d: {  	_ =	shalt  }
0x6e: {  	_ =	shalt  }
0x6f: {  	_ =	shalt  }
0x70: {  	_ =	shalt  }
0x71: {  	_ =	shalt  }
0x72: {  	_ =	shalt  }
0x73: {  	_ =	shalt  }
0x74: {  	_ =	shalt  }
0x75: {  	_ =	shalt  }
0x76: {  	_ =	shalt  }
0x77: {  	_ =	shalt  }
0x78: {  	_ =	shalt  }
0x79: {  	_ =	shalt  }
0x7a: {  	_ =	shalt  }
0x7b: {  	_ =	shalt  }
0x7c: {  	_ =	shalt  }
0x7d: {  	_ =	shalt  }
0x7e: {  	_ =	shalt  }
0x7f: {  	_ =	shalt  }
0x80: {  	_ =	shalt  }
0x81: {  	_ =	shalt  }
0x82: {  	_ =	shalt  }
0x83: {  	_ =	shalt  }
0x84: {  	_ =	shalt  }
0x85: {  	_ =	shalt  }
0x86: {  	_ =	shalt  }
0x87: {  	_ =	shalt  }
.Lfunc_end0:
.L_simem_size_0:
called_computation_lowered:
.L_overlay_start_0:
0x88: {  	s2 =	sld [smem:$0x3FD9]  }
0x89: {  	s3 =	sld [smem:$0x3FFE];
	_ =	sdelay $0x1  }
0x8a: {  	s1 =	srdreg.scid  }
0x8b: {  	s0 =	sand.u32 $0x1, s1  }
0x8c: {  	s17 =	sshll.u32 s0, $0xA;
	s2 =	sadd.s32 s3, s2  }
0x8d: {  	s2 =	sadd.s32 s2, s17  }
0x8e: {  	[smem:$0x3FC6] =	sst s2  }
0x8f: {  	_ = 	snop  }
0x90: {  	s2 =	sld [smem:$0x3FC9]  }
0x91: {  	s18 =	sld [smem:$0x3FD0];
	(tm) =	ssettm $0x1  }
0x92: {  	s4 =	sld [smem:$0x3FFB];
	_ =	sdelay $0x3  }
0x93: {  	_ =	strace s4  }
0x94: {  	s4 =	sld [smem:$0x3FFC];
	_ =	sdelay $0x3  }
0x95: {  	_ =	strace s4  }
0x96: {  	s4 =	sld [smem:$0x3FFD];
	_ =	sdelay $0x3  }
0x97: {  	_ =	strace s4  }
0x98: {  	_ =	strace $0x8FFFFFFF  }
0x99: {  	s19 =	sld [smem:$0x3FDB];
	_ =	sdelay $0x1  }
0x9a: {  	s5 =	simm.s32 $_scs_section_size  }
0x9b: {  	s6 =	simm.s32 $_size__tile_overlayer_lowered;
	s7 =	simm.s32 $_tile_overlayer_lowered  }
0x9c: {  	s22 =	simm.s32 $0x1BFF;
	s21 =	sshll.u32 s7, $0x1;
	s4 =	sadd.s32 s5, s19  }
0x9d: {  	s8 =	simm.s32 $0x0;
	s20 =	sshll.u32 s6, $0x1;
	s6 =	sadd.s32 s21, s4  }
0x9e: {  	[timem:s8], [sflag:s22] =	dma.local [hbm:s6], s20  }
0x9f: {  	_ =	swait.ge [sflag:s22], s20  }
0xa0: {  	s5 =	ssub.s32 $0x0, s20;
	[sflag:s22] =	ssyncset.done $0x0  }
0xa1: {  	[sflag:s22] =	ssyncadd.s32 s5;
	_ =	sdelay $0x1  }
0xa2: {  	s23 =	simm.s32 $0x1B8B  }
0xa3: {  	_ =	swait.ge [sflag:s23], $0x1  }
0xa4: {  	[sflag:s23] =	ssyncset.done $0x0  }
0xa5: {  	s25 =	simm.s32 $0x1B8E;
	s24 =	sld [smem:$0x3FFE];
	[sflag:s23] =	ssyncadd.s32 $0xFFFFFFFF  }
0xa6: {  	s26 =	simm.s32 $execute0_lowered;
	[smem:$0x3FD2] =	sst s25  }
0xa7: {  	s6 =	sshll.u32 s26, $0x1;
	_ =	strace $0x80000046;
	[dreg:$0x1] =	wrdreg $0xFFFFFFFF  }
0xa8: {  	s28 =	simm.s32 $_size_execute0_lowered;
	s4 =	sadd.s32 s4, s6;
	[dreg:$0x0] =	wrdreg $0x0  }
0xa9: {  	s6 =	sshll.u32 s28, $0x1;
	[dreg:$0x2] =	wrdreg s4  }
0xaa: {  	[dreg:$0x3] =	wrdreg s6  }
0xab: {  	[dreg:$0x4] =	wrdreg $0xC0  }
0xac: {  	_ =	task [dreg:s8], $0x5FFFF  }
0xad: {  	[dreg:$0x1] =	wrdreg $0xFFFFFFFF  }
0xae: {  	[dreg:$0x0] =	wrdreg $0x60  }
0xaf: {  	[dreg:$0x2] =	wrdreg s24  }
0xb0: {  	[dreg:$0x3] =	wrdreg s2  }
0xb1: {  	[dreg:$0x4] =	wrdreg s18  }
0xb2: {  	[dreg:$0x5] =	wrdreg $0x9  }
0xb3: {  	_ =	task.clear_ibuf [dreg:s8], $0x6FFFF;
	_ =	strace $0x90000046  }
0xb4: {  	s29 =	simm.s32 $0x9;
	_ =	strace $0x80000048  }
0xb5: {  	_ =	swait.ge [sflag:s29], $0x1  }
0xb6: {  	[sflag:s29] =	ssyncadd.s32 $0xFFFFFFFF  }
0xb7: {  	_ =	strace $0x90000048  }
0xb8: {  	_ =	sfence  }
0xb9: {  	s30 =	sld [smem:$0x0];
	_ =	sdelay $0x2  }
0xba: {  	s31 =	sshll.u32 s1, $0xD;
	s1 =	sshrl.u32 s1, $0x2  }
0xbb: {  	s3 =	sand.u32 $0x4000, s31;
	s1 =	sadd.s32 s1, s30  }
0xbc: {  	s0 =	sor.u32 s3, s0;
	s1 =	sshll.u32 s1, $0x11  }
0xbd: {  	s0 =	sor.u32 s1, s0  }
0xbe: {  	s0 =	sadd.s32 $0x8F2B, s0  }
0xbf: {  	[sflag:s0] =	ssyncadd.remote.s32 $0x1  }
0xc0: {  	_ =	sfence.sel $0xFFFF  }
0xc1: {  	[dreg:$0x0] =	wrdreg $0xFFFFFFFF;
	(pc) =	sbr.abs _section_cstart, $3  }
0xc2: {  	[dreg:$0x1] =	wrdreg $0xFFFFFFFF  }
0xc3: {  	_ =	task.clear_ibuf [dreg:s8], $0x2FFFF;
	_ =	strace $0x9FFFFFFF  }
0xc4: {  	(tm) =	ssettm $0x7FFFFFFF  }
0xc5: {  	_ =	shalt  }
tec
execute0_lowered:
.L_overlay_start_1:
0x0: {  	(tag) =	ssettag $0x1  }
0x1: {  	v0 =	vimm.s32 $0x1380;
	vm0 =	vcmask $0x300  }
0x2: {  	vm1 =	vcmask $0x704;
	v0 =	vsel vm0, $0x0, v0  }
0x3: {  	vm15 =	vcmask $0xB08;
	v0 =	vsel vm1, $0x80, v0  }
0x4: {  	vm4 =	vcmask $0xF0C;
	v0 =	vsel vm15, $0x100, v0  }
0x5: {  	s1 =	rddreg [dreg:$0x0];
	vm5 =	vcmask $0x1310;
	v0 =	vsel vm4, $0x180, v0  }
0x6: {  	s0 =	rddreg [dreg:$0x1];
	vm6 =	vcmask $0x1714;
	v0 =	vsel vm5, $0x200, v0  }
0x7: {  	s2 =	rddreg [dreg:$0x2];
	vm7 =	vcmask $0x1B18;
	v0 =	vsel vm6, $0x280, v0  }
0x8: {  	s4 =	srdreg.scid;
	s3 =	simm.s32 $0x0;
	s7 =	stileid.u32;
	vm8 =	vcmask $0x1F1C;
	v0 =	vsel vm7, $0x300, v0  }
0x9: {  	s10 =	simm.s32 $0x80;
	vm9 =	vcmask $0x2320;
	s18 =	simm.s32 $0x2;
	s23 =	simm.s32 $0xA000;
	v0 =	vsel vm8, $0x380, v0  }
0xa: {  	vm10 =	vcmask $0x2724;
	s28 =	simm.s32 $0xE000;
	s29 =	simm.s32 $0xF000;
	s4 =	sand.u32 $0x1, s4;
	v0 =	vsel vm9, $0x1000, v0  }
0xb: {  	vm11 =	vcmask $0x2B28;
	s30 =	simm.s32 $0x10000;
	s31 =	simm.s32 $0x11000;
	s5 =	ssub.s32 $0x2, s4;
	v0 =	vsel vm10, $0x1080, v0  }
0xc: {  	vm12 =	vcmask $0x2F2C;
	s7 =	sshll.u32 s7, $0xA;
	s4 =	sshll.u32 s4, $0x9;
	s6 =	sshrl.u32 s5, $0x1;
	v0 =	vsel vm11, $0x1100, v0  }
0xd: {  	vm13 =	vcmask $0x3330;
	[smem:$0x7FF] =	sst s3;
	s8 =	ssub.s32 s5, s6;
	s5 =	sor.u32 s4, s7;
	v0 =	vsel vm12, $0x1180, v0  }
0xe: {  	vm14 =	vcmask $0x3734;
	_ =	strace $0x80000047;
	s6 =	sadd.s32 $0xF42800, s1;
	s0 =	sadd.s32 s0, s5;
	v0 =	vsel vm13, $0x1200, v0  }
0xf: {  	v1 =	vimm.s32 $0x0;
	vm15 =	vcmask $0x3B38;
	s1 =	simm.s32 $0x3;
	s26 =	smax.u32 s8, $0x1;
	[dreg:$0x4] =	wrdreg s0;
	v0 =	vsel vm14, $0x1280, v0  }
0x10: {  	v1 =	vsel vm0, $0x3, v1;
	s4 =	simm.s32 $0x0;
	[dreg:$0x5] =	wrdreg s26;
	s26 =	simm.s32 $0xD000;
	v0 =	vsel vm15, $0x1300, v0  }
.LBB2_1:
0x11: {  	[dreg:$0x6] =	wrdreg s4  }
0x12: {  	s0 =	rddreg [dreg:$0x4];
	s16 =	simm.s32 $0x1  }
0x13: {  	[tilespmem:s3], [sflag:$0x1] =	stream.linear.gather [hbm4b:s0+s3], $0x1000, $0x38;
	[tilespmem:$0x12000] =	vst v63  }
0x14: {  	_ =	swait.ge [sflag:s16], $0x1000  }
0x15: {  	[sflag:s16] =	ssyncset.done $0x0  }
0x16: {  	s17 =	simm.s32 $0x2000;
	[sflag:s16] =	ssyncadd.s32 $0xFFFFF000  }
0x17: {  	[tilespmem:s17], [sflag:$0x2] =	stream.indirect.gather [hbm4b:s6+s10], $0x20, s3, s10, $0xb8;
	[tilespmem:$0x12000] =	vst v63  }
0x18: {  	s19 =	simm.s32 $0x400;
	s20 =	simm.s32 $0x3000  }
0x19: {  	[tilespmem:s20], [sflag:$0x2] =	stream.indirect.gather [hbm4b:s6+s10], $0x20, s19, s10, $0xb8;
	[tilespmem:$0x12000] =	vst v63  }
0x1a: {  	s21 =	simm.s32 $0x800;
	s22 =	simm.s32 $0x4000  }
0x1b: {  	[tilespmem:s22], [sflag:$0x2] =	stream.indirect.gather [hbm4b:s6+s10], $0x20, s21, s10, $0xb8;
	[tilespmem:$0x12000] =	vst v63  }
0x1c: {  	s24 =	simm.s32 $0xC00;
	s25 =	simm.s32 $0x5000;
	s11 =	simm.s32 $0x0  }
0x1d: {  	[tilespmem:s25], [sflag:$0x2] =	stream.indirect.gather [hbm4b:s6+s10], $0x20, s24, s10, $0xb8;
	[tilespmem:$0x12000] =	vst v63  }
.LBB2_2:
0x1e: {  	s7 =	sand.u32 $0x3, s11;
	p0 =	sgt.u32 s11, $0x5F  }
0x1f: {  	p1 =	sne.s32 @!p0 s7, $0x0  }
0x20: {  	p0 =	por p1, p0  }
0x21: {  	s13 =	sshll.u32 s11, $0x1;
	s7 =	sshrl.u32 @!p0 s11, $0x2  }
0x22: {  	s0 =	rddreg [dreg:$0x1];
	s14 =	sshll.u32 s11, $0xA;
	s7 =	sadd.s32 @!p0 $0x1, s7  }
0x23: {  	s16 =	simm.s32 $0x6000;
	s17 =	simm.s32 $0x7000;
	s8 =	sshll.u32 @!p0 s7, $0xE  }
0x24: {  	s12 =	sor.u32 $0x1, s13;
	s7 =	sshll.u32 @!p0 s7, $0xC;
	s8 =	sadd.s32 @!p0 s0, s8  }
0x25: {  	s9 =	simm.s32 @!p0 $0x0;
	s7 =	sand.u32 @!p0 $0x1000, s7;
	s8 =	sadd.s32 @!p0 s5, s8  }
0x26: {  	[tilespmem:s7], [sflag:$0x1] =	stream.linear.gather @!p0 [hbm4b:s8+s9], $0x1000, $0x38;
	[tilespmem:$0x12000] =	vst v63  }
0x27: {  	s20 =	simm.s32 $0x8000;
	s15 =	sshll.u32 s12, $0x7;
	s7 =	sand.u32 $0x1000, s14  }
0x28: {  	s8 =	sand.u32 $0x380, s15;
	s15 =	simm.s32 $0x0;
	_ =	swait.ge [sflag:s18], $0x4000  }
0x29: {  	s7 =	sor.u32 s8, s7;
	s24 =	sand.u32 $0xFFFFFF80, s15;
	[sflag:s18] =	ssyncset.done $0x0  }
0x2a: {  	s0 =	sand.u32 $0x18, s15;
	s8 =	sor.u32 $0x400, s7;
	[sflag:s18] =	ssyncadd.s32 $0xFFFFC000  }
0x2b: {  	[tilespmem:s16], [sflag:$0x2] =	stream.indirect.gather [hbm4b:s6+s10], $0x20, s7, s10, $0xb8;
	[tilespmem:$0x12000] =	vst v63  }
0x2c: {  	s19 =	sor.u32 $0x800, s7;
	s9 =	ssub.s32 $0x0, s24;
	v7 =	vmov s0;
	s16 =	simm.s32 $0x10  }
0x2d: {  	s0 =	sor.u32 $0x40, s0;
	s4 =	sadd.s32 $0x2, s9;
	v7 =	vshll.u32 v7, $0x7;
	s22 =	sand.u32 $0x70, s16  }
0x2e: {  	v5 =	vmov s4;
	v7 =	vor.u32 v0, v7;
	[tilespmem:s17], [sflag:$0x2] =	stream.indirect.gather [hbm4b:s6+s10], $0x20, s8, s10, $0xb8;
	[tilespmem:$0x12000] =	vst v63  }
0x2f: {  	v19 =	vshrl.u32 v5, $0x3;
	v5 =	vmov s0;
	s17 =	simm.s32 $0x0;
	v3 =	vmov s22;
	s8 =	ssub.s32 $0xFFFFFFF0, s24;
	s22 =	sadd.s32 $0x6, s9  }
0x30: {  	v5 =	vshll.u32 v5, $0x7;
	v19 =	vshll.u32 v19, v1;
	s21 =	sand.u32 $0x70, s17;
	s25 =	sadd.s32 $0x1F, s8;
	s24 =	sadd.s32 $0x17, s8;
	v11 =	vmov s22  }
0x31: {  	v5 =	vor.u32 v0, v5;
	v25 =	vbroadcast v19, $0x0;
	[tilespmem:s20], [sflag:$0x2] =	stream.indirect.gather [hbm4b:s6+s10], $0x20, s19, s10, $0xb8;
	v2 =	vmov s21;
	[tilespmem:$0x12000] =	vst v63  }
0x32: {  	s19 =	sadd.s32 $0x3, s9;
	s20 =	sadd.s32 $0x4, s9;
	v6 =	vmov s25;
	v12 =	vmov s24;
	v11 =	vshrl.u32 v11, $0x3  }
0x33: {  	s21 =	sadd.s32 $0x5, s9;
	s25 =	sadd.s32 $0xA, s9;
	v2 =	vshrl.u32 v2, $0x3;
	v8 =	vmov s19;
	v9 =	vmov s20  }
0x34: {  	v6 =	vshrl.u32 v6, $0x3;
	v10 =	vmov s21;
	v14 =	vmov s25  }
0x35: {  	v12 =	vshrl.u32 v12, $0x3;
	v29 =	vshll.u32 v11, v1;
	v37 =	vadd.s32 v25, v7  }
0x36: {  	s19 =	sadd.s32 $0x9, s9;
	s20 =	sadd.s32 $0xB, s9;
	s21 =	sadd.s32 $0xD, s9;
	v4 =	vshll.u32 v2, v1;
	v2 =	vshrl.u32 v3, $0x3;
	v6 =	vshll.u32 v6, v1  }
0x37: {  	v13 =	vmov s19;
	v15 =	vmov s20;
	v18 =	vmov s21  }
0x38: {  	p0 =	seq.s32 s11, $0x0;
	s14 =	sadd.s32 $0x1, s9;
	s25 =	sadd.s32 $0x18, s8;
	v8 =	vshrl.u32 v8, $0x3;
	v9 =	vshrl.u32 v9, $0x3;
	v10 =	vshrl.u32 v10, $0x3  }
0x39: {  	s0 =	simm.s32 @!p0 $0x3;
	s22 =	sor.u32 $0xC00, s7;
	s24 =	simm.s32 $0x9000;
	v14 =	vshrl.u32 v14, $0x3;
	v21 =	vmov s25;
	v30 =	vshll.u32 v12, v1  }
0x3a: {  	[tilespmem:s24], [sflag:$0x2] =	stream.indirect.gather [hbm4b:s6+s10], $0x20, s22, s10, $0xb8;
	v29 =	vbroadcast v29, $0x0;
	v43 =	vor.u32 $0x2, v37;
	v2 =	vshll.u32 v2, v1;
	[tilespmem:$0x12000] =	vst v63  }
0x3b: {  	s19 =	sadd.s32 $0xC, s9;
	s9 =	sadd.s32 $0xE, s9;
	v3 =	vbroadcast v4, $0x0;
	v4 =	vmov s14;
	v6 =	vbroadcast v6, $0x0;
	_ =	swait.ge @!p0 [sflag:s0], $0x4000  }
0x3c: {  	v17 =	vmov s19;
	v20 =	vmov s9;
	v13 =	vshrl.u32 v13, $0x3;
	[sflag:s0] =	ssyncset.done @!p0 $0x0  }
0x3d: {  	v15 =	vshrl.u32 v15, $0x3;
	v18 =	vshrl.u32 v18, $0x3;
	s14 =	simm.s32 $0x2100;
	v8 =	vshll.u32 v8, v1;
	[sflag:s0] =	ssyncadd.s32 @!p0 $0xFFFFC000  }
0x3e: {  	v4 =	vshrl.u32 v4, $0x3;
	v16 =	vadd.s32 v6, v7;
	v6 =	vadd.s32 v6, v5;
	v22 =	vld [tilespmem:s14+$0xE0]  }
0x3f: {  	v9 =	vshll.u32 v9, v1;
	v35 =	vor.u32 $0x7, v6;
	v6 =	vshll.u32 v4, v1;
	v4 =	vld [tilespmem:s14+$0xFFFFFF00]  }
0x40: {  	v23 =	vshll.u32 v10, v1;
	v14 =	vshll.u32 v14, v1;
	v21 =	vshrl.u32 v21, $0x3;
	v10 =	vld [tilespmem:s14+$0xFFFFFF20]  }
0x41: {  	v17 =	vshrl.u32 v17, $0x3;
	v20 =	vshrl.u32 v20, $0x3;
	v31 =	vshll.u32 v13, v1;
	v11 =	vld [tilespmem:s14+$0xFFFFFF40]  }
0x42: {  	v15 =	vshll.u32 v15, v1;
	v34 =	vshll.u32 v18, v1;
	v26 =	vbroadcast v8, $0x0;
	v13 =	vld [tilespmem:s14+$0xFFFFFF60]  }
0x43: {  	v27 =	vbroadcast v9, $0x0;
	v24 =	vbroadcast v23, $0x0;
	v16 =	vor.u32 $0x7, v16;
	v12 =	vld [tilespmem:s14+$0xFFFFFF80]  }
0x44: {  	v23 =	vbroadcast v30, $0x0;
	v33 =	vshll.u32 v17, v1;
	v30 =	vbroadcast v31, $0x0;
	v17 =	vld [tilespmem:s14+$0xFFFFFFA0]  }
0x45: {  	v8 =	vshll.u32 v21, v1;
	v31 =	vbroadcast v14, $0x0;
	v32 =	vbroadcast v15, $0x0;
	v18 =	vld [tilespmem:s14+$0xFFFFFFC0]  }
0x46: {  	v19 =	vshll.u32 v20, v1;
	v34 =	vbroadcast v34, $0x0;
	v21 =	vbroadcast v8, $0x0;
	v15 =	vld [tilespmem:s14+$0xFFFFFFE0]  }
0x47: {  	v8 =	vadd.s32 v29, v7;
	v38 =	vadd.s32 v26, v7;
	v39 =	vadd.s32 v27, v7;
	v20 =	vld [tilespmem:s14+$0x20]  }
0x48: {  	v33 =	vbroadcast v33, $0x0;
	v40 =	vadd.s32 v24, v7;
	v14 =	vld [tilespmem:s14+$0x80];
	v28 =	vbroadcast v6, $0x0;
	[tilespmem:v16+s23+$0x0] =	vst.idx.msk $0xffff, v22  }
0x49: {  	v48 =	vadd.s32 v23, v7;
	v49 =	vadd.s32 v30, v7;
	v50 =	vadd.s32 v31, v7;
	v36 =	vld [tilespmem:s14+$0xF0]  }
0x4a: {  	v6 =	vld [tilespmem:s14+$0x0];
	v51 =	vadd.s32 v32, v7;
	v46 =	vadd.s32 v34, v7;
	v9 =	vadd.s32 v28, v7  }
0x4b: {  	v41 =	vor.u32 $0x4, v39;
	v39 =	vor.u32 $0x6, v8;
	v8 =	vld [tilespmem:s14+$0xC0];
	v44 =	vor.u32 $0x1, v9  }
0x4c: {  	v42 =	vor.u32 $0x3, v38;
	v40 =	vor.u32 $0x5, v40;
	v9 =	vld [tilespmem:s14+$0xA0];
	v22 =	vbroadcast v19, $0x0  }
0x4d: {  	v38 =	vor.u32 $0x7, v48;
	v45 =	vadd.s32 v33, v7;
	v37 =	vor.u32 $0x1, v49;
	v19 =	vld [tilespmem:s14+$0x40]  }
0x4e: {  	s7 =	simm.s32 $0x0;
	s8 =	simm.s32 $0x10;
	v16 =	vld [tilespmem:s14+$0x60];
	v47 =	vadd.s32 v22, v7;
	[tilespmem:v35+s23+$0x0] =	vst.idx.msk $0xffff, v36;
	v36 =	vor.u32 $0x2, v50;
	v35 =	vor.u32 $0x3, v51  }
.LBB2_3:
0x4f: {  	v45 =	vor.u32 $0x4, v45;
	v46 =	vor.u32 $0x5, v46;
	v47 =	vor.u32 $0x6, v47;
	s9 =	smov.u32 s16;
	s16 =	sadd.s32 $0x10, s16  }
0x50: {  	v48 =	vor.u32 v3, v7;
	v7 =	vadd.s32 v21, v7;
	s0 =	sand.u32 $0x70, s16;
	p0 =	slt.u32 s16, $0x1F0;
	[tilespmem:v44+s23+$0x0] =	vst.idx.msk $0xffff, v10  }
0x51: {  	v28 =	vadd.s32 v28, v5;
	v10 =	vmov s0;
	v44 =	vld [tilespmem:s14+$0xFFFFFF30];
	[tilespmem:v43+s23+$0x0] =	vst.idx.msk $0xffff, v11;
	v11 =	vadd.s32 v25, v5  }
0x52: {  	v25 =	vor.u32 $0x1, v28;
	v28 =	vld [tilespmem:s14+$0xFFFFFF50];
	[tilespmem:v42+s23+$0x0] =	vst.idx.msk $0xffff, v13;
	v13 =	vadd.s32 v26, v5;
	v26 =	vadd.s32 v27, v5  }
0x53: {  	v11 =	vor.u32 $0x2, v11;
	v27 =	vld [tilespmem:s14+$0xFFFFFF70];
	[tilespmem:v41+s23+$0x0] =	vst.idx.msk $0xffff, v12;
	v12 =	vadd.s32 v24, v5;
	v24 =	vadd.s32 v29, v5  }
0x54: {  	v13 =	vor.u32 $0x3, v13;
	v29 =	vld [tilespmem:s14+$0xFFFFFF90];
	[tilespmem:v40+s23+$0x0] =	vst.idx.msk $0xffff, v17;
	v17 =	vadd.s32 v23, v5;
	v23 =	vadd.s32 v30, v5  }
0x55: {  	v26 =	vor.u32 $0x4, v26;
	v30 =	vld [tilespmem:s14+$0xFFFFFFB0];
	[tilespmem:v39+s23+$0x0] =	vst.idx.msk $0xffff, v18;
	v18 =	vadd.s32 v31, v5;
	v31 =	vadd.s32 v32, v5  }
0x56: {  	v12 =	vor.u32 $0x5, v12;
	v32 =	vld [tilespmem:s14+$0xFFFFFFD0];
	[tilespmem:v38+s23+$0x0] =	vst.idx.msk $0xffff, v15;
	v15 =	vadd.s32 v33, v5;
	v33 =	vadd.s32 v34, v5  }
0x57: {  	v17 =	vor.u32 $0x7, v17;
	v34 =	vor.u32 $0x6, v24;
	v38 =	vld [tilespmem:s14+$0xFFFFFFF0];
	[tilespmem:v37+s23+$0x0] =	vst.idx.msk $0xffff, v20;
	v20 =	vadd.s32 v22, v5  }
0x58: {  	s15 =	sadd.s32 $0x10, s15;
	v39 =	vor.u32 $0x1, v23;
	v18 =	vor.u32 $0x2, v18;
	v37 =	vld [tilespmem:s14+$0x30];
	[tilespmem:v36+s23+$0x0] =	vst.idx.msk $0xffff, v19;
	v19 =	vor.u32 $0x3, v31  }
0x59: {  	s0 =	sand.u32 $0xFFFFFF80, s15;
	v24 =	vor.u32 $0x5, v33;
	v23 =	vor.u32 $0x6, v20;
	v31 =	vld [tilespmem:s14+$0x50];
	[tilespmem:v35+s23+$0x0] =	vst.idx.msk $0xffff, v16;
	v16 =	vor.u32 $0x4, v15  }
0x5a: {  	v21 =	vadd.s32 v21, v5;
	v10 =	vshrl.u32 v10, $0x3;
	s4 =	ssub.s32 s8, s0;
	s0 =	ssub.s32 s17, s0;
	s8 =	smov.u32 s16;
	v22 =	vor.u32 v3, v5;
	v15 =	vld [tilespmem:s14+$0x70];
	[tilespmem:v45+s23+$0x0] =	vst.idx.msk $0xffff, v14  }
0x5b: {  	s17 =	sadd.s32 $0x1, s4;
	s19 =	sadd.s32 $0x2, s4;
	s20 =	sadd.s32 $0x1F, s0;
	v3 =	vbroadcast v2, $0x0;
	v2 =	vshll.u32 v10, v1;
	v14 =	vld [tilespmem:s14+$0x90];
	[tilespmem:v46+s23+$0x0] =	vst.idx.msk $0xffff, v9  }
0x5c: {  	s7 =	sadd.s32 $0x1, s7;
	v5 =	vmov s17;
	s17 =	sadd.s32 $0x3, s4;
	v10 =	vmov s20;
	v9 =	vmov s19;
	s19 =	sadd.s32 $0x4, s4;
	[tilespmem:v47+s23+$0x0] =	vst.idx.msk $0xffff, v8  }
0x5d: {  	s20 =	sand.u32 $0x18, s7;
	v10 =	vshrl.u32 v10, $0x3;
	v8 =	vmov s17;
	v20 =	vmov s19;
	s17 =	sadd.s32 $0x5, s4;
	s19 =	sadd.s32 $0x6, s4;
	[tilespmem:v7+s23+$0x0] =	vst.idx.msk $0xffff, v6;
	v33 =	vld [tilespmem:s14+$0xB0]  }
0x5e: {  	s21 =	sadd.s32 $0x9, s4;
	s22 =	sadd.s32 $0xA, s4;
	v6 =	vmov s20;
	v35 =	vmov s17;
	s17 =	sadd.s32 $0x17, s0;
	v7 =	vshll.u32 v10, v1;
	[tilespmem:v48+s23+$0x0] =	vst.idx.msk $0xffff, v4;
	v36 =	vld [tilespmem:s14+$0xD0]  }
0x5f: {  	s24 =	sadd.s32 $0xC, s4;
	s25 =	sadd.s32 $0xD, s4;
	v4 =	vshll.u32 v6, $0x7;
	v6 =	vmov s19;
	s19 =	sadd.s32 $0xB, s4;
	v40 =	vbroadcast v7, $0x0;
	[tilespmem:v25+s23+$0x0] =	vst.idx.msk $0xffff, v44;
	v41 =	vld [tilespmem:s14+$0x10]  }
0x60: {  	v42 =	vmov s21;
	s0 =	sadd.s32 $0x18, s0;
	s4 =	sadd.s32 $0xE, s4;
	v7 =	vor.u32 v0, v4;
	v25 =	vmov s17;
	s17 =	smov.u32 s9;
	v43 =	vld [tilespmem:s14+$0xFFFFFF10];
	[tilespmem:v11+s23+$0x0] =	vst.idx.msk $0xffff, v28  }
0x61: {  	v44 =	vmov s19;
	v28 =	vmov s22;
	v4 =	vadd.s32 v40, v7;
	s14 =	sadd.s32 $0x200, s14;
	[tilespmem:v13+s23+$0x0] =	vst.idx.msk $0xffff, v27  }
0x62: {  	v45 =	vmov s25;
	v27 =	vmov s24;
	v47 =	vor.u32 $0x7, v4;
	v46 =	vld [tilespmem:s14+$0xE0];
	[tilespmem:v26+s23+$0x0] =	vst.idx.msk $0xffff, v29  }
0x63: {  	v9 =	vshrl.u32 v9, $0x3;
	s9 =	sor.u32 $0x40, s20;
	v26 =	vshrl.u32 v5, $0x3;
	v29 =	vmov s4;
	v4 =	vld [tilespmem:s14+$0xFFFFFF00];
	[tilespmem:v12+s23+$0x0] =	vst.idx.msk $0xffff, v30  }
0x64: {  	v8 =	vshrl.u32 v8, $0x3;
	v20 =	vshrl.u32 v20, $0x3;
	v5 =	vmov s9;
	v10 =	vld [tilespmem:s14+$0xFFFFFF20];
	[tilespmem:v34+s23+$0x0] =	vst.idx.msk $0xffff, v32  }
0x65: {  	v6 =	vshrl.u32 v6, $0x3;
	v5 =	vshll.u32 v5, $0x7;
	v30 =	vshrl.u32 v35, $0x3;
	v11 =	vld [tilespmem:s14+$0xFFFFFF40];
	[tilespmem:v17+s23+$0x0] =	vst.idx.msk $0xffff, v38  }
0x66: {  	v25 =	vshrl.u32 v25, $0x3;
	v5 =	vor.u32 v0, v5;
	v32 =	vshrl.u32 v42, $0x3;
	v13 =	vld [tilespmem:s14+$0xFFFFFF60];
	[tilespmem:v39+s23+$0x0] =	vst.idx.msk $0xffff, v37  }
0x67: {  	v28 =	vshrl.u32 v28, $0x3;
	v34 =	vshrl.u32 v44, $0x3;
	v17 =	vadd.s32 v40, v5;
	v12 =	vld [tilespmem:s14+$0xFFFFFF80];
	[tilespmem:v47+s23+$0x0] =	vst.idx.msk $0xffff, v46  }
0x68: {  	v27 =	vshrl.u32 v27, $0x3;
	v35 =	vshrl.u32 v45, $0x3;
	v38 =	vor.u32 $0x7, v17;
	v37 =	vld [tilespmem:s14+$0xF0];
	[tilespmem:v18+s23+$0x0] =	vst.idx.msk $0xffff, v31  }
0x69: {  	v26 =	vshll.u32 v26, v1;
	v29 =	vshrl.u32 v29, $0x3;
	v31 =	vmov s0;
	v17 =	vld [tilespmem:s14+$0xFFFFFFA0];
	[tilespmem:v19+s23+$0x0] =	vst.idx.msk $0xffff, v15  }
0x6a: {  	v9 =	vshll.u32 v9, v1;
	v8 =	vshll.u32 v8, v1;
	v39 =	vshll.u32 v20, v1;
	v18 =	vld [tilespmem:s14+$0xFFFFFFC0]  }
0x6b: {  	v30 =	vshll.u32 v30, v1;
	v42 =	vshll.u32 v25, v1;
	v40 =	vshll.u32 v6, v1;
	v15 =	vld [tilespmem:s14+$0xFFFFFFE0]  }
0x6c: {  	v44 =	vshll.u32 v28, v1;
	v32 =	vshll.u32 v32, v1;
	v34 =	vshll.u32 v34, v1;
	v6 =	vld [tilespmem:s14+$0x0]  }
0x6d: {  	v45 =	vshll.u32 v27, v1;
	v35 =	vshll.u32 v35, v1;
	v31 =	vshrl.u32 v31, $0x3;
	v20 =	vld [tilespmem:s14+$0x20];
	[tilespmem:v38+s23+$0x0] =	vst.idx.msk $0xffff, v37  }
0x6e: {  	v28 =	vbroadcast v26, $0x0;
	v25 =	vbroadcast v9, $0x0;
	v37 =	vshll.u32 v29, v1;
	v19 =	vld [tilespmem:s14+$0x40];
	[tilespmem:v16+s23+$0x0] =	vst.idx.msk $0xffff, v14  }
0x6f: {  	v26 =	vbroadcast v8, $0x0;
	v27 =	vbroadcast v39, $0x0;
	v38 =	vshll.u32 v31, v1;
	v16 =	vld [tilespmem:s14+$0x60];
	[tilespmem:v24+s23+$0x0] =	vst.idx.msk $0xffff, v33  }
0x70: {  	v39 =	vadd.s32 v28, v7;
	v29 =	vbroadcast v40, $0x0;
	v24 =	vbroadcast v30, $0x0;
	v14 =	vld [tilespmem:s14+$0x80];
	[tilespmem:v23+s23+$0x0] =	vst.idx.msk $0xffff, v36  }
0x71: {  	v30 =	vbroadcast v32, $0x0;
	v36 =	vadd.s32 v25, v7;
	v23 =	vbroadcast v42, $0x0;
	v9 =	vld [tilespmem:s14+$0xA0];
	[tilespmem:v21+s23+$0x0] =	vst.idx.msk $0xffff, v41  }
0x72: {  	v40 =	vadd.s32 v26, v7;
	v31 =	vbroadcast v44, $0x0;
	v32 =	vbroadcast v34, $0x0;
	v8 =	vld [tilespmem:s14+$0xC0];
	[tilespmem:v22+s23+$0x0] =	vst.idx.msk $0xffff, v43  }
0x73: {  	v33 =	vbroadcast v45, $0x0;
	v34 =	vbroadcast v35, $0x0;
	v41 =	vadd.s32 v27, v7  }
0x74: {  	v35 =	vadd.s32 v24, v7;
	v21 =	vbroadcast v38, $0x0;
	v22 =	vbroadcast v37, $0x0  }
0x75: {  	v48 =	vadd.s32 v30, v7;
	v37 =	vadd.s32 v29, v7;
	v38 =	vadd.s32 v23, v7  }
.Ltmp0:
0x76: {  	v49 =	vadd.s32 v31, v7;
	v50 =	vadd.s32 v32, v7;
	v45 =	vadd.s32 v33, v7;
	(pc) =	sbr.rel @p0 .LBB2_3-.Ltmp0, $4  }
0x77: {  	v44 =	vor.u32 $0x1, v39;
	v46 =	vadd.s32 v34, v7;
	v47 =	vadd.s32 v22, v7  }
0x78: {  	v42 =	vor.u32 $0x3, v40;
	v43 =	vor.u32 $0x2, v36;
	v41 =	vor.u32 $0x4, v41  }
0x79: {  	v40 =	vor.u32 $0x5, v35;
	v39 =	vor.u32 $0x6, v37;
	v38 =	vor.u32 $0x7, v38  }
0x7a: {  	v36 =	vor.u32 $0x2, v49;
	v35 =	vor.u32 $0x3, v50;
	v37 =	vor.u32 $0x1, v48  }
0x7b: {  	_ =	sdelay $0x3  }
0x7c: {  	[tilespmem:v44+s23+$0x0] =	vst.idx.msk $0xffff, v10  }
0x7d: {  	v48 =	vor.u32 v3, v7;
	[tilespmem:v43+s23+$0x0] =	vst.idx.msk $0xffff, v11  }
0x7e: {  	v28 =	vadd.s32 v28, v5;
	v10 =	vadd.s32 v21, v7;
	[tilespmem:v42+s23+$0x0] =	vst.idx.msk $0xffff, v13  }
0x7f: {  	v7 =	vadd.s32 v25, v5;
	v11 =	vadd.s32 v26, v5;
	[tilespmem:v41+s23+$0x0] =	vst.idx.msk $0xffff, v12  }
0x80: {  	v45 =	vor.u32 $0x4, v45;
	v26 =	vadd.s32 v27, v5;
	v13 =	vadd.s32 v29, v5;
	[tilespmem:v40+s23+$0x0] =	vst.idx.msk $0xffff, v17  }
0x81: {  	v46 =	vor.u32 $0x5, v46;
	v12 =	vadd.s32 v23, v5;
	v23 =	vadd.s32 v30, v5;
	[tilespmem:v39+s23+$0x0] =	vst.idx.msk $0xffff, v18  }
0x82: {  	v47 =	vor.u32 $0x6, v47;
	v17 =	vadd.s32 v31, v5;
	v18 =	vadd.s32 v34, v5;
	[tilespmem:v38+s23+$0x0] =	vst.idx.msk $0xffff, v15  }
0x83: {  	v15 =	vadd.s32 v22, v5;
	[tilespmem:v35+s23+$0x0] =	vst.idx.msk $0xffff, v16;
	v16 =	vadd.s32 v21, v5;
	v25 =	vor.u32 $0x1, v28  }
0x84: {  	v27 =	vor.u32 $0x2, v7;
	v7 =	vadd.s32 v24, v5;
	v11 =	vor.u32 $0x3, v11  }
0x85: {  	s0 =	sadd.s32 $0x10, s15;
	v24 =	vor.u32 $0x4, v26;
	v26 =	vadd.s32 v32, v5;
	v13 =	vor.u32 $0x6, v13  }
0x86: {  	v12 =	vor.u32 $0x7, v12;
	v22 =	vor.u32 $0x1, v23;
	s0 =	sand.u32 $0xFFFFFF80, s0;
	v17 =	vor.u32 $0x2, v17  }
0x87: {  	[tilespmem:v37+s23+$0x0] =	vst.idx.msk $0xffff, v20;
	s7 =	sadd.s32 $0x1, s7;
	v18 =	vor.u32 $0x5, v18;
	v30 =	vld [tilespmem:s14+$0xFFFFFF70];
	v28 =	vor.u32 $0x5, v7;
	v7 =	vadd.s32 v33, v5;
	s4 =	ssub.s32 s8, s0  }
0x88: {  	[tilespmem:v36+s23+$0x0] =	vst.idx.msk $0xffff, v19;
	v15 =	vor.u32 $0x6, v15;
	v49 =	vld [tilespmem:s14+$0xFFFFFF90];
	v20 =	vor.u32 $0x3, v26;
	s8 =	ssub.s32 s17, s0;
	v23 =	vor.u32 $0x4, v7;
	s24 =	sadd.s32 $0x1, s4;
	s9 =	sadd.s32 $0x2, s4  }
0x89: {  	v52 =	vld [tilespmem:s14+$0xFFFFFFD0];
	v7 =	vor.u32 v3, v5;
	s25 =	sadd.s32 $0x1F, s8;
	s16 =	sadd.s32 $0x4, s4;
	s17 =	sadd.s32 $0x5, s4;
	v19 =	vmov s24;
	v21 =	vmov s9;
	[tilespmem:v45+s23+$0x0] =	vst.idx.msk $0xffff, v14  }
0x8a: {  	s15 =	sand.u32 $0x18, s7;
	s9 =	sadd.s32 $0x3, s4;
	v5 =	vmov s25;
	v29 =	vmov s16;
	v31 =	vmov s17;
	[tilespmem:v46+s23+$0x0] =	vst.idx.msk $0xffff, v9  }
0x8b: {  	v26 =	vld [tilespmem:s14+$0xFFFFFF30];
	s21 =	sadd.s32 $0x9, s4;
	s22 =	sadd.s32 $0xA, s4;
	s16 =	sadd.s32 $0xB, s4;
	v14 =	vmov s9;
	v5 =	vshrl.u32 v5, $0x3;
	v9 =	vmov s15;
	[tilespmem:v10+s23+$0x0] =	vst.idx.msk $0xffff, v6  }
0x8c: {  	s25 =	sadd.s32 $0xD, s4;
	[tilespmem:v48+s23+$0x0] =	vst.idx.msk $0xffff, v4;
	v4 =	vmov s21;
	v10 =	vmov s22;
	v51 =	vmov s16  }
0x8d: {  	s19 =	sadd.s32 $0x6, s4;
	[tilespmem:v47+s23+$0x0] =	vst.idx.msk $0xffff, v8;
	v53 =	vmov s25;
	v19 =	vshrl.u32 v19, $0x3;
	v21 =	vshrl.u32 v21, $0x3  }
0x8e: {  	v5 =	vshll.u32 v5, v1;
	v8 =	vshll.u32 v9, $0x7;
	v9 =	vmov s19;
	[tilespmem:v11+s23+$0x0] =	vst.idx.msk $0xffff, v30  }
0x8f: {  	v3 =	vld [tilespmem:s14+$0xFFFFFF50];
	v14 =	vshrl.u32 v14, $0x3;
	[tilespmem:v24+s23+$0x0] =	vst.idx.msk $0xffff, v49;
	v24 =	vshrl.u32 v29, $0x3;
	v6 =	vbroadcast v5, $0x0  }
0x90: {  	v50 =	vld [tilespmem:s14+$0xFFFFFFB0];
	v29 =	vshrl.u32 v31, $0x3;
	[tilespmem:v13+s23+$0x0] =	vst.idx.msk $0xffff, v52;
	v4 =	vshrl.u32 v4, $0x3;
	v5 =	vor.u32 v0, v8  }
0x91: {  	s20 =	sadd.s32 $0x17, s8;
	s19 =	sadd.s32 $0x200, s14;
	v30 =	vld [tilespmem:s14+$0x30];
	v10 =	vshrl.u32 v10, $0x3;
	v13 =	vshrl.u32 v51, $0x3;
	[tilespmem:v25+s23+$0x0] =	vst.idx.msk $0xffff, v26;
	v25 =	vadd.s32 v6, v5  }
0x92: {  	s24 =	sadd.s32 $0xC, s4;
	v21 =	vshll.u32 v21, v1;
	v8 =	vmov s20;
	v11 =	vld [tilespmem:s19+$0xE0];
	v25 =	vor.u32 $0x7, v25  }
0x93: {  	v54 =	vld [tilespmem:s14+$0xFFFFFFF0];
	v26 =	vmov s24;
	s20 =	sor.u32 $0x40, s15;
	v9 =	vshrl.u32 v9, $0x3;
	v14 =	vshll.u32 v14, v1  }
0x94: {  	v31 =	vld [tilespmem:s14+$0x70];
	v24 =	vshll.u32 v24, v1;
	v29 =	vshll.u32 v29, v1;
	[tilespmem:v27+s23+$0x0] =	vst.idx.msk $0xffff, v3;
	v3 =	vmov s20  }
0x95: {  	s17 =	sadd.s32 $0xE, s4;
	[tilespmem:v28+s23+$0x0] =	vst.idx.msk $0xffff, v50;
	v28 =	vld [tilespmem:s14+$0x50];
	v4 =	vshll.u32 v4, v1;
	v10 =	vshll.u32 v10, v1;
	v3 =	vshll.u32 v3, $0x7  }
0x96: {  	v13 =	vshll.u32 v13, v1;
	v27 =	vmov s17;
	v3 =	vor.u32 v0, v3;
	[tilespmem:v22+s23+$0x0] =	vst.idx.msk $0xffff, v30;
	v30 =	vld [tilespmem:s14+$0xB0]  }
0x97: {  	v21 =	vbroadcast v21, $0x0;
	v6 =	vadd.s32 v6, v3;
	[tilespmem:v25+s23+$0x0] =	vst.idx.msk $0xffff, v11;
	v25 =	vshrl.u32 v27, $0x3;
	v27 =	vld [tilespmem:s14+$0x90]  }
0x98: {  	s21 =	sadd.s32 $0x18, s8;
	[tilespmem:v12+s23+$0x0] =	vst.idx.msk $0xffff, v54;
	v8 =	vshrl.u32 v8, $0x3;
	v12 =	vshrl.u32 v26, $0x3;
	v6 =	vor.u32 $0x7, v6;
	v22 =	vld [tilespmem:s19+$0xF0]  }
0x99: {  	v26 =	vshrl.u32 v53, $0x3;
	[tilespmem:v20+s23+$0x0] =	vst.idx.msk $0xffff, v31;
	v11 =	vshll.u32 v19, v1;
	v19 =	vmov s21  }
0x9a: {  	v9 =	vshll.u32 v9, v1;
	v14 =	vbroadcast v14, $0x0;
	[tilespmem:v17+s23+$0x0] =	vst.idx.msk $0xffff, v28;
	v17 =	vshrl.u32 v19, $0x3;
	v19 =	vld [tilespmem:s14+$0x10]  }
0x9b: {  	v55 =	vld [tilespmem:s14+$0xD0];
	v4 =	vbroadcast v4, $0x0;
	v8 =	vshll.u32 v8, v1;
	v11 =	vbroadcast v11, $0x0;
	[tilespmem:v18+s23+$0x0] =	vst.idx.msk $0xffff, v30  }
0x9c: {  	v20 =	vshll.u32 v26, v1;
	v26 =	vld [tilespmem:s14+$0xFFFFFF10];
	[tilespmem:v23+s23+$0x0] =	vst.idx.msk $0xffff, v27;
	v23 =	vbroadcast v24, $0x0;
	v24 =	vadd.s32 v21, v5  }
0x9d: {  	v18 =	vbroadcast v29, $0x0;
	v27 =	vld [tilespmem:s19+$0xFFFFFF40];
	[tilespmem:v6+s23+$0x0] =	vst.idx.msk $0xffff, v22;
	v22 =	vadd.s32 v11, v5;
	v24 =	vor.u32 $0x2, v24  }
0x9e: {  	v28 =	vadd.s32 v14, v5;
	v6 =	vshll.u32 v25, v1;
	v25 =	vld [tilespmem:s19+$0xFFFFFF20];
	v22 =	vor.u32 $0x1, v22  }
0x9f: {  	v9 =	vbroadcast v9, $0x0;
	v28 =	vor.u32 $0x3, v28;
	v29 =	vld [tilespmem:s19+$0xFFFFFF60];
	[tilespmem:v16+s23+$0x0] =	vst.idx.msk $0xffff, v19;
	v16 =	vadd.s32 v18, v5  }
0xa0: {  	v8 =	vbroadcast v8, $0x0;
	[tilespmem:v15+s23+$0x0] =	vst.idx.msk $0xffff, v55;
	v19 =	vld [tilespmem:s19+$0xFFFFFFA0];
	v15 =	vadd.s32 v23, v5;
	v16 =	vor.u32 $0x5, v16  }
0xa1: {  	v10 =	vbroadcast v10, $0x0;
	v30 =	vld [tilespmem:s19+$0xFFFFFF80];
	[tilespmem:v7+s23+$0x0] =	vst.idx.msk $0xffff, v26;
	v7 =	vadd.s32 v9, v5;
	v15 =	vor.u32 $0x4, v15  }
0xa2: {  	v13 =	vbroadcast v13, $0x0;
	v31 =	vadd.s32 v8, v5;
	v26 =	vld [tilespmem:s19+$0xFFFFFFC0];
	v7 =	vor.u32 $0x6, v7;
	[tilespmem:v24+s23+$0x0] =	vst.idx.msk $0xffff, v27  }
0xa3: {  	v12 =	vshll.u32 v12, v1;
	v31 =	vor.u32 $0x7, v31;
	v27 =	vadd.s32 v10, v5;
	[tilespmem:v22+s23+$0x0] =	vst.idx.msk $0xffff, v25;
	v22 =	vld [tilespmem:s19+$0xFFFFFFE0]  }
0xa4: {  	v20 =	vbroadcast v20, $0x0;
	[tilespmem:v28+s23+$0x0] =	vst.idx.msk $0xffff, v29;
	v28 =	vld [tilespmem:s19+$0x40];
	v25 =	vadd.s32 v4, v5;
	v27 =	vor.u32 $0x2, v27  }
0xa5: {  	v12 =	vbroadcast v12, $0x0;
	v29 =	vadd.s32 v13, v5;
	v24 =	vld [tilespmem:s19+$0x20];
	[tilespmem:v16+s23+$0x0] =	vst.idx.msk $0xffff, v19;
	v25 =	vor.u32 $0x1, v25  }
0xa6: {  	v6 =	vbroadcast v6, $0x0;
	v29 =	vor.u32 $0x3, v29;
	v19 =	vadd.s32 v20, v5;
	[tilespmem:v15+s23+$0x0] =	vst.idx.msk $0xffff, v30;
	v15 =	vld [tilespmem:s19+$0x60]  }
0xa7: {  	[tilespmem:v7+s23+$0x0] =	vst.idx.msk $0xffff, v26;
	v7 =	vld [tilespmem:s19+$0xA0];
	v16 =	vshll.u32 v17, v1;
	v30 =	vadd.s32 v12, v5;
	v19 =	vor.u32 $0x5, v19  }
0xa8: {  	v26 =	vadd.s32 v6, v5;
	v17 =	vld [tilespmem:s19+$0x80];
	v16 =	vbroadcast v16, $0x0;
	v30 =	vor.u32 $0x4, v30;
	[tilespmem:v31+s23+$0x0] =	vst.idx.msk $0xffff, v22  }
0xa9: {  	v2 =	vbroadcast v2, $0x0;
	v26 =	vor.u32 $0x6, v26;
	v22 =	vld [tilespmem:s19+$0xC0];
	[tilespmem:v27+s23+$0x0] =	vst.idx.msk $0xffff, v28  }
0xaa: {  	[tilespmem:v25+s23+$0x0] =	vst.idx.msk $0xffff, v24;
	v24 =	vld [tilespmem:s19+$0x0];
	v25 =	vadd.s32 v16, v5  }
0xab: {  	v11 =	vadd.s32 v11, v3;
	v27 =	vld [tilespmem:s19+$0xFFFFFF00];
	v5 =	vor.u32 v2, v5;
	[tilespmem:v29+s23+$0x0] =	vst.idx.msk $0xffff, v15  }
0xac: {  	v14 =	vadd.s32 v14, v3;
	v11 =	vor.u32 $0x1, v11;
	v15 =	vld [tilespmem:s19+$0xFFFFFF30];
	[tilespmem:v19+s23+$0x0] =	vst.idx.msk $0xffff, v7  }
0xad: {  	v14 =	vor.u32 $0x3, v14;
	v18 =	vadd.s32 v18, v3;
	v19 =	vld [tilespmem:s19+$0xFFFFFF70];
	[tilespmem:v30+s23+$0x0] =	vst.idx.msk $0xffff, v17  }
0xae: {  	v21 =	vadd.s32 v21, v3;
	v18 =	vor.u32 $0x5, v18;
	v7 =	vadd.s32 v23, v3;
	v23 =	vld [tilespmem:s19+$0xFFFFFFB0];
	[tilespmem:v26+s23+$0x0] =	vst.idx.msk $0xffff, v22  }
0xaf: {  	v21 =	vor.u32 $0x2, v21;
	v17 =	vld [tilespmem:s19+$0xFFFFFF50];
	[tilespmem:v25+s23+$0x0] =	vst.idx.msk $0xffff, v24  }
0xb0: {  	v9 =	vadd.s32 v9, v3;
	v7 =	vor.u32 $0x4, v7;
	v22 =	vld [tilespmem:s19+$0xFFFFFF90];
	[tilespmem:v5+s23+$0x0] =	vst.idx.msk $0xffff, v27  }
0xb1: {  	v9 =	vor.u32 $0x6, v9;
	v4 =	vadd.s32 v4, v3;
	v5 =	vadd.s32 v8, v3;
	v8 =	vld [tilespmem:s19+$0xFFFFFFD0];
	[tilespmem:v11+s23+$0x0] =	vst.idx.msk $0xffff, v15  }
0xb2: {  	v10 =	vadd.s32 v10, v3;
	v4 =	vor.u32 $0x1, v4;
	v15 =	vld [tilespmem:s19+$0x30];
	[tilespmem:v14+s23+$0x0] =	vst.idx.msk $0xffff, v19  }
0xb3: {  	v10 =	vor.u32 $0x2, v10;
	v14 =	vld [tilespmem:s19+$0x50];
	[tilespmem:v18+s23+$0x0] =	vst.idx.msk $0xffff, v23  }
0xb4: {  	v13 =	vadd.s32 v13, v3;
	v11 =	vld [tilespmem:s19+$0xFFFFFFF0];
	v5 =	vor.u32 $0x7, v5;
	[tilespmem:v21+s23+$0x0] =	vst.idx.msk $0xffff, v17  }
0xb5: {  	[tilespmem:v7+s23+$0x0] =	vst.idx.msk $0xffff, v22;
	v7 =	vadd.s32 v12, v3;
	v12 =	vor.u32 $0x3, v13;
	v13 =	vld [tilespmem:s19+$0x70]  }
0xb6: {  	v18 =	vld [tilespmem:s19+$0x90];
	v17 =	vadd.s32 v20, v3;
	v7 =	vor.u32 $0x4, v7;
	[tilespmem:v9+s23+$0x0] =	vst.idx.msk $0xffff, v8  }
0xb7: {  	v6 =	vadd.s32 v6, v3;
	v8 =	vor.u32 $0x5, v17;
	v9 =	vld [tilespmem:s19+$0xB0];
	[tilespmem:v4+s23+$0x0] =	vst.idx.msk $0xffff, v15  }
0xb8: {  	v2 =	vor.u32 v2, v3;
	v4 =	vadd.s32 v16, v3;
	[tilespmem:v10+s23+$0x0] =	vst.idx.msk $0xffff, v14;
	v3 =	vld [tilespmem:s19+$0xFFFFFF10]  }
0xb9: {  	[tilespmem:v5+s23+$0x0] =	vst.idx.msk $0xffff, v11;
	v5 =	vor.u32 $0x6, v6;
	v6 =	vld [tilespmem:s19+$0xD0]  }
0xba: {  	v11 =	vld [tilespmem:s19+$0x10];
	[tilespmem:v12+s23+$0x0] =	vst.idx.msk $0xffff, v13  }
0xbb: {  	[tilespmem:v7+s23+$0x0] =	vst.idx.msk $0xffff, v18  }
0xbc: {  	[tilespmem:v8+s23+$0x0] =	vst.idx.msk $0xffff, v9  }
0xbd: {  	s22 =	sshll.u32 s11, $0x11;
	[tilespmem:v2+s23+$0x0] =	vst.idx.msk $0xffff, v3  }
0xbe: {  	s0 =	sadd.s32 s2, s22;
	[tilespmem:v5+s23+$0x0] =	vst.idx.msk $0xffff, v6  }
0xbf: {  	s0 =	sadd.s32 s5, s0;
	[tilespmem:v4+s23+$0x0] =	vst.idx.msk $0xffff, v11  }
0xc0: {  	[hbm4b:s0+s3] =	stream.linear.scatter [tilespmem:s23], [sflag:$0x3], $0x1000, $0x38;
	[tilespmem:$0x12000] =	vst v63  }
0xc1: {  	s25 =	simm.s32 $0xB000;
	s24 =	sadd.s32 $0x4000, s0  }
0xc2: {  	[hbm4b:s24+s3] =	stream.linear.scatter [tilespmem:s25], [sflag:$0x3], $0x1000, $0x38;
	[tilespmem:$0x12000] =	vst v63  }
0xc3: {  	s9 =	simm.s32 $0xC000;
	s8 =	sadd.s32 $0x8000, s0  }
0xc4: {  	[hbm4b:s8+s3] =	stream.linear.scatter [tilespmem:s9], [sflag:$0x3], $0x1000, $0x38;
	[tilespmem:$0x12000] =	vst v63  }
0xc5: {  	s0 =	sadd.s32 $0xC000, s0  }
0xc6: {  	[hbm4b:s0+s3] =	stream.linear.scatter [tilespmem:s26], [sflag:$0x3], $0x1000, $0x38;
	[tilespmem:$0x12000] =	vst v63  }
0xc7: {  	p0 =	seq.s32 s11, $0x63;
	s0 =	sadd.s32 $0x2, s13  }
0xc8: {  	s4 =	sand.u32 @!p0 $0x6, s0  }
0xc9: {  	s15 =	simm.s32 $0x0;
	_ =	swait.ge [sflag:s18], $0x4000;
	p1 =	sne.s32 @!p0 s4, $0x0  }
0xca: {  	s16 =	sand.u32 $0xFFFFFF80, s15;
	[sflag:s18] =	ssyncset.done $0x0;
	p1 =	por p1, p0  }
0xcb: {  	s0 =	sshll.u32 @!p0 s0, $0x9;
	[sflag:s18] =	ssyncadd.s32 $0xFFFFC000;
	s7 =	simm.s32 @!p1 $0x1  }
0xcc: {  	s0 =	sand.u32 @!p0 $0x1000, s0;
	s4 =	sshll.u32 @!p0 s4, $0x7;
	_ =	swait.ge @!p1 [sflag:s7], $0x1000  }
0xcd: {  	s14 =	simm.s32 $0x0;
	s0 =	sor.u32 @!p0 s4, s0;
	[sflag:s7] =	ssyncset.done @!p1 $0x0  }
0xce: {  	s4 =	simm.s32 @!p0 $0x80;
	[sflag:s7] =	ssyncadd.s32 @!p1 $0xFFFFF000;
	s7 =	simm.s32 @!p0 $0x2000  }
0xcf: {  	[tilespmem:s7], [sflag:$0x2] =	stream.indirect.gather @!p0 [hbm4b:s6+s4], $0x20, s0, s4, $0xb8;
	[tilespmem:$0x12000] =	vst v63  }
0xd0: {  	s8 =	simm.s32 @!p0 $0x3000;
	s9 =	sand.u32 $0x18, s15;
	s7 =	sor.u32 @!p0 $0x400, s0  }
0xd1: {  	[tilespmem:s8], [sflag:$0x2] =	stream.indirect.gather @!p0 [hbm4b:s6+s4], $0x20, s7, s4, $0xb8;
	[tilespmem:$0x12000] =	vst v63  }
0xd2: {  	s22 =	sor.u32 $0x80, s9;
	s7 =	sor.u32 @!p0 $0x800, s0;
	s8 =	simm.s32 @!p0 $0x4000  }
0xd3: {  	[tilespmem:s8], [sflag:$0x2] =	stream.indirect.gather @!p0 [hbm4b:s6+s4], $0x20, s7, s4, $0xb8;
	[tilespmem:$0x12000] =	vst v63  }
0xd4: {  	s13 =	sand.u32 $0x70, s14;
	s0 =	sor.u32 @!p0 $0xC00, s0;
	s7 =	simm.s32 @!p0 $0x5000  }
0xd5: {  	v5 =	vmov s22;
	v2 =	vmov s13;
	[tilespmem:s7], [sflag:$0x2] =	stream.indirect.gather @!p0 [hbm4b:s6+s4], $0x20, s0, s4, $0xb8;
	[tilespmem:$0x12000] =	vst v63  }
0xd6: {  	v5 =	vshll.u32 v5, $0x7;
	v2 =	vshrl.u32 v2, $0x3;
	s4 =	ssub.s32 $0x0, s16;
	s0 =	ssub.s32 $0xFFFFFFF0, s16  }
0xd7: {  	v5 =	vor.u32 v0, v5;
	v2 =	vshll.u32 v2, v1;
	s17 =	sadd.s32 $0x1, s4;
	s19 =	sadd.s32 $0x1F, s0;
	s20 =	sadd.s32 $0x2, s4  }
0xd8: {  	s21 =	sadd.s32 $0x3, s4;
	s24 =	sadd.s32 $0x4, s4;
	s25 =	sadd.s32 $0x5, s4;
	v3 =	vmov s17;
	v4 =	vmov s19;
	v6 =	vmov s20  }
0xd9: {  	s16 =	sadd.s32 $0x6, s4;
	s22 =	sadd.s32 $0xC, s4;
	v7 =	vmov s21;
	v8 =	vmov s24;
	v9 =	vmov s25  }
0xda: {  	s17 =	sadd.s32 $0x17, s0;
	s19 =	sadd.s32 $0x9, s4;
	s20 =	sadd.s32 $0xA, s4;
	v11 =	vmov s16;
	v16 =	vmov s22;
	v4 =	vshrl.u32 v4, $0x3  }
0xdb: {  	s21 =	sadd.s32 $0xB, s4;
	s24 =	sadd.s32 $0xD, s4;
	v12 =	vmov s17;
	v13 =	vmov s19;
	v14 =	vmov s20  }
0xdc: {  	s4 =	sadd.s32 $0xE, s4;
	v15 =	vmov s21;
	v3 =	vshrl.u32 v3, $0x3;
	v18 =	vmov s24  }
0xdd: {  	v19 =	vmov s4;
	v6 =	vshrl.u32 v6, $0x3;
	v7 =	vshrl.u32 v7, $0x3  }
0xde: {  	v8 =	vshrl.u32 v8, $0x3;
	v9 =	vshrl.u32 v9, $0x3;
	v11 =	vshrl.u32 v11, $0x3  }
0xdf: {  	v16 =	vshrl.u32 v16, $0x3;
	v4 =	vshll.u32 v4, v1;
	v12 =	vshrl.u32 v12, $0x3  }
0xe0: {  	p1 =	seq.s32 @!p0 s11, $0x0;
	v13 =	vshrl.u32 v13, $0x3;
	v14 =	vshrl.u32 v14, $0x3;
	v15 =	vshrl.u32 v15, $0x3  }
0xe1: {  	p0 =	por p0, !p1;
	v18 =	vshrl.u32 v18, $0x3;
	v19 =	vshrl.u32 v19, $0x3;
	v21 =	vshll.u32 v3, v1  }
0xe2: {  	_ =	swait.ge @p0 [sflag:s1], $0x4000;
	v6 =	vshll.u32 v6, v1;
	v22 =	vshll.u32 v7, v1;
	v23 =	vshll.u32 v8, v1  }
0xe3: {  	[sflag:s1] =	ssyncset.done @p0 $0x0;
	v24 =	vshll.u32 v9, v1;
	v11 =	vshll.u32 v11, v1;
	v16 =	vshll.u32 v16, v1  }
0xe4: {  	s13 =	simm.s32 $0x61F0;
	[sflag:s1] =	ssyncadd.s32 @p0 $0xFFFFC000;
	v10 =	vbroadcast v4, $0x0;
	v25 =	vshll.u32 v12, v1;
	v27 =	vshll.u32 v13, v1  }
0xe5: {  	v20 =	vld [tilespmem:s13+$0xFFFFFFF0];
	v14 =	vshll.u32 v14, v1;
	v29 =	vbroadcast v21, $0x0;
	v33 =	vbroadcast v6, $0x0  }
0xe6: {  	v3 =	vld [tilespmem:s13+$0xFFFFFE10];
	v15 =	vshll.u32 v15, v1;
	v30 =	vbroadcast v22, $0x0;
	v32 =	vbroadcast v23, $0x0  }
0xe7: {  	v7 =	vld [tilespmem:s13+$0xFFFFFE30];
	v18 =	vshll.u32 v18, v1;
	v28 =	vbroadcast v24, $0x0;
	v31 =	vbroadcast v11, $0x0  }
0xe8: {  	v8 =	vld [tilespmem:s13+$0xFFFFFE50];
	v19 =	vshll.u32 v19, v1;
	v26 =	vbroadcast v25, $0x0;
	v27 =	vbroadcast v27, $0x0  }
0xe9: {  	v9 =	vld [tilespmem:s13+$0xFFFFFE70];
	v24 =	vbroadcast v14, $0x0;
	v25 =	vbroadcast v15, $0x0;
	v4 =	vadd.s32 v10, v5  }
0xea: {  	v13 =	vld [tilespmem:s13+$0xFFFFFED0];
	v23 =	vbroadcast v18, $0x0;
	v58 =	vadd.s32 v29, v5;
	v17 =	vor.u32 $0x7, v4  }
0xeb: {  	s25 =	sor.u32 $0xC0, s9;
	v6 =	vld [tilespmem:s13+$0xFFFFFF10];
	v59 =	vadd.s32 v33, v5;
	v60 =	vadd.s32 v30, v5;
	v61 =	vadd.s32 v32, v5  }
0xec: {  	v21 =	vld [tilespmem:s13+$0xFFFFFF30];
	v15 =	vadd.s32 v28, v5;
	v62 =	vadd.s32 v31, v5;
	v4 =	vmov s25  }
0xed: {  	v22 =	vld [tilespmem:s13+$0xFFFFFF50];
	v63 =	vadd.s32 v26, v5;
	v49 =	vadd.s32 v27, v5;
	v4 =	vshll.u32 v4, $0x7  }
0xee: {  	v14 =	vld [tilespmem:s13+$0xFFFFFEF0];
	v50 =	vadd.s32 v24, v5;
	v43 =	vadd.s32 v25, v5;
	v4 =	vor.u32 v0, v4  }
0xef: {  	v2 =	vbroadcast v2, $0x0;
	v18 =	vld [tilespmem:s13+$0xFFFFFF70];
	v44 =	vadd.s32 v23, v5;
	v10 =	vadd.s32 v10, v4;
	[tilespmem:v17+s23+$0x0] =	vst.idx.msk $0xffff, v20  }
0xf0: {  	s0 =	sadd.s32 $0x18, s0;
	v46 =	vor.u32 $0x1, v58;
	v42 =	vor.u32 $0x2, v59;
	v56 =	vor.u32 $0x7, v10;
	v57 =	vld [tilespmem:s13+$0x0]  }
0xf1: {  	v41 =	vor.u32 $0x3, v60;
	v38 =	vor.u32 $0x5, v15;
	v15 =	vld [tilespmem:s13+$0xFFFFFFD0];
	v10 =	vmov s0  }
0xf2: {  	v39 =	vor.u32 $0x4, v61;
	v37 =	vor.u32 $0x6, v62;
	v12 =	vshrl.u32 v10, $0x3;
	v10 =	vld [tilespmem:s13+$0xFFFFFE90]  }
0xf3: {  	v36 =	vor.u32 $0x7, v63;
	v20 =	vbroadcast v16, $0x0;
	v16 =	vbroadcast v19, $0x0;
	v19 =	vld [tilespmem:s13+$0xFFFFFF90]  }
0xf4: {  	v35 =	vor.u32 $0x1, v49;
	v34 =	vor.u32 $0x2, v50;
	v17 =	vshll.u32 v12, v1;
	v12 =	vld [tilespmem:s13+$0xFFFFFEB0]  }
0xf5: {  	s7 =	simm.s32 $0x0;
	v11 =	vbroadcast v17, $0x0;
	v45 =	vadd.s32 v20, v5;
	v40 =	vadd.s32 v16, v5;
	v17 =	vld [tilespmem:s13+$0xFFFFFFB0];
	[tilespmem:v56+s23+$0x0] =	vst.idx.msk $0xffff, v57  }
.LBB2_5:
0xf6: {  	v43 =	vor.u32 $0x3, v43;
	v45 =	vor.u32 $0x4, v45;
	v44 =	vor.u32 $0x5, v44;
	s8 =	smov.u32 s14;
	s14 =	sadd.s32 $0x10, s14  }
0xf7: {  	v47 =	vor.u32 v2, v5;
	v5 =	vadd.s32 v11, v5;
	v40 =	vor.u32 $0x6, v40;
	s0 =	sand.u32 $0x70, s14;
	p0 =	slt.u32 s14, $0x1F0  }
0xf8: {  	v48 =	vmov s0;
	[tilespmem:v46+s23+$0x0] =	vst.idx.msk $0xffff, v7;
	v7 =	vadd.s32 v29, v4;
	v29 =	vadd.s32 v33, v4  }
0xf9: {  	v33 =	vld [tilespmem:s13+$0xFFFFFE40];
	v7 =	vor.u32 $0x1, v7;
	[tilespmem:v42+s23+$0x0] =	vst.idx.msk $0xffff, v8;
	v8 =	vadd.s32 v30, v4;
	v30 =	vadd.s32 v32, v4  }
0xfa: {  	v29 =	vor.u32 $0x2, v29;
	v32 =	vld [tilespmem:s13+$0xFFFFFE60];
	[tilespmem:v41+s23+$0x0] =	vst.idx.msk $0xffff, v9;
	v9 =	vadd.s32 v28, v4;
	v28 =	vadd.s32 v31, v4  }
0xfb: {  	v8 =	vor.u32 $0x3, v8;
	v31 =	vld [tilespmem:s13+$0xFFFFFE80];
	[tilespmem:v39+s23+$0x0] =	vst.idx.msk $0xffff, v10;
	v10 =	vadd.s32 v26, v4;
	v26 =	vadd.s32 v27, v4  }
0xfc: {  	v30 =	vor.u32 $0x4, v30;
	v27 =	vld [tilespmem:s13+$0xFFFFFEA0];
	[tilespmem:v38+s23+$0x0] =	vst.idx.msk $0xffff, v12;
	v12 =	vadd.s32 v24, v4;
	v24 =	vadd.s32 v25, v4  }
0xfd: {  	v9 =	vor.u32 $0x5, v9;
	v38 =	vld [tilespmem:s13+$0xFFFFFEC0];
	[tilespmem:v37+s23+$0x0] =	vst.idx.msk $0xffff, v13;
	v13 =	vadd.s32 v20, v4;
	v20 =	vadd.s32 v23, v4  }
0xfe: {  	v28 =	vor.u32 $0x6, v28;
	v10 =	vor.u32 $0x7, v10;
	v37 =	vld [tilespmem:s13+$0xFFFFFEE0];
	[tilespmem:v36+s23+$0x0] =	vst.idx.msk $0xffff, v14;
	v14 =	vadd.s32 v16, v4  }
0xff: {  	s15 =	sadd.s32 $0x10, s15;
	v24 =	vor.u32 $0x3, v24;
	v36 =	vld [tilespmem:s13+$0xFFFFFF00];
	[tilespmem:v35+s23+$0x0] =	vst.idx.msk $0xffff, v21;
	v21 =	vor.u32 $0x1, v26;
	v26 =	vor.u32 $0x2, v12  }
0x100: {  	s0 =	sand.u32 $0xFFFFFF80, s15;
	v25 =	vor.u32 $0x4, v13;
	v23 =	vor.u32 $0x5, v20;
	v20 =	vor.u32 $0x6, v14;
	v12 =	vld [tilespmem:s13+$0xFFFFFF40];
	[tilespmem:v34+s23+$0x0] =	vst.idx.msk $0xffff, v22  }
0x101: {  	v11 =	vadd.s32 v11, v4;
	s4 =	ssub.s32 s14, s0;
	s0 =	ssub.s32 s8, s0;
	v13 =	vshrl.u32 v48, $0x3;
	v16 =	vor.u32 v2, v4;
	v14 =	vld [tilespmem:s13+$0xFFFFFF60];
	[tilespmem:v43+s23+$0x0] =	vst.idx.msk $0xffff, v18  }
0x102: {  	s7 =	sadd.s32 $0x1, s7;
	s8 =	sadd.s32 $0x1, s4;
	s9 =	sadd.s32 $0x1F, s0;
	v2 =	vshll.u32 v13, v1;
	v18 =	vld [tilespmem:s13+$0xFFFFFF80];
	[tilespmem:v45+s23+$0x0] =	vst.idx.msk $0xffff, v19  }
0x103: {  	s16 =	sand.u32 $0x18, s7;
	s17 =	sadd.s32 $0x3, s4;
	v4 =	vmov s8;
	s8 =	sadd.s32 $0x2, s4;
	v13 =	vmov s9;
	v2 =	vbroadcast v2, $0x0;
	v19 =	vld [tilespmem:s13+$0xFFFFFFA0];
	[tilespmem:v44+s23+$0x0] =	vst.idx.msk $0xffff, v17  }
0x104: {  	s9 =	sor.u32 $0x80, s16;
	v22 =	vmov s17;
	s17 =	sadd.s32 $0x5, s4;
	v13 =	vshrl.u32 v13, $0x3;
	v17 =	vmov s8;
	s8 =	sadd.s32 $0x4, s4;
	v34 =	vld [tilespmem:s13+$0xFFFFFFC0];
	[tilespmem:v40+s23+$0x0] =	vst.idx.msk $0xffff, v15  }
0x105: {  	s19 =	sadd.s32 $0x9, s4;
	v13 =	vshll.u32 v13, v1;
	v15 =	vmov s9;
	v35 =	vmov s8;
	s8 =	sadd.s32 $0x6, s4;
	s9 =	sadd.s32 $0x17, s0;
	[tilespmem:v5+s23+$0x0] =	vst.idx.msk $0xffff, v6;
	v39 =	vld [tilespmem:s13+$0xFFFFFFE0]  }
0x106: {  	s20 =	sadd.s32 $0xB, s4;
	s21 =	sadd.s32 $0xC, s4;
	v13 =	vbroadcast v13, $0x0;
	v5 =	vshll.u32 v15, $0x7;
	v6 =	vmov s17;
	s17 =	sadd.s32 $0xA, s4;
	[tilespmem:v47+s23+$0x0] =	vst.idx.msk $0xffff, v3;
	v40 =	vld [tilespmem:s13+$0xFFFFFF20]  }
0x107: {  	s0 =	sadd.s32 $0x18, s0;
	v15 =	vmov s8;
	v41 =	vmov s9;
	s8 =	sadd.s32 $0xD, s4;
	s4 =	sadd.s32 $0xE, s4;
	v5 =	vor.u32 v0, v5;
	v42 =	vld [tilespmem:s13+$0xFFFFFE20];
	[tilespmem:v7+s23+$0x0] =	vst.idx.msk $0xffff, v33  }
0x108: {  	v43 =	vmov s17;
	v33 =	vmov s19;
	v3 =	vadd.s32 v13, v5;
	s13 =	sadd.s32 $0x200, s13;
	[tilespmem:v29+s23+$0x0] =	vst.idx.msk $0xffff, v32  }
0x109: {  	v29 =	vmov s20;
	v32 =	vmov s21;
	v45 =	vor.u32 $0x7, v3;
	v44 =	vld [tilespmem:s13+$0xFFFFFFF0];
	[tilespmem:v8+s23+$0x0] =	vst.idx.msk $0xffff, v31  }
0x10a: {  	s9 =	sor.u32 $0xC0, s16;
	v46 =	vmov s8;
	v47 =	vmov s4;
	v31 =	vshrl.u32 v4, $0x3;
	v3 =	vld [tilespmem:s13+$0xFFFFFE10];
	[tilespmem:v30+s23+$0x0] =	vst.idx.msk $0xffff, v27  }
0x10b: {  	v22 =	vshrl.u32 v22, $0x3;
	v17 =	vshrl.u32 v17, $0x3;
	v4 =	vmov s9;
	v7 =	vld [tilespmem:s13+$0xFFFFFE30];
	[tilespmem:v9+s23+$0x0] =	vst.idx.msk $0xffff, v38  }
0x10c: {  	v6 =	vshrl.u32 v6, $0x3;
	v4 =	vshll.u32 v4, $0x7;
	v27 =	vshrl.u32 v35, $0x3;
	v8 =	vld [tilespmem:s13+$0xFFFFFE50];
	[tilespmem:v28+s23+$0x0] =	vst.idx.msk $0xffff, v37  }
0x10d: {  	v15 =	vshrl.u32 v15, $0x3;
	v4 =	vor.u32 v0, v4;
	v28 =	vshrl.u32 v41, $0x3;
	v9 =	vld [tilespmem:s13+$0xFFFFFE70];
	[tilespmem:v10+s23+$0x0] =	vst.idx.msk $0xffff, v36  }
0x10e: {  	v30 =	vshrl.u32 v33, $0x3;
	v33 =	vshrl.u32 v43, $0x3;
	v13 =	vadd.s32 v13, v4;
	v10 =	vld [tilespmem:s13+$0xFFFFFE90];
	[tilespmem:v45+s23+$0x0] =	vst.idx.msk $0xffff, v44  }
0x10f: {  	v29 =	vshrl.u32 v29, $0x3;
	v32 =	vshrl.u32 v32, $0x3;
	v36 =	vor.u32 $0x7, v13;
	v35 =	vld [tilespmem:s13+$0x0];
	[tilespmem:v21+s23+$0x0] =	vst.idx.msk $0xffff, v12  }
0x110: {  	v38 =	vshrl.u32 v47, $0x3;
	v37 =	vshrl.u32 v46, $0x3;
	v21 =	vmov s0;
	v12 =	vld [tilespmem:s13+$0xFFFFFEB0];
	[tilespmem:v26+s23+$0x0] =	vst.idx.msk $0xffff, v14  }
0x111: {  	v17 =	vshll.u32 v17, v1;
	v26 =	vshll.u32 v31, v1;
	v31 =	vshll.u32 v22, v1;
	v13 =	vld [tilespmem:s13+$0xFFFFFED0]  }
0x112: {  	v15 =	vshll.u32 v15, v1;
	v27 =	vshll.u32 v27, v1;
	v41 =	vshll.u32 v6, v1;
	v14 =	vld [tilespmem:s13+$0xFFFFFEF0]  }
0x113: {  	v43 =	vshll.u32 v28, v1;
	v44 =	vshll.u32 v30, v1;
	v45 =	vshll.u32 v33, v1;
	v6 =	vld [tilespmem:s13+$0xFFFFFF10]  }
0x114: {  	v47 =	vshll.u32 v32, v1;
	v46 =	vshll.u32 v29, v1;
	v28 =	vshrl.u32 v21, $0x3;
	v21 =	vld [tilespmem:s13+$0xFFFFFF30];
	[tilespmem:v36+s23+$0x0] =	vst.idx.msk $0xffff, v35  }
0x115: {  	v29 =	vbroadcast v26, $0x0;
	v35 =	vshll.u32 v37, v1;
	v36 =	vshll.u32 v38, v1;
	v22 =	vld [tilespmem:s13+$0xFFFFFF50];
	[tilespmem:v24+s23+$0x0] =	vst.idx.msk $0xffff, v18  }
0x116: {  	v33 =	vbroadcast v17, $0x0;
	v30 =	vbroadcast v31, $0x0;
	v37 =	vshll.u32 v28, v1;
	v18 =	vld [tilespmem:s13+$0xFFFFFF70];
	[tilespmem:v25+s23+$0x0] =	vst.idx.msk $0xffff, v19  }
0x117: {  	v32 =	vbroadcast v27, $0x0;
	v38 =	vadd.s32 v29, v5;
	v28 =	vbroadcast v41, $0x0;
	v19 =	vld [tilespmem:s13+$0xFFFFFF90];
	[tilespmem:v23+s23+$0x0] =	vst.idx.msk $0xffff, v34  }
0x118: {  	v31 =	vbroadcast v15, $0x0;
	v26 =	vbroadcast v43, $0x0;
	v34 =	vadd.s32 v33, v5;
	v17 =	vld [tilespmem:s13+$0xFFFFFFB0];
	[tilespmem:v20+s23+$0x0] =	vst.idx.msk $0xffff, v39  }
0x119: {  	v27 =	vbroadcast v44, $0x0;
	v24 =	vbroadcast v45, $0x0;
	v39 =	vadd.s32 v30, v5;
	v15 =	vld [tilespmem:s13+$0xFFFFFFD0];
	[tilespmem:v11+s23+$0x0] =	vst.idx.msk $0xffff, v40  }
0x11a: {  	v48 =	vadd.s32 v32, v5;
	v25 =	vbroadcast v46, $0x0;
	v20 =	vbroadcast v47, $0x0;
	[tilespmem:v16+s23+$0x0] =	vst.idx.msk $0xffff, v42  }
0x11b: {  	v23 =	vbroadcast v35, $0x0;
	v47 =	vadd.s32 v28, v5;
	v16 =	vbroadcast v36, $0x0  }
0x11c: {  	v35 =	vadd.s32 v31, v5;
	v11 =	vbroadcast v37, $0x0;
	v36 =	vadd.s32 v26, v5  }
.Ltmp1:
0x11d: {  	v49 =	vadd.s32 v27, v5;
	v50 =	vadd.s32 v24, v5;
	v43 =	vadd.s32 v25, v5;
	(pc) =	sbr.rel @p0 .LBB2_5-.Ltmp1, $4  }
0x11e: {  	v44 =	vadd.s32 v23, v5;
	v45 =	vadd.s32 v20, v5;
	v40 =	vadd.s32 v16, v5  }
0x11f: {  	v46 =	vor.u32 $0x1, v38;
	v41 =	vor.u32 $0x3, v39;
	v42 =	vor.u32 $0x2, v34  }
0x120: {  	v39 =	vor.u32 $0x4, v48;
	v38 =	vor.u32 $0x5, v47;
	v37 =	vor.u32 $0x6, v35  }
0x121: {  	v35 =	vor.u32 $0x1, v49;
	v34 =	vor.u32 $0x2, v50;
	v36 =	vor.u32 $0x7, v36  }
0x122: {  	_ =	sdelay $0x3  }
0x123: {  	[tilespmem:v46+s23+$0x0] =	vst.idx.msk $0xffff, v7  }
0x124: {  	[tilespmem:v42+s23+$0x0] =	vst.idx.msk $0xffff, v8  }
0x125: {  	[tilespmem:v41+s23+$0x0] =	vst.idx.msk $0xffff, v9  }
0x126: {  	[tilespmem:v39+s23+$0x0] =	vst.idx.msk $0xffff, v10  }
0x127: {  	v60 =	vor.u32 $0x3, v43;
	[tilespmem:v38+s23+$0x0] =	vst.idx.msk $0xffff, v12  }
0x128: {  	v61 =	vor.u32 $0x4, v45;
	[tilespmem:v37+s23+$0x0] =	vst.idx.msk $0xffff, v13  }
0x129: {  	v62 =	vor.u32 $0x5, v44;
	[tilespmem:v36+s23+$0x0] =	vst.idx.msk $0xffff, v14  }
0x12a: {  	v63 =	vor.u32 $0x6, v40;
	[tilespmem:v35+s23+$0x0] =	vst.idx.msk $0xffff, v21  }
0x12b: {  	v21 =	vadd.s32 v11, v5;
	[tilespmem:v34+s23+$0x0] =	vst.idx.msk $0xffff, v22  }
0x12c: {  	v34 =	vor.u32 v2, v5;
	v35 =	vadd.s32 v29, v4;
	[tilespmem:v60+s23+$0x0] =	vst.idx.msk $0xffff, v18  }
0x12d: {  	v36 =	vadd.s32 v33, v4;
	v37 =	vld [tilespmem:s13+$0xFFFFFE40];
	v13 =	vor.u32 $0x1, v35;
	[tilespmem:v61+s23+$0x0] =	vst.idx.msk $0xffff, v19  }
0x12e: {  	v38 =	vadd.s32 v30, v4;
	v39 =	vld [tilespmem:s13+$0xFFFFFE60];
	v7 =	vor.u32 $0x2, v36;
	[tilespmem:v62+s23+$0x0] =	vst.idx.msk $0xffff, v17  }
0x12f: {  	v40 =	vadd.s32 v32, v4;
	v41 =	vld [tilespmem:s13+$0xFFFFFE80];
	v8 =	vor.u32 $0x3, v38;
	[tilespmem:v63+s23+$0x0] =	vst.idx.msk $0xffff, v15  }
0x130: {  	v42 =	vadd.s32 v28, v4;
	v43 =	vld [tilespmem:s13+$0xFFFFFEA0];
	v9 =	vor.u32 $0x4, v40;
	[tilespmem:v21+s23+$0x0] =	vst.idx.msk $0xffff, v6  }
0x131: {  	v44 =	vadd.s32 v31, v4;
	v45 =	vld [tilespmem:s13+$0xFFFFFEC0];
	v10 =	vor.u32 $0x5, v42;
	[tilespmem:v34+s23+$0x0] =	vst.idx.msk $0xffff, v3  }
0x132: {  	v46 =	vld [tilespmem:s13+$0xFFFFFEE0];
	v3 =	vadd.s32 v26, v4;
	v6 =	vor.u32 $0x6, v44;
	[tilespmem:v13+s23+$0x0] =	vst.idx.msk $0xffff, v37  }
0x133: {  	v47 =	vadd.s32 v27, v4;
	v48 =	vld [tilespmem:s13+$0xFFFFFF00];
	v3 =	vor.u32 $0x7, v3;
	[tilespmem:v7+s23+$0x0] =	vst.idx.msk $0xffff, v39  }
0x134: {  	v49 =	vadd.s32 v24, v4;
	v50 =	vld [tilespmem:s13+$0xFFFFFF40];
	v13 =	vor.u32 $0x1, v47;
	[tilespmem:v8+s23+$0x0] =	vst.idx.msk $0xffff, v41  }
0x135: {  	v51 =	vadd.s32 v25, v4;
	v52 =	vld [tilespmem:s13+$0xFFFFFF60];
	v7 =	vor.u32 $0x2, v49;
	[tilespmem:v9+s23+$0x0] =	vst.idx.msk $0xffff, v43  }
0x136: {  	v53 =	vadd.s32 v20, v4;
	v8 =	vor.u32 $0x3, v51;
	v54 =	vld [tilespmem:s13+$0xFFFFFF80];
	[tilespmem:v10+s23+$0x0] =	vst.idx.msk $0xffff, v45  }
0x137: {  	v55 =	vadd.s32 v23, v4;
	v9 =	vor.u32 $0x4, v53;
	v56 =	vld [tilespmem:s13+$0xFFFFFFA0];
	[tilespmem:v6+s23+$0x0] =	vst.idx.msk $0xffff, v46  }
0x138: {  	v58 =	vor.u32 $0x5, v55;
	v59 =	vld [tilespmem:s13+$0xFFFFFFC0];
	[tilespmem:v3+s23+$0x0] =	vst.idx.msk $0xffff, v48  }
0x139: {  	v61 =	vadd.s32 v11, v4;
	v62 =	vld [tilespmem:s13+$0xFFFFFF20];
	[tilespmem:v13+s23+$0x0] =	vst.idx.msk $0xffff, v50  }
0x13a: {  	v57 =	vadd.s32 v16, v4;
	v2 =	vor.u32 v2, v4;
	v63 =	vld [tilespmem:s13+$0xFFFFFE20];
	[tilespmem:v7+s23+$0x0] =	vst.idx.msk $0xffff, v52  }
0x13b: {  	v60 =	vld [tilespmem:s13+$0xFFFFFFE0];
	v3 =	vor.u32 $0x6, v57;
	[tilespmem:v8+s23+$0x0] =	vst.idx.msk $0xffff, v54  }
0x13c: {  	[tilespmem:v9+s23+$0x0] =	vst.idx.msk $0xffff, v56  }
0x13d: {  	[tilespmem:v58+s23+$0x0] =	vst.idx.msk $0xffff, v59  }
0x13e: {  	s0 =	sshll.u32 s12, $0x10;
	[tilespmem:v61+s23+$0x0] =	vst.idx.msk $0xffff, v62  }
0x13f: {  	s0 =	sadd.s32 s2, s0;
	[tilespmem:v2+s23+$0x0] =	vst.idx.msk $0xffff, v63  }
0x140: {  	s11 =	sadd.s32 $0x1, s11;
	s0 =	sadd.s32 s5, s0;
	[tilespmem:v3+s23+$0x0] =	vst.idx.msk $0xffff, v60  }
0x141: {  	[hbm4b:s0+s3] =	stream.linear.scatter [tilespmem:s28], [sflag:$0x3], $0x1000, $0x38;
	[tilespmem:$0x12000] =	vst v63  }
0x142: {  	p0 =	sne.s32 s11, $0x64;
	s4 =	sadd.s32 $0x4000, s0  }
0x143: {  	[hbm4b:s4+s3] =	stream.linear.scatter [tilespmem:s29], [sflag:$0x3], $0x1000, $0x38;
	[tilespmem:$0x12000] =	vst v63  }
.Ltmp2:
0x144: {  	_ = 	snop;
	(pc) =	sbr.rel @p0 .LBB2_2-.Ltmp2, $4  }
0x145: {  	s25 =	sadd.s32 $0x8000, s0  }
0x146: {  	[hbm4b:s25+s3] =	stream.linear.scatter [tilespmem:s30], [sflag:$0x3], $0x1000, $0x38;
	[tilespmem:$0x12000] =	vst v63  }
0x147: {  	s0 =	sadd.s32 $0xC000, s0  }
0x148: {  	[hbm4b:s0+s3] =	stream.linear.scatter [tilespmem:s31], [sflag:$0x3], $0x1000, $0x38;
	[tilespmem:$0x12000] =	vst v63  }
0x149: {  	_ =	swait.ge [sflag:s1], $0x4000  }
0x14a: {  	[sflag:s1] =	ssyncset.done $0x0  }
0x14b: {  	[sflag:s1] =	ssyncadd.s32 $0xFFFFC000  }
0x14c: {  	_ =	swait.ge [sflag:s1], $0x4000  }
0x14d: {  	s4 =	rddreg [dreg:$0x6]  }
0x14e: {  	s0 =	rddreg [dreg:$0x5];
	s4 =	sadd.s32 $0x1, s4  }
0x14f: {  	p0 =	sne.s32 s4, s0  }
.Ltmp3:
0x150: {  	_ = 	snop;
	(pc) =	sbr.rel @p0 .LBB2_1-.Ltmp3, $3  }
0x151: {  	_ =	sdelay $0x1  }
0x152: {  	[sflag:s1] =	ssyncset.done $0x0  }
0x153: {  	[sflag:s1] =	ssyncadd.s32 $0xFFFFC000  }
0x154: {  	_ =	sfence.sel $0x180000  }
0x155: {  	[bflag:$0x0] =	sbarrier.arrive $0xFFFF  }
0x156: {  	_ =	strace $0x90000047  }
0x157: {  	s0 =	stileid.u32;
	[bflag:$0x2] =	sbarrier.arrive $0xFFFF  }
0x158: {  	p0 =	sne.s32 s0, $0x0;
	s0 =	rddreg [dreg:$0x3]  }
0x159: {  	s0 =	sadd.s32 @!p0 $0x100000, s0  }
0x15a: {  	[sflag:s0] =	ssyncadd.tile.s32 @!p0 $0x1;
	_ =	shalt  }
.Lfunc_end2:
_tile_overlayer_lowered:
.L_overlay_start_2:
0x15b: {  	(tag) =	ssettag $0x2  }
0x15c: {  	s0 =	rddreg [dreg:$0x0];
	s2 =	stileid.u32  }
0x15d: {  	s1 =	rddreg [dreg:$0x1];
	p0 =	sne.s32 s2, $0x0  }
0x15e: {  	s3 =	rddreg [dreg:$0x2];
	[bflag:$0x3] =	sbarrier.arrive $0xFFFF;
	s2 =	simm.s32 @!p0 $0x1C04  }
0x15f: {  	[timem:s3], [sflag:s2] =	dma.local @!p0 [hbm:s0], s1  }
0x160: {  	s0 =	simm.s32 @!p0 $0x4  }
0x161: {  	_ =	swait.ge @!p0 [sflag:s0], s1  }
0x162: {  	s1 =	ssub.s32 @!p0 $0x0, s1;
	[sflag:s0] =	ssyncset.done @!p0 $0x0  }
0x163: {  	[sflag:s0] =	ssyncadd.s32 @!p0 s1  }
0x164: {  	[bflag:$0x3] =	sbarrier.arrive $0xFFFF  }
0x165: {  	_ =	shalt  }

</sc_bundles>
